<compile_context>
chip_gen: v7x
topology: tpu7x:2x2x1
jax: 0.10.2.dev20260603
libtpu: 0.0.44.dev20260713+nightly
codegen_flags: <defaults>
</compile_context>

<pallas_src>
import functools
import math

import jax
import jax.numpy as jnp
from jax import lax
from jax.experimental import pallas as pl
from jax.experimental.pallas import tpu as pltpu
from jax.experimental.pallas import tpu_sc as plsc

N_PAPER = 6000
N_AUTHOR = 4000
N_TOT = N_PAPER + N_AUTHOR
F = 128
H = 4
DH = 32
E = 320000
NUM_CLASSES = 3

NC = 2
NS = 16
NW = NC * NS
ACC_ROWS = 6016
ROWS_PER_TILE = ACC_ROWS // NS
SCHUNK = 40
SKBUF = 2
SCHUNKS_PER_W = E // (SCHUNK * NW)

_sc_mesh = plsc.VectorSubcoreMesh(core_axis_name="c", subcore_axis_name="s")



def _proj_body(xp_ref, xa_ref, wp_ref, bp_ref, wa_ref, ba_ref, wkr_ref,
               wvr_ref, prw_ref, prc_ref, qp_ref, kv_ref):
    xp = xp_ref[...]
    xa = xa_ref[...]
    wp = wp_ref[...]
    bp = bp_ref[...]
    wa = wa_ref[...]
    ba = ba_ref[...]
    wkr = wkr_ref[...]
    wvr = wvr_ref[...]
    prw = prw_ref[...]
    prc = prc_ref[...]

    scale = 1.0 / math.sqrt(DH)
    qp_ref[...] = (jnp.dot(xp, wp[:, F:2 * F],
                           preferred_element_type=jnp.float32)
                   + bp[:, F:2 * F]) * scale

    def fold(w, b, rel, et, pr):
        cols, bcols = [], []
        for h in range(H):
            r = rel[2 * h + et]
            wh = jnp.dot(w[:, h * DH:(h + 1) * DH], r,
                         preferred_element_type=jnp.float32)
            bh = jnp.dot(b[:, h * DH:(h + 1) * DH], r,
                         preferred_element_type=jnp.float32)
            if pr is not None:
                s = pr[0:1, h:h + 1]
                wh = wh * s
                bh = bh * s
            cols.append(wh)
            bcols.append(bh)
        return jnp.concatenate(cols, axis=1), jnp.concatenate(bcols, axis=1)

    wka, bka = fold(wa[:, :F], ba[:, :F], wkr, 0, prw)
    wkp, bkp = fold(wp[:, :F], bp[:, :F], wkr, 1, prc)
    wva, bva = fold(wa[:, 2 * F:], ba[:, 2 * F:], wvr, 0, None)
    wvp, bvp = fold(wp[:, 2 * F:], bp[:, 2 * F:], wvr, 1, None)

    kv_ref[:N_AUTHOR, :] = jnp.concatenate(
        [jnp.dot(xa, wka, preferred_element_type=jnp.float32) + bka,
         jnp.dot(xa, wva, preferred_element_type=jnp.float32) + bva], axis=1)
    kv_ref[N_AUTHOR:, :] = jnp.concatenate(
        [jnp.dot(xp, wkp, preferred_element_type=jnp.float32) + bkp,
         jnp.dot(xp, wvp, preferred_element_type=jnp.float32) + bvp], axis=1)


_proj = pl.pallas_call(
    _proj_body,
    out_shape=[
        jax.ShapeDtypeStruct((N_PAPER, F), jnp.float32),
        jax.ShapeDtypeStruct((N_TOT, 2 * F), jnp.float32),
    ],
)


GW = 80


def _sc_gather(table, idx2d, width):
    @functools.partial(pl.kernel,
                       out_type=jax.ShapeDtypeStruct((E, width), jnp.float32),
                       mesh=_sc_mesh)
    def body(table_hbm, idx_hbm, out_hbm):
        def step(i_vmem, o_vmem):
            pltpu.sync_copy(table_hbm.at[i_vmem.at[0]], o_vmem)

        pltpu.emit_pipeline(
            step,
            grid=(E // GW,),
            in_specs=[pl.BlockSpec((1, GW), lambda i: (i, 0))],
            out_specs=[pl.BlockSpec((GW, width), lambda i: (i, 0))],
            core_axis_name=("c", "s"),
            dimension_semantics=(pltpu.PARALLEL,),
        )(idx_hbm, out_hbm)

    return body(table, idx2d)


_BC = 4000


def _edge_body(qi_ref, kvj_ref, m_ref, mt_ref, msg_ref, exb_ref):
    p = qi_ref[...] * kvj_ref[:, :F]
    ex = jnp.exp(jnp.dot(p, m_ref[...], preferred_element_type=jnp.float32))
    exb = jnp.dot(ex, mt_ref[...], preferred_element_type=jnp.float32)
    msg_ref[...] = exb * kvj_ref[:, F:]
    exb_ref[...] = exb


_edge = pl.pallas_call(
    _edge_body,
    grid=(E // _BC,),
    in_specs=[
        pl.BlockSpec((_BC, F), lambda i: (i, 0)),
        pl.BlockSpec((_BC, 2 * F), lambda i: (i, 0)),
        pl.BlockSpec((F, H), lambda i: (0, 0)),
        pl.BlockSpec((H, F), lambda i: (0, 0)),
    ],
    out_specs=[
        pl.BlockSpec((_BC, F), lambda i: (i, 0)),
        pl.BlockSpec((_BC, F), lambda i: (i, 0)),
    ],
    out_shape=[
        jax.ShapeDtypeStruct((E, F), jnp.float32),
        jax.ShapeDtypeStruct((E, F), jnp.float32),
    ],
)


def _sc_scatter(msg, exb, dst, zrows):
    scratch = ([pltpu.VMEM((SCHUNK,), jnp.int32)] * SKBUF
               + [pltpu.VMEM((SCHUNK, F), jnp.float32)] * SKBUF
               + [pltpu.VMEM((SCHUNK, F), jnp.float32)] * SKBUF
               + [pltpu.VMEM_SHARED((ACC_ROWS, F), jnp.float32)]
               + [pltpu.VMEM_SHARED((ACC_ROWS, F), jnp.float32)]
               + [pltpu.SemaphoreType.DMA] * (3 * SKBUF))

    @functools.partial(
        pl.kernel,
        out_type=[
            jax.ShapeDtypeStruct((NC, ACC_ROWS, F), jnp.float32),
            jax.ShapeDtypeStruct((NC, ACC_ROWS, F), jnp.float32),
        ],
        mesh=_sc_mesh,
        scratch_types=scratch)
    def body(msg_hbm, exb_hbm, idx_hbm, z_hbm, out_hbm, outs_hbm, *s):
        idx_b = s[0:SKBUF]
        row_b = s[SKBUF:2 * SKBUF]
        exr_b = s[2 * SKBUF:3 * SKBUF]
        acc = s[3 * SKBUF]
        acc_s = s[3 * SKBUF + 1]
        sem_i = s[3 * SKBUF + 2:4 * SKBUF + 2]
        sem_m = s[4 * SKBUF + 2:5 * SKBUF + 2]
        sem_e = s[5 * SKBUF + 2:6 * SKBUF + 2]
        sid = lax.axis_index("s")
        cid = lax.axis_index("c")
        wid = sid * NC + cid
        base = wid * SCHUNKS_PER_W

        pltpu.sync_copy(z_hbm,
                        acc.at[pl.ds(sid * ROWS_PER_TILE, ROWS_PER_TILE)])
        pltpu.sync_copy(z_hbm,
                        acc_s.at[pl.ds(sid * ROWS_PER_TILE, ROWS_PER_TILE)])
        plsc.subcore_barrier()

        def loads_start(b, g):
            pltpu.async_copy(idx_hbm.at[pl.ds((base + g) * SCHUNK, SCHUNK)],
                             idx_b[b], sem_i[b])
            pltpu.async_copy(msg_hbm.at[pl.ds((base + g) * SCHUNK, SCHUNK)],
                             row_b[b], sem_m[b])
            pltpu.async_copy(exb_hbm.at[pl.ds((base + g) * SCHUNK, SCHUNK)],
                             exr_b[b], sem_e[b])

        def loads_wait(b):
            pltpu.make_async_copy(idx_hbm.at[pl.ds(0, SCHUNK)], idx_b[b],
                                  sem_i[b]).wait()
            pltpu.make_async_copy(msg_hbm.at[pl.ds(0, SCHUNK)], row_b[b],
                                  sem_m[b]).wait()
            pltpu.make_async_copy(exb_hbm.at[pl.ds(0, SCHUNK)], exr_b[b],
                                  sem_e[b]).wait()

        for b in range(SKBUF):
            loads_start(b, b)

        @pl.loop(0, SCHUNKS_PER_W, step=SKBUF)
        def _(g0):
            for b in range(SKBUF):
                loads_wait(b)
                pltpu.sync_copy(row_b[b], acc.at[idx_b[b]], add=True)
                pltpu.sync_copy(exr_b[b], acc_s.at[idx_b[b]], add=True)

                @pl.when(g0 + SKBUF < SCHUNKS_PER_W)
                def _():
                    loads_start(b, g0 + b + SKBUF)

        plsc.subcore_barrier()
        pltpu.sync_copy(acc.at[pl.ds(sid * ROWS_PER_TILE, ROWS_PER_TILE)],
                        out_hbm.at[cid, pl.ds(sid * ROWS_PER_TILE,
                                              ROWS_PER_TILE)])
        pltpu.sync_copy(acc_s.at[pl.ds(sid * ROWS_PER_TILE, ROWS_PER_TILE)],
                        outs_hbm.at[cid, pl.ds(sid * ROWS_PER_TILE,
                                               ROWS_PER_TILE)])

    return body(msg, exb, dst, zrows)


def _final_body(acc_ref, s_ref, xp_ref, wout_ref, bout_ref, skip_ref,
                wcls_ref, bcls_ref, out_ref):
    num = acc_ref[0, :N_PAPER, :] + acc_ref[1, :N_PAPER, :]
    den = s_ref[0, :N_PAPER, :] + s_ref[1, :N_PAPER, :]
    agg = num / (den + 1e-16)
    gel = 0.5 * agg * (1.0 + lax.erf(agg * (1.0 / math.sqrt(2.0))))
    hh = jnp.dot(gel, wout_ref[...],
                 preferred_element_type=jnp.float32) + bout_ref[...]
    al = jax.nn.sigmoid(skip_ref[...])
    o2 = al * hh + (1.0 - al) * xp_ref[...]
    out_ref[...] = jnp.dot(o2, wcls_ref[...],
                           preferred_element_type=jnp.float32) + bcls_ref[...]


_final = pl.pallas_call(
    _final_body,
    out_shape=jax.ShapeDtypeStruct((N_PAPER, NUM_CLASSES), jnp.float32),
)


def kernel(x_paper, x_author, edge_index_writes, edge_index_cites,
           W_kqv_paper, b_kqv_paper, W_kqv_author, b_kqv_author, W_k_rel,
           W_v_rel, W_out_paper, b_out_paper, skip_paper, p_rel_writes,
           p_rel_cites, W_cls, b_cls):
    src = jnp.concatenate([edge_index_writes[0],
                           edge_index_cites[0] + N_AUTHOR])
    dst = jnp.concatenate([edge_index_writes[1], edge_index_cites[1]])

    qp, kv = _proj(x_paper, x_author, W_kqv_paper,
                   b_kqv_paper.reshape(1, -1), W_kqv_author,
                   b_kqv_author.reshape(1, -1), W_k_rel, W_v_rel,
                   p_rel_writes, p_rel_cites)

    dst_g = dst.reshape(E // GW, GW)
    src_g = src.reshape(E // GW, GW)
    qi = _sc_gather(qp, dst_g, F)
    kvj = _sc_gather(kv, src_g, 2 * F)

    m = (jnp.arange(F)[:, None] // DH ==
         jnp.arange(H)[None, :]).astype(jnp.float32)
    msg, exb = _edge(qi, kvj, m, m.T)

    acc, acc_s = _sc_scatter(msg, exb, dst,
                             jnp.zeros((ROWS_PER_TILE, F), jnp.float32))

    return _final(acc, acc_s, x_paper, W_out_paper,
                  b_out_paper.reshape(1, -1),
                  jnp.broadcast_to(skip_paper.reshape(1, 1), (1, F)),
                  W_cls, b_cls.reshape(1, -1))

# --- scband reference (transcript-rebuilt; emitter-appended) ---
"""Pipeline reference for scband-hgt-49065706389937 (READ-ONLY COPY).

The authoritative reference and input builder live on the scoring server;
editing this copy changes nothing except your own understanding.
"""

import jax, jax.numpy as jnp
import numpy as np
import math

N_PAPER = 6000; N_AUTHOR = 4000; D_IN = 128; F = 128; H = 4; DH = 32
E_W = 160000; E_C = 160000; NUM_CLASSES = 3; NUM_ET = 2

def setup_inputs(seed: int = 0) -> dict:
    key = jax.random.key(seed)
    ks = jax.random.split(key, 16)
    inp = {}
    inp["x_paper"] = jax.random.normal(ks[0], (N_PAPER, D_IN), jnp.float32)
    inp["x_author"] = jax.random.normal(ks[1], (N_AUTHOR, D_IN), jnp.float32)
    inp["edge_index_writes"] = jax.random.randint(ks[2], (2, E_W), 0, N_AUTHOR, jnp.int32)
    inp["edge_index_cites"] = jax.random.randint(ks[3], (2, E_C), 0, N_PAPER, jnp.int32)
    inp["W_kqv_paper"] = jax.random.normal(ks[4], (D_IN, 3 * F), jnp.float32) / math.sqrt(D_IN)
    inp["b_kqv_paper"] = jnp.zeros((3 * F,), jnp.float32)
    inp["W_kqv_author"] = jax.random.normal(ks[5], (D_IN, 3 * F), jnp.float32) / math.sqrt(D_IN)
    inp["b_kqv_author"] = jnp.zeros((3 * F,), jnp.float32)
    inp["W_k_rel"] = jax.random.normal(ks[6], (H * NUM_ET, DH, DH), jnp.float32) / math.sqrt(DH)
    inp["W_v_rel"] = jax.random.normal(ks[7], (H * NUM_ET, DH, DH), jnp.float32) / math.sqrt(DH)
    inp["W_out_paper"] = jax.random.normal(ks[8], (F, F), jnp.float32) / math.sqrt(F)
    inp["b_out_paper"] = jnp.zeros((F,), jnp.float32)
    inp["skip_paper"] = jnp.ones((), jnp.float32)
    inp["p_rel_writes"] = jnp.ones((1, H), jnp.float32)
    inp["p_rel_cites"] = jnp.ones((1, H), jnp.float32)
    inp["W_cls"] = jax.random.normal(ks[9], (F, NUM_CLASSES), jnp.float32) / math.sqrt(F)
    inp["b_cls"] = jnp.zeros((NUM_CLASSES,), jnp.float32)
    return inp

def _forward(x_paper, x_author, W_kqv_paper, b_kqv_paper, W_kqv_author, b_kqv_author,
             W_k_rel, W_v_rel, W_out_paper, b_out_paper, skip_paper, p_rel_writes,
             p_rel_cites, W_cls, b_cls, edge_index_writes, edge_index_cites):
    # HeteroDictLinear kqv projection per node type, split into k/q/v heads
    kqv_p = x_paper @ W_kqv_paper + b_kqv_paper
    kqv_a = x_author @ W_kqv_author + b_kqv_author
    k_p, q_p, v_p = [t.reshape(-1, H, DH) for t in jnp.split(kqv_p, 3, axis=1)]
    k_a, q_a, v_a = [t.reshape(-1, H, DH) for t in jnp.split(kqv_a, 3, axis=1)]
    # _cat over q_dict (dict order: paper then author); dst_offset: paper=0, author=N_PAPER
    q = jnp.concatenate([q_p, q_a], axis=0)
    # _construct_src_node_feat, edge-type order: writes (src=author, et=0), cites (src=paper, et=1)
    tv_w = jnp.broadcast_to(jnp.arange(H)[:, None] * NUM_ET + 0, (H, N_AUTHOR))
    tv_c = jnp.broadcast_to(jnp.arange(H)[:, None] * NUM_ET + 1, (H, N_PAPER))
    type_vec = jnp.concatenate([tv_w, tv_c], axis=1).reshape(-1)
    ks_cat = jnp.transpose(jnp.concatenate([k_a, k_p], axis=0), (1, 0, 2)).reshape(-1, DH)
    vs_cat = jnp.transpose(jnp.concatenate([v_a, v_p], axis=0), (1, 0, 2)).reshape(-1, DH)
    k = jnp.transpose(jnp.einsum("nd,ndo->no", ks_cat, W_k_rel[type_vec]).reshape(H, -1, DH), (1, 0, 2))
    v = jnp.transpose(jnp.einsum("nd,ndo->no", vs_cat, W_v_rel[type_vec]).reshape(H, -1, DH), (1, 0, 2))
    # construct_bipartite_edge_index: src offsets writes=0, cites=N_AUTHOR; dst offset paper=0
    src = jnp.concatenate([edge_index_writes[0], edge_index_cites[0] + N_AUTHOR])
    dst = jnp.concatenate([edge_index_writes[1], edge_index_cites[1]])
    edge_attr = jnp.concatenate([jnp.broadcast_to(p_rel_writes, (E_W, H)),
                                 jnp.broadcast_to(p_rel_cites, (E_C, H))], axis=0)
    n_tot = N_PAPER + N_AUTHOR
    # message + segment softmax over dst + scatter-add aggregation
    q_i = q[dst]; k_j = k[src]; v_j = v[src]
    alpha = (q_i * k_j).sum(-1) * edge_attr / math.sqrt(DH)
    m = jax.ops.segment_max(alpha, dst, num_segments=n_tot)
    m = jnp.where(jnp.isfinite(m), m, 0.0)
    ex = jnp.exp(alpha - m[dst])
    s = jax.ops.segment_sum(ex, dst, num_segments=n_tot)
    a = ex / (s[dst] + 1e-16)
    msg = (v_j * a[..., None]).reshape(-1, F)
    out = jax.ops.segment_sum(msg, dst, num_segments=n_tot)
    # only 'paper' is a dst node type
    out_p = out[:N_PAPER]
    h = jax.nn.gelu(out_p, approximate=False) @ W_out_paper + b_out_paper
    al = jax.nn.sigmoid(skip_paper)
    out_p = al * h + (1.0 - al) * x_paper
    return out_p @ W_cls + b_cls

def reference(x_paper, x_author, edge_index_writes, edge_index_cites, W_kqv_paper, b_kqv_paper, W_kqv_author, b_kqv_author, W_k_rel, W_v_rel, W_out_paper, b_out_paper, skip_paper, p_rel_writes, p_rel_cites, W_cls, b_cls):
    return _forward(x_paper, x_author, W_kqv_paper, b_kqv_paper, W_kqv_author, b_kqv_author,
                    W_k_rel, W_v_rel, W_out_paper, b_out_paper, skip_paper, p_rel_writes,
                    p_rel_cites, W_cls, b_cls, edge_index_writes, edge_index_cites)

if __name__ == "__main__":
    import jax
    _d = setup_inputs()
    print(jax.jit(kernel)(*tuple(_d.values())))

</pallas_src>

<mosaic_0001>
#map = affine_map<(d0, d1) -> (0, 0)>
module attributes {stable_mosaic.version = 14 : i64} {
  func.func @body(%arg0: i32, %arg1: i32, %arg2: memref<10000x256xf32, #tpu.memory_space<hbm>>, %arg3: memref<4000x80xi32, #tpu.memory_space<hbm>>, %arg4: memref<320000x256xf32, #tpu.memory_space<hbm>>) attributes {dimension_semantics = [#tpu.dimension_semantics<core_parallel>, #tpu.dimension_semantics<subcore_parallel>], iteration_bounds = array<i64: 2, 16>, scalar_prefetch = 0 : i64, scratch_operands = 0 : i64, tpu.core_type = #tpu.core_type<sc_vector_subcore>, window_params = [{transform_indices = #map}, {transform_indices = #map}, {transform_indices = #map}]} {
    %mul3A = arith.constant 1 : i32
    %mul3A_0 = arith.muli %arg1, %mul3A : i32
    %add3A = arith.constant 0 : i32
    %add3A_1 = arith.addi %add3A, %mul3A_0 : i32
    %mul3A_2 = arith.constant 16 : i32
    %mul3A_3 = arith.muli %arg0, %mul3A_2 : i32
    %add3A_4 = arith.addi %add3A_1, %mul3A_3 : i32
    %mul3A_5 = arith.constant 125 : i32
    %mul3A_6 = arith.muli %add3A_4, %mul3A_5 : i32
    "tpu.region"() ({
      %run_scoped3A = memref.alloca() : memref<2x1x80xi32, #tpu.memory_space<vmem>>
      %run_scoped3A_7 = tpu.sem_alloc : memref<2x!tpu.dma_semaphore, #tpu.memory_space<semaphore_mem>>
      %run_scoped3A_8 = memref.alloca() : memref<2x80x256xf32, #tpu.memory_space<vmem>>
      %run_scoped3A_9 = tpu.sem_alloc : memref<2x!tpu.dma_semaphore, #tpu.memory_space<semaphore_mem>>
      %add3A_10 = arith.constant 0 : i32
      %add3A_11 = arith.addi %add3A_10, %mul3A_6 : i32
      %select_n3A = arith.constant true
      %select_n3A_12 = arith.constant 0 : i32
      %select_n3A_13 = arith.constant -1 : i32
      %select_n3A_14 = arith.select %select_n3A, %select_n3A_13, %select_n3A_12 : i32
      %eq3A = arith.constant -1 : i32
      %eq3A_15 = arith.cmpi eq, %select_n3A_14, %eq3A : i32
      %select_n3A_16 = arith.constant 124 : i32
      %select_n3A_17 = arith.select %eq3A_15, %select_n3A_16, %select_n3A_14 : i32
      %add3A_18 = arith.addi %select_n3A_17, %mul3A_6 : i32
      %select_n3A_19 = arith.constant true
      %select_n3A_20 = arith.constant 0 : i32
      %select_n3A_21 = arith.constant 1 : i32
      %select_n3A_22 = arith.select %select_n3A_19, %select_n3A_21, %select_n3A_20 : i32
      %eq3A_23 = arith.constant 125 : i32
      %eq3A_24 = arith.cmpi eq, %select_n3A_22, %eq3A_23 : i32
      %select_n3A_25 = arith.constant 0 : i32
      %select_n3A_26 = arith.select %eq3A_24, %select_n3A_25, %select_n3A_22 : i32
      %add3A_27 = arith.addi %select_n3A_26, %mul3A_6 : i32
      %add3A_28 = arith.constant 1 : i32
      %add3A_29 = arith.addi %select_n3A_26, %add3A_28 : i32
      %select_n3A_30 = arith.constant true
      %select_n3A_31 = arith.select %select_n3A_30, %add3A_29, %select_n3A_26 : i32
      %eq3A_32 = arith.constant 125 : i32
      %eq3A_33 = arith.cmpi eq, %select_n3A_31, %eq3A_32 : i32
      %select_n3A_34 = arith.constant 0 : i32
      %select_n3A_35 = arith.select %eq3A_33, %select_n3A_34, %select_n3A_31 : i32
      %add3A_36 = arith.addi %select_n3A_35, %mul3A_6 : i32
      "tpu.trace_start"() <{level = 10 : i32, message = "ep_initialize_0"}> : () -> ()
      %rem3A = arith.constant 0 : i32
      %rem3A_37 = arith.constant 2 : i32
      %rem3A_38 = arith.remui %rem3A, %rem3A_37 : i32
      %mul3A_39 = arith.constant 1 : i32
      %mul3A_40 = arith.muli %mul3A_39, %add3A_11 : i32
      %dma_start3A = arith.constant 0 : i32
      %dma_start3A_41 = arith.constant 0 : i32
      %dma_start3A_42 = tpu.memref_slice %run_scoped3A[%rem3A_38, %dma_start3A, %dma_start3A_41] : memref<2x1x80xi32, #tpu.memory_space<vmem>> -> memref<1x1x80xi32, #tpu.memory_space<vmem>>
      %dma_start3A_43 = tpu.memref_squeeze %dma_start3A_42 : memref<1x1x80xi32, #tpu.memory_space<vmem>> -> memref<1x80xi32, #tpu.memory_space<vmem>>
      %dma_start3A_44 = arith.constant 0 : i32
      %dma_start3A_45 = tpu.memref_slice %arg3[%mul3A_40, %dma_start3A_44] : memref<4000x80xi32, #tpu.memory_space<hbm>> -> memref<1x80xi32, #tpu.memory_space<hbm>>
      %dma_start3A_46 = tpu.memref_slice %run_scoped3A_7[%rem3A_38] : memref<2x!tpu.dma_semaphore, #tpu.memory_space<semaphore_mem>> -> memref<1x!tpu.dma_semaphore, #tpu.memory_space<semaphore_mem>>
      %dma_start3A_47 = tpu.memref_squeeze %dma_start3A_46 : memref<1x!tpu.dma_semaphore, #tpu.memory_space<semaphore_mem>> -> memref<!tpu.dma_semaphore, #tpu.memory_space<semaphore_mem>>
      %dma_start3A_48 = arith.constant 0 : i32
      %dma_start3A_49 = arith.constant 0 : i32
      %dma_start3A_50 = tpu.memref_slice %run_scoped3A[%rem3A_38, %dma_start3A_48, %dma_start3A_49] : memref<2x1x80xi32, #tpu.memory_space<vmem>> -> memref<1x1x80xi32, #tpu.memory_space<vmem>>
      %dma_start3A_51 = tpu.memref_squeeze %dma_start3A_50 : memref<1x1x80xi32, #tpu.memory_space<vmem>> -> memref<1x80xi32, #tpu.memory_space<vmem>>
      %dma_start3A_52 = arith.constant 0 : i32
      %dma_start3A_53 = tpu.memref_slice %arg3[%mul3A_40, %dma_start3A_52] : memref<4000x80xi32, #tpu.memory_space<hbm>> -> memref<1x80xi32, #tpu.memory_space<hbm>>
      tpu.enqueue_dma source(%dma_start3A_53 : memref<1x80xi32, #tpu.memory_space<hbm>>) target(%dma_start3A_51 : memref<1x80xi32, #tpu.memory_space<vmem>>) target_semaphore(%dma_start3A_47 : memref<!tpu.dma_semaphore, #tpu.memory_space<semaphore_mem>>)
      %add3A_54 = arith.constant 0 : i32
      %add3A_55 = arith.constant 1 : i32
      %add3A_56 = arith.addi %add3A_54, %add3A_55 : i32
      %select_n3A_57 = arith.constant true
      %select_n3A_58 = arith.constant 0 : i32
      %select_n3A_59 = arith.select %select_n3A_57, %add3A_56, %select_n3A_58 : i32
      "tpu.trace_stop"() : () -> ()
      %scan3A = arith.constant 0 : i32
      %scan3A_60 = arith.constant 0 : i32
      %scan3A_61 = arith.constant 0 : i32
      %scan3A_62 = arith.constant 0 : i32
      %scan3A_63 = arith.constant 0 : i32
      %scan3A_64 = arith.constant 125 : i32
      %scan3A_65 = arith.addi %scan3A_63, %scan3A_64 : i32
      %scan3A_66 = arith.constant 1 : i32
      %scan3A_67:5 = scf.for %scan3A_121 = %scan3A_63 to %scan3A_65 step %scan3A_66 iter_args(%scan3A_122 = %select_n3A_59, %scan3A_123 = %scan3A, %scan3A_124 = %scan3A_60, %scan3A_125 = %scan3A_61, %scan3A_126 = %scan3A_62) -> (i32, i32, i32, i32, i32)  : i32 {
        %eq3A_127 = arith.constant 0 : i32
        %eq3A_128 = arith.cmpi eq, %scan3A_121, %eq3A_127 : i32
        %eq3A_129 = arith.constant 124 : i32
        %eq3A_130 = arith.cmpi eq, %scan3A_121, %eq3A_129 : i32
        %add3A_131 = arith.addi %scan3A_126, %mul3A_6 : i32
        %sub3A_132 = arith.constant 1 : i32
        %sub3A_133 = arith.subi %scan3A_126, %sub3A_132 : i32
        %select_n3A_134 = arith.constant true
        %select_n3A_135 = arith.select %select_n3A_134, %sub3A_133, %scan3A_126 : i32
        %eq3A_136 = arith.constant -1 : i32
        %eq3A_137 = arith.cmpi eq, %select_n3A_135, %eq3A_136 : i32
        %select_n3A_138 = arith.constant 124 : i32
        %select_n3A_139 = arith.select %eq3A_137, %select_n3A_138, %select_n3A_135 : i32
        %add3A_140 = arith.addi %select_n3A_139, %mul3A_6 : i32
        %add3A_141 = arith.constant 1 : i32
        %add3A_142 = arith.addi %scan3A_126, %add3A_141 : i32
        %select_n3A_143 = arith.constant true
        %select_n3A_144 = arith.select %select_n3A_143, %add3A_142, %scan3A_126 : i32
        %eq3A_145 = arith.constant 125 : i32
        %eq3A_146 = arith.cmpi eq, %select_n3A_144, %eq3A_145 : i32
        %select_n3A_147 = arith.constant 0 : i32
        %select_n3A_148 = arith.select %eq3A_146, %select_n3A_147, %select_n3A_144 : i32
        %add3A_149 = arith.addi %select_n3A_148, %mul3A_6 : i32
        %add3A_150 = arith.constant 1 : i32
        %add3A_151 = arith.addi %select_n3A_148, %add3A_150 : i32
        %select_n3A_152 = arith.constant true
        %select_n3A_153 = arith.select %select_n3A_152, %add3A_151, %select_n3A_148 : i32
        %eq3A_154 = arith.constant 125 : i32
        %eq3A_155 = arith.cmpi eq, %select_n3A_153, %eq3A_154 : i32
        %select_n3A_156 = arith.constant 0 : i32
        %select_n3A_157 = arith.select %eq3A_155, %select_n3A_156, %select_n3A_153 : i32
        %add3A_158 = arith.addi %select_n3A_157, %mul3A_6 : i32
        %ne3A = arith.cmpi ne, %add3A_131, %add3A_149 : i32
        %or3A = arith.constant false
        %or3A_159 = arith.ori %or3A, %ne3A : i1
        %or3A_160 = arith.constant false
        %or3A_161 = arith.ori %or3A_159, %or3A_160 : i1
        %ge3A = arith.constant 124 : i32
        %ge3A_162 = arith.cmpi sge, %scan3A_121, %ge3A : i32
        %not3A = arith.constant true
        %not3A_163 = arith.xori %ge3A_162, %not3A : i1
        %and3A = arith.andi %or3A_161, %not3A_163 : i1
        %convert_element_type3A = arith.extui %and3A : i1 to i32
        %cond3A = arith.constant 0 : i32
        %cond3A_164 = arith.cmpi ne, %convert_element_type3A, %cond3A : i32
        scf.if %cond3A_164 {
          "tpu.trace_start"() <{level = 10 : i32, message = "ep_copy_in"}> : () -> ()
          %rem3A_274 = arith.constant 2 : i32
          %rem3A_275 = arith.remui %scan3A_122, %rem3A_274 : i32
          %mul3A_276 = arith.constant 1 : i32
          %mul3A_277 = arith.muli %mul3A_276, %add3A_149 : i32
          %dma_start3A_278 = arith.constant 0 : i32
          %dma_start3A_279 = arith.constant 0 : i32
          %dma_start3A_280 = tpu.memref_slice %run_scoped3A[%rem3A_275, %dma_start3A_278, %dma_start3A_279] : memref<2x1x80xi32, #tpu.memory_space<vmem>> -> memref<1x1x80xi32, #tpu.memory_space<vmem>>
          %dma_start3A_281 = tpu.memref_squeeze %dma_start3A_280 : memref<1x1x80xi32, #tpu.memory_space<vmem>> -> memref<1x80xi32, #tpu.memory_space<vmem>>
          %dma_start3A_282 = arith.constant 0 : i32
          %dma_start3A_283 = tpu.memref_slice %arg3[%mul3A_277, %dma_start3A_282] : memref<4000x80xi32, #tpu.memory_space<hbm>> -> memref<1x80xi32, #tpu.memory_space<hbm>>
          %dma_start3A_284 = tpu.memref_slice %run_scoped3A_7[%rem3A_275] : memref<2x!tpu.dma_semaphore, #tpu.memory_space<semaphore_mem>> -> memref<1x!tpu.dma_semaphore, #tpu.memory_space<semaphore_mem>>
          %dma_start3A_285 = tpu.memref_squeeze %dma_start3A_284 : memref<1x!tpu.dma_semaphore, #tpu.memory_space<semaphore_mem>> -> memref<!tpu.dma_semaphore, #tpu.memory_space<semaphore_mem>>
          %dma_start3A_286 = arith.constant 0 : i32
          %dma_start3A_287 = arith.constant 0 : i32
          %dma_start3A_288 = tpu.memref_slice %run_scoped3A[%rem3A_275, %dma_start3A_286, %dma_start3A_287] : memref<2x1x80xi32, #tpu.memory_space<vmem>> -> memref<1x1x80xi32, #tpu.memory_space<vmem>>
          %dma_start3A_289 = tpu.memref_squeeze %dma_start3A_288 : memref<1x1x80xi32, #tpu.memory_space<vmem>> -> memref<1x80xi32, #tpu.memory_space<vmem>>
          %dma_start3A_290 = arith.constant 0 : i32
          %dma_start3A_291 = tpu.memref_slice %arg3[%mul3A_277, %dma_start3A_290] : memref<4000x80xi32, #tpu.memory_space<hbm>> -> memref<1x80xi32, #tpu.memory_space<hbm>>
          tpu.enqueue_dma source(%dma_start3A_291 : memref<1x80xi32, #tpu.memory_space<hbm>>) target(%dma_start3A_289 : memref<1x80xi32, #tpu.memory_space<vmem>>) target_semaphore(%dma_start3A_285 : memref<!tpu.dma_semaphore, #tpu.memory_space<semaphore_mem>>)
          "tpu.trace_stop"() : () -> ()
        } else {
        }
        %and3A_165 = arith.constant true
        %and3A_166 = arith.andi %and3A, %and3A_165 : i1
        %add3A_167 = arith.constant 1 : i32
        %add3A_168 = arith.addi %scan3A_122, %add3A_167 : i32
        %select_n3A_169 = arith.select %and3A_166, %add3A_168, %scan3A_122 : i32
        %ne3A_170 = arith.cmpi ne, %add3A_131, %add3A_149 : i32
        %or3A_171 = arith.constant false
        %or3A_172 = arith.ori %or3A_171, %ne3A_170 : i1
        %or3A_173 = arith.constant false
        %or3A_174 = arith.ori %or3A_172, %or3A_173 : i1
        %ge3A_175 = arith.constant 124 : i32
        %ge3A_176 = arith.cmpi sge, %scan3A_121, %ge3A_175 : i32
        %not3A_177 = arith.constant true
        %not3A_178 = arith.xori %ge3A_176, %not3A_177 : i1
        %and3A_179 = arith.andi %or3A_174, %not3A_178 : i1
        %ne3A_180 = arith.cmpi ne, %add3A_131, %add3A_140 : i32
        %or3A_181 = arith.constant false
        %or3A_182 = arith.ori %or3A_181, %ne3A_180 : i1
        %or3A_183 = arith.constant false
        %or3A_184 = arith.ori %or3A_182, %or3A_183 : i1
        %or3A_185 = arith.ori %or3A_184, %eq3A_128 : i1
        %convert_element_type3A_186 = arith.extui %or3A_185 : i1 to i32
        %cond3A_187 = arith.constant 0 : i32
        %cond3A_188 = arith.cmpi ne, %convert_element_type3A_186, %cond3A_187 : i32
        scf.if %cond3A_188 {
          "tpu.trace_start"() <{level = 10 : i32, message = "ep_wait_in"}> : () -> ()
          %mul3A_274 = arith.constant 1 : i32
          %mul3A_275 = arith.muli %mul3A_274, %add3A_131 : i32
          %rem3A_276 = arith.constant 2 : i32
          %rem3A_277 = arith.remui %scan3A_123, %rem3A_276 : i32
          %dma_wait3A_278 = arith.constant 0 : i32
          %dma_wait3A_279 = arith.constant 0 : i32
          %dma_wait3A_280 = tpu.memref_slice %run_scoped3A[%rem3A_277, %dma_wait3A_278, %dma_wait3A_279] : memref<2x1x80xi32, #tpu.memory_space<vmem>> -> memref<1x1x80xi32, #tpu.memory_space<vmem>>
          %dma_wait3A_281 = tpu.memref_squeeze %dma_wait3A_280 : memref<1x1x80xi32, #tpu.memory_space<vmem>> -> memref<1x80xi32, #tpu.memory_space<vmem>>
          %dma_wait3A_282 = arith.constant 0 : i32
          %dma_wait3A_283 = tpu.memref_slice %arg3[%mul3A_275, %dma_wait3A_282] : memref<4000x80xi32, #tpu.memory_space<hbm>> -> memref<1x80xi32, #tpu.memory_space<hbm>>
          %dma_wait3A_284 = tpu.memref_slice %run_scoped3A_7[%rem3A_277] : memref<2x!tpu.dma_semaphore, #tpu.memory_space<semaphore_mem>> -> memref<1x!tpu.dma_semaphore, #tpu.memory_space<semaphore_mem>>
          %dma_wait3A_285 = tpu.memref_squeeze %dma_wait3A_284 : memref<1x!tpu.dma_semaphore, #tpu.memory_space<semaphore_mem>> -> memref<!tpu.dma_semaphore, #tpu.memory_space<semaphore_mem>>
          %dma_wait3A_286 = arith.constant 0 : i32
          %dma_wait3A_287 = arith.constant 0 : i32
          %dma_wait3A_288 = tpu.memref_slice %run_scoped3A[%rem3A_277, %dma_wait3A_286, %dma_wait3A_287] : memref<2x1x80xi32, #tpu.memory_space<vmem>> -> memref<1x1x80xi32, #tpu.memory_space<vmem>>
          %dma_wait3A_289 = tpu.memref_squeeze %dma_wait3A_288 : memref<1x1x80xi32, #tpu.memory_space<vmem>> -> memref<1x80xi32, #tpu.memory_space<vmem>>
          %dma_wait3A_290 = arith.constant 0 : i32
          %dma_wait3A_291 = tpu.memref_slice %arg3[%mul3A_275, %dma_wait3A_290] : memref<4000x80xi32, #tpu.memory_space<hbm>> -> memref<1x80xi32, #tpu.memory_space<hbm>>
          tpu.wait_dma2 semaphore(%dma_wait3A_285 : memref<!tpu.dma_semaphore, #tpu.memory_space<semaphore_mem>>) src(%dma_wait3A_291 : memref<1x80xi32, #tpu.memory_space<hbm>>) dst(%dma_wait3A_289 : memref<1x80xi32, #tpu.memory_space<vmem>>)
          "tpu.trace_stop"() : () -> ()
        } else {
        }
        %ne3A_189 = arith.cmpi ne, %add3A_131, %add3A_140 : i32
        %or3A_190 = arith.constant false
        %or3A_191 = arith.ori %or3A_190, %ne3A_189 : i1
        %or3A_192 = arith.constant false
        %or3A_193 = arith.ori %or3A_191, %or3A_192 : i1
        %or3A_194 = arith.ori %or3A_193, %eq3A_128 : i1
        %convert_element_type3A_195 = arith.extui %or3A_194 : i1 to i32
        %cond3A_196 = arith.constant 0 : i32
        %cond3A_197 = arith.cmpi ne, %convert_element_type3A_195, %cond3A_196 : i32
        scf.if %cond3A_197 {
        } else {
        }
        %rem3A_198 = arith.constant 2 : i32
        %rem3A_199 = arith.remui %scan3A_123, %rem3A_198 : i32
        %rem3A_200 = arith.constant 2 : i32
        %rem3A_201 = arith.remui %scan3A_124, %rem3A_200 : i32
        %run_scoped3A_202 = arith.constant 0 : i32
        "tpu.trace_start"() <{level = 10 : i32, message = "ep_run_kernel"}> : () -> ()
        "tpu.region"() ({
          %run_scoped3A_274 = tpu.sem_alloc : memref<!tpu.dma_semaphore, #tpu.memory_space<semaphore_mem>>
          %dma_start3A_275 = arith.constant 0 : i32
          %dma_start3A_276 = arith.constant 0 : i32
          %dma_start3A_277 = tpu.memref_slice %run_scoped3A_8[%rem3A_201, %dma_start3A_275, %dma_start3A_276] : memref<2x80x256xf32, #tpu.memory_space<vmem>> -> memref<1x80x256xf32, #tpu.memory_space<vmem>>
          %dma_start3A_278 = tpu.memref_squeeze %dma_start3A_277 : memref<1x80x256xf32, #tpu.memory_space<vmem>> -> memref<80x256xf32, #tpu.memory_space<vmem>>
          %dma_start3A_279 = arith.constant 0 : i32
          %dma_start3A_280 = arith.constant 0 : i32
          %dma_start3A_281 = tpu.memref_slice %run_scoped3A[%rem3A_199, %dma_start3A_279, %dma_start3A_280] : memref<2x1x80xi32, #tpu.memory_space<vmem>> -> memref<1x1x80xi32, #tpu.memory_space<vmem>>
          %dma_start3A_282 = tpu.memref_squeeze %dma_start3A_281 : memref<1x1x80xi32, #tpu.memory_space<vmem>> -> memref<1x80xi32, #tpu.memory_space<vmem>>
          %dma_start3A_283 = arith.constant 0 : i32
          %dma_start3A_284 = tpu.memref_slice %dma_start3A_282[%run_scoped3A_202, %dma_start3A_283] : memref<1x80xi32, #tpu.memory_space<vmem>> -> memref<1x80xi32, #tpu.memory_space<vmem>>
          %dma_start3A_285 = tpu.memref_squeeze %dma_start3A_284 : memref<1x80xi32, #tpu.memory_space<vmem>> -> memref<80xi32, #tpu.memory_space<vmem>>
          %dma_start3A_286 = arith.constant 0 : i32
          %dma_start3A_287 = arith.constant 0 : i32
          %dma_start3A_288 = tpu.memref_slice %arg2[%dma_start3A_286, %dma_start3A_287] : memref<10000x256xf32, #tpu.memory_space<hbm>> -> memref<10000x256xf32, #tpu.memory_space<hbm>>
          tpu.enqueue_indirect_dma source(%dma_start3A_288 : memref<10000x256xf32, #tpu.memory_space<hbm>>) target(%dma_start3A_278 : memref<80x256xf32, #tpu.memory_space<vmem>>) offsets(%dma_start3A_285 : memref<80xi32, #tpu.memory_space<vmem>>) semaphore(%run_scoped3A_274 : memref<!tpu.dma_semaphore, #tpu.memory_space<semaphore_mem>>)
          %dma_wait3A_289 = arith.constant 0 : i32
          %dma_wait3A_290 = arith.constant 0 : i32
          %dma_wait3A_291 = tpu.memref_slice %run_scoped3A_8[%rem3A_201, %dma_wait3A_289, %dma_wait3A_290] : memref<2x80x256xf32, #tpu.memory_space<vmem>> -> memref<1x80x256xf32, #tpu.memory_space<vmem>>
          %dma_wait3A_292 = tpu.memref_squeeze %dma_wait3A_291 : memref<1x80x256xf32, #tpu.memory_space<vmem>> -> memref<80x256xf32, #tpu.memory_space<vmem>>
          %dma_wait3A_293 = arith.constant 0 : i32
          %dma_wait3A_294 = arith.constant 0 : i32
          %dma_wait3A_295 = tpu.memref_slice %run_scoped3A[%rem3A_199, %dma_wait3A_293, %dma_wait3A_294] : memref<2x1x80xi32, #tpu.memory_space<vmem>> -> memref<1x1x80xi32, #tpu.memory_space<vmem>>
          %dma_wait3A_296 = tpu.memref_squeeze %dma_wait3A_295 : memref<1x1x80xi32, #tpu.memory_space<vmem>> -> memref<1x80xi32, #tpu.memory_space<vmem>>
          %dma_wait3A_297 = arith.constant 0 : i32
          %dma_wait3A_298 = tpu.memref_slice %dma_wait3A_296[%run_scoped3A_202, %dma_wait3A_297] : memref<1x80xi32, #tpu.memory_space<vmem>> -> memref<1x80xi32, #tpu.memory_space<vmem>>
          %dma_wait3A_299 = tpu.memref_squeeze %dma_wait3A_298 : memref<1x80xi32, #tpu.memory_space<vmem>> -> memref<80xi32, #tpu.memory_space<vmem>>
          %dma_wait3A_300 = arith.constant 0 : i32
          %dma_wait3A_301 = arith.constant 0 : i32
          %dma_wait3A_302 = tpu.memref_slice %arg2[%dma_wait3A_300, %dma_wait3A_301] : memref<10000x256xf32, #tpu.memory_space<hbm>> -> memref<10000x256xf32, #tpu.memory_space<hbm>>
          tpu.wait_indirect_dma semaphore(%run_scoped3A_274 : memref<!tpu.dma_semaphore, #tpu.memory_space<semaphore_mem>>) src(%dma_wait3A_302 : memref<10000x256xf32, #tpu.memory_space<hbm>>) dst(%dma_wait3A_292 : memref<80x256xf32, #tpu.memory_space<vmem>>)
          tpu.yield
        }) : () -> ()
        "tpu.trace_stop"() : () -> ()
        %ne3A_203 = arith.cmpi ne, %add3A_131, %add3A_149 : i32
        %or3A_204 = arith.constant false
        %or3A_205 = arith.ori %or3A_204, %ne3A_203 : i1
        %or3A_206 = arith.constant false
        %or3A_207 = arith.ori %or3A_205, %or3A_206 : i1
        %or3A_208 = arith.ori %or3A_207, %eq3A_130 : i1
        %convert_element_type3A_209 = arith.extui %or3A_208 : i1 to i32
        %cond3A_210 = arith.constant 0 : i32
        %cond3A_211 = arith.cmpi ne, %convert_element_type3A_209, %cond3A_210 : i32
        scf.if %cond3A_211 {
        } else {
        }
        %and3A_212 = arith.constant false
        %and3A_213 = arith.andi %or3A_208, %and3A_212 : i1
        %ne3A_214 = arith.cmpi ne, %add3A_131, %add3A_149 : i32
        %or3A_215 = arith.constant false
        %or3A_216 = arith.ori %or3A_215, %ne3A_214 : i1
        %or3A_217 = arith.constant false
        %or3A_218 = arith.ori %or3A_216, %or3A_217 : i1
        %or3A_219 = arith.ori %or3A_218, %eq3A_130 : i1
        %convert_element_type3A_220 = arith.extui %or3A_219 : i1 to i32
        %cond3A_221 = arith.constant 0 : i32
        %cond3A_222 = arith.cmpi ne, %convert_element_type3A_220, %cond3A_221 : i32
        scf.if %cond3A_222 {
          "tpu.trace_start"() <{level = 10 : i32, message = "ep_copy_out"}> : () -> ()
          %rem3A_274 = arith.constant 2 : i32
          %rem3A_275 = arith.remui %scan3A_124, %rem3A_274 : i32
          %mul3A_276 = arith.constant 80 : i32
          %mul3A_277 = arith.muli %mul3A_276, %add3A_131 : i32
          %dma_start3A_278 = arith.constant 0 : i32
          %dma_start3A_279 = arith.constant 0 : i32
          %dma_start3A_280 = tpu.memref_slice %run_scoped3A_8[%rem3A_275, %dma_start3A_278, %dma_start3A_279] : memref<2x80x256xf32, #tpu.memory_space<vmem>> -> memref<1x80x256xf32, #tpu.memory_space<vmem>>
          %dma_start3A_281 = tpu.memref_squeeze %dma_start3A_280 : memref<1x80x256xf32, #tpu.memory_space<vmem>> -> memref<80x256xf32, #tpu.memory_space<vmem>>
          %dma_start3A_282 = arith.constant 0 : i32
          %dma_start3A_283 = tpu.memref_slice %arg4[%mul3A_277, %dma_start3A_282] : memref<320000x256xf32, #tpu.memory_space<hbm>> -> memref<80x256xf32, #tpu.memory_space<hbm>>
          %dma_start3A_284 = tpu.memref_slice %run_scoped3A_9[%rem3A_275] : memref<2x!tpu.dma_semaphore, #tpu.memory_space<semaphore_mem>> -> memref<1x!tpu.dma_semaphore, #tpu.memory_space<semaphore_mem>>
          %dma_start3A_285 = tpu.memref_squeeze %dma_start3A_284 : memref<1x!tpu.dma_semaphore, #tpu.memory_space<semaphore_mem>> -> memref<!tpu.dma_semaphore, #tpu.memory_space<semaphore_mem>>
          %dma_start3A_286 = arith.constant 0 : i32
          %dma_start3A_287 = tpu.memref_slice %arg4[%mul3A_277, %dma_start3A_286] : memref<320000x256xf32, #tpu.memory_space<hbm>> -> memref<80x256xf32, #tpu.memory_space<hbm>>
          %dma_start3A_288 = arith.constant 0 : i32
          %dma_start3A_289 = arith.constant 0 : i32
          %dma_start3A_290 = tpu.memref_slice %run_scoped3A_8[%rem3A_275, %dma_start3A_288, %dma_start3A_289] : memref<2x80x256xf32, #tpu.memory_space<vmem>> -> memref<1x80x256xf32, #tpu.memory_space<vmem>>
          %dma_start3A_291 = tpu.memref_squeeze %dma_start3A_290 : memref<1x80x256xf32, #tpu.memory_space<vmem>> -> memref<80x256xf32, #tpu.memory_space<vmem>>
          tpu.enqueue_dma source(%dma_start3A_291 : memref<80x256xf32, #tpu.memory_space<vmem>>) target(%dma_start3A_287 : memref<80x256xf32, #tpu.memory_space<hbm>>) target_semaphore(%dma_start3A_285 : memref<!tpu.dma_semaphore, #tpu.memory_space<semaphore_mem>>)
          "tpu.trace_stop"() : () -> ()
        } else {
        }
        %and3A_223 = arith.constant true
        %and3A_224 = arith.andi %or3A_219, %and3A_223 : i1
        %add3A_225 = arith.constant 1 : i32
        %add3A_226 = arith.addi %scan3A_124, %add3A_225 : i32
        %select_n3A_227 = arith.select %and3A_224, %add3A_226, %scan3A_124 : i32
        %ne3A_228 = arith.cmpi ne, %add3A_131, %add3A_140 : i32
        %or3A_229 = arith.constant false
        %or3A_230 = arith.ori %or3A_229, %ne3A_228 : i1
        %or3A_231 = arith.constant false
        %or3A_232 = arith.ori %or3A_230, %or3A_231 : i1
        %not3A_233 = arith.constant true
        %not3A_234 = arith.xori %eq3A_128, %not3A_233 : i1
        %and3A_235 = arith.andi %or3A_232, %not3A_234 : i1
        %convert_element_type3A_236 = arith.extui %and3A_235 : i1 to i32
        %cond3A_237 = arith.constant 0 : i32
        %cond3A_238 = arith.cmpi ne, %convert_element_type3A_236, %cond3A_237 : i32
        scf.if %cond3A_238 {
        } else {
        }
        %and3A_239 = arith.constant false
        %and3A_240 = arith.andi %and3A_235, %and3A_239 : i1
        %ne3A_241 = arith.cmpi ne, %add3A_131, %add3A_140 : i32
        %or3A_242 = arith.constant false
        %or3A_243 = arith.ori %or3A_242, %ne3A_241 : i1
        %or3A_244 = arith.constant false
        %or3A_245 = arith.ori %or3A_243, %or3A_244 : i1
        %not3A_246 = arith.constant true
        %not3A_247 = arith.xori %eq3A_128, %not3A_246 : i1
        %and3A_248 = arith.andi %or3A_245, %not3A_247 : i1
        %convert_element_type3A_249 = arith.extui %and3A_248 : i1 to i32
        %cond3A_250 = arith.constant 0 : i32
        %cond3A_251 = arith.cmpi ne, %convert_element_type3A_249, %cond3A_250 : i32
        scf.if %cond3A_251 {
          "tpu.trace_start"() <{level = 10 : i32, message = "ep_wait_out"}> : () -> ()
          %rem3A_274 = arith.constant 2 : i32
          %rem3A_275 = arith.remui %scan3A_125, %rem3A_274 : i32
          %mul3A_276 = arith.constant 80 : i32
          %mul3A_277 = arith.muli %mul3A_276, %add3A_140 : i32
          %dma_wait3A_278 = arith.constant 0 : i32
          %dma_wait3A_279 = arith.constant 0 : i32
          %dma_wait3A_280 = tpu.memref_slice %run_scoped3A_8[%rem3A_275, %dma_wait3A_278, %dma_wait3A_279] : memref<2x80x256xf32, #tpu.memory_space<vmem>> -> memref<1x80x256xf32, #tpu.memory_space<vmem>>
          %dma_wait3A_281 = tpu.memref_squeeze %dma_wait3A_280 : memref<1x80x256xf32, #tpu.memory_space<vmem>> -> memref<80x256xf32, #tpu.memory_space<vmem>>
          %dma_wait3A_282 = arith.constant 0 : i32
          %dma_wait3A_283 = tpu.memref_slice %arg4[%mul3A_277, %dma_wait3A_282] : memref<320000x256xf32, #tpu.memory_space<hbm>> -> memref<80x256xf32, #tpu.memory_space<hbm>>
          %dma_wait3A_284 = tpu.memref_slice %run_scoped3A_9[%rem3A_275] : memref<2x!tpu.dma_semaphore, #tpu.memory_space<semaphore_mem>> -> memref<1x!tpu.dma_semaphore, #tpu.memory_space<semaphore_mem>>
          %dma_wait3A_285 = tpu.memref_squeeze %dma_wait3A_284 : memref<1x!tpu.dma_semaphore, #tpu.memory_space<semaphore_mem>> -> memref<!tpu.dma_semaphore, #tpu.memory_space<semaphore_mem>>
          %dma_wait3A_286 = arith.constant 0 : i32
          %dma_wait3A_287 = tpu.memref_slice %arg4[%mul3A_277, %dma_wait3A_286] : memref<320000x256xf32, #tpu.memory_space<hbm>> -> memref<80x256xf32, #tpu.memory_space<hbm>>
          %dma_wait3A_288 = arith.constant 0 : i32
          %dma_wait3A_289 = arith.constant 0 : i32
          %dma_wait3A_290 = tpu.memref_slice %run_scoped3A_8[%rem3A_275, %dma_wait3A_288, %dma_wait3A_289] : memref<2x80x256xf32, #tpu.memory_space<vmem>> -> memref<1x80x256xf32, #tpu.memory_space<vmem>>
          %dma_wait3A_291 = tpu.memref_squeeze %dma_wait3A_290 : memref<1x80x256xf32, #tpu.memory_space<vmem>> -> memref<80x256xf32, #tpu.memory_space<vmem>>
          tpu.wait_dma2 semaphore(%dma_wait3A_285 : memref<!tpu.dma_semaphore, #tpu.memory_space<semaphore_mem>>) src(%dma_wait3A_291 : memref<80x256xf32, #tpu.memory_space<vmem>>) dst(%dma_wait3A_287 : memref<80x256xf32, #tpu.memory_space<hbm>>)
          "tpu.trace_stop"() : () -> ()
        } else {
        }
        %and3A_252 = arith.constant true
        %and3A_253 = arith.andi %and3A_248, %and3A_252 : i1
        %add3A_254 = arith.constant 1 : i32
        %add3A_255 = arith.addi %scan3A_125, %add3A_254 : i32
        %select_n3A_256 = arith.select %and3A_253, %add3A_255, %scan3A_125 : i32
        %ne3A_257 = arith.cmpi ne, %add3A_131, %add3A_149 : i32
        %or3A_258 = arith.constant false
        %or3A_259 = arith.ori %or3A_258, %ne3A_257 : i1
        %or3A_260 = arith.constant false
        %or3A_261 = arith.ori %or3A_259, %or3A_260 : i1
        %or3A_262 = arith.ori %or3A_261, %eq3A_130 : i1
        %add3A_263 = arith.constant 1 : i32
        %add3A_264 = arith.addi %scan3A_123, %add3A_263 : i32
        %select_n3A_265 = arith.select %or3A_262, %add3A_264, %scan3A_123 : i32
        %add3A_266 = arith.constant 1 : i32
        %add3A_267 = arith.addi %scan3A_126, %add3A_266 : i32
        %select_n3A_268 = arith.constant true
        %select_n3A_269 = arith.select %select_n3A_268, %add3A_267, %scan3A_126 : i32
        %eq3A_270 = arith.constant 125 : i32
        %eq3A_271 = arith.cmpi eq, %select_n3A_269, %eq3A_270 : i32
        %select_n3A_272 = arith.constant 0 : i32
        %select_n3A_273 = arith.select %eq3A_271, %select_n3A_272, %select_n3A_269 : i32
        scf.yield %select_n3A_169, %select_n3A_265, %select_n3A_227, %select_n3A_256, %select_n3A_273 : i32, i32, i32, i32, i32
      }
      %scan3A_68 = arith.constant 125 : i32
      %sub3A = arith.constant 1 : i32
      %sub3A_69 = arith.subi %scan3A_67#4, %sub3A : i32
      %select_n3A_70 = arith.constant true
      %select_n3A_71 = arith.select %select_n3A_70, %sub3A_69, %scan3A_67#4 : i32
      %eq3A_72 = arith.constant -1 : i32
      %eq3A_73 = arith.cmpi eq, %select_n3A_71, %eq3A_72 : i32
      %select_n3A_74 = arith.constant 124 : i32
      %select_n3A_75 = arith.select %eq3A_73, %select_n3A_74, %select_n3A_71 : i32
      %add3A_76 = arith.addi %select_n3A_75, %mul3A_6 : i32
      %sub3A_77 = arith.constant 1 : i32
      %sub3A_78 = arith.subi %select_n3A_75, %sub3A_77 : i32
      %select_n3A_79 = arith.constant true
      %select_n3A_80 = arith.select %select_n3A_79, %sub3A_78, %select_n3A_75 : i32
      %eq3A_81 = arith.constant -1 : i32
      %eq3A_82 = arith.cmpi eq, %select_n3A_80, %eq3A_81 : i32
      %select_n3A_83 = arith.constant 124 : i32
      %select_n3A_84 = arith.select %eq3A_82, %select_n3A_83, %select_n3A_80 : i32
      %add3A_85 = arith.addi %select_n3A_84, %mul3A_6 : i32
      %add3A_86 = arith.constant 1 : i32
      %add3A_87 = arith.addi %select_n3A_75, %add3A_86 : i32
      %select_n3A_88 = arith.constant true
      %select_n3A_89 = arith.select %select_n3A_88, %add3A_87, %select_n3A_75 : i32
      %eq3A_90 = arith.constant 125 : i32
      %eq3A_91 = arith.cmpi eq, %select_n3A_89, %eq3A_90 : i32
      %select_n3A_92 = arith.constant 0 : i32
      %select_n3A_93 = arith.select %eq3A_91, %select_n3A_92, %select_n3A_89 : i32
      %add3A_94 = arith.addi %select_n3A_93, %mul3A_6 : i32
      %add3A_95 = arith.constant 1 : i32
      %add3A_96 = arith.addi %select_n3A_93, %add3A_95 : i32
      %select_n3A_97 = arith.constant true
      %select_n3A_98 = arith.select %select_n3A_97, %add3A_96, %select_n3A_93 : i32
      %eq3A_99 = arith.constant 125 : i32
      %eq3A_100 = arith.cmpi eq, %select_n3A_98, %eq3A_99 : i32
      %select_n3A_101 = arith.constant 0 : i32
      %select_n3A_102 = arith.select %eq3A_100, %select_n3A_101, %select_n3A_98 : i32
      %add3A_103 = arith.addi %select_n3A_102, %mul3A_6 : i32
      "tpu.trace_start"() <{level = 10 : i32, message = "ep_finalize"}> : () -> ()
      %rem3A_104 = arith.constant 2 : i32
      %rem3A_105 = arith.remui %scan3A_67#3, %rem3A_104 : i32
      %mul3A_106 = arith.constant 80 : i32
      %mul3A_107 = arith.muli %mul3A_106, %add3A_76 : i32
      %dma_wait3A = arith.constant 0 : i32
      %dma_wait3A_108 = arith.constant 0 : i32
      %dma_wait3A_109 = tpu.memref_slice %run_scoped3A_8[%rem3A_105, %dma_wait3A, %dma_wait3A_108] : memref<2x80x256xf32, #tpu.memory_space<vmem>> -> memref<1x80x256xf32, #tpu.memory_space<vmem>>
      %dma_wait3A_110 = tpu.memref_squeeze %dma_wait3A_109 : memref<1x80x256xf32, #tpu.memory_space<vmem>> -> memref<80x256xf32, #tpu.memory_space<vmem>>
      %dma_wait3A_111 = arith.constant 0 : i32
      %dma_wait3A_112 = tpu.memref_slice %arg4[%mul3A_107, %dma_wait3A_111] : memref<320000x256xf32, #tpu.memory_space<hbm>> -> memref<80x256xf32, #tpu.memory_space<hbm>>
      %dma_wait3A_113 = tpu.memref_slice %run_scoped3A_9[%rem3A_105] : memref<2x!tpu.dma_semaphore, #tpu.memory_space<semaphore_mem>> -> memref<1x!tpu.dma_semaphore, #tpu.memory_space<semaphore_mem>>
      %dma_wait3A_114 = tpu.memref_squeeze %dma_wait3A_113 : memref<1x!tpu.dma_semaphore, #tpu.memory_space<semaphore_mem>> -> memref<!tpu.dma_semaphore, #tpu.memory_space<semaphore_mem>>
      %dma_wait3A_115 = arith.constant 0 : i32
      %dma_wait3A_116 = tpu.memref_slice %arg4[%mul3A_107, %dma_wait3A_115] : memref<320000x256xf32, #tpu.memory_space<hbm>> -> memref<80x256xf32, #tpu.memory_space<hbm>>
      %dma_wait3A_117 = arith.constant 0 : i32
      %dma_wait3A_118 = arith.constant 0 : i32
      %dma_wait3A_119 = tpu.memref_slice %run_scoped3A_8[%rem3A_105, %dma_wait3A_117, %dma_wait3A_118] : memref<2x80x256xf32, #tpu.memory_space<vmem>> -> memref<1x80x256xf32, #tpu.memory_space<vmem>>
      %dma_wait3A_120 = tpu.memref_squeeze %dma_wait3A_119 : memref<1x80x256xf32, #tpu.memory_space<vmem>> -> memref<80x256xf32, #tpu.memory_space<vmem>>
      tpu.wait_dma2 semaphore(%dma_wait3A_114 : memref<!tpu.dma_semaphore, #tpu.memory_space<semaphore_mem>>) src(%dma_wait3A_120 : memref<80x256xf32, #tpu.memory_space<vmem>>) dst(%dma_wait3A_116 : memref<80x256xf32, #tpu.memory_space<hbm>>)
      "tpu.trace_stop"() : () -> ()
      tpu.yield
    }) : () -> ()
    return
  }
}

#map = affine_map<(d0, d1) -> (0, 0)>
module attributes {stable_mosaic.version = 14 : i64} {
  func.func @body(%arg0: i32, %arg1: i32, %arg2: memref<6000x128xf32, #tpu.memory_space<hbm>>, %arg3: memref<4000x80xi32, #tpu.memory_space<hbm>>, %arg4: memref<320000x128xf32, #tpu.memory_space<hbm>>) attributes {dimension_semantics = [#tpu.dimension_semantics<core_parallel>, #tpu.dimension_semantics<subcore_parallel>], iteration_bounds = array<i64: 2, 16>, scalar_prefetch = 0 : i64, scratch_operands = 0 : i64, tpu.core_type = #tpu.core_type<sc_vector_subcore>, window_params = [{transform_indices = #map}, {transform_indices = #map}, {transform_indices = #map}]} {
    %mul3A = arith.constant 1 : i32
    %mul3A_0 = arith.muli %arg1, %mul3A : i32
    %add3A = arith.constant 0 : i32
    %add3A_1 = arith.addi %add3A, %mul3A_0 : i32
    %mul3A_2 = arith.constant 16 : i32
    %mul3A_3 = arith.muli %arg0, %mul3A_2 : i32
    %add3A_4 = arith.addi %add3A_1, %mul3A_3 : i32
    %mul3A_5 = arith.constant 125 : i32
    %mul3A_6 = arith.muli %add3A_4, %mul3A_5 : i32
    "tpu.region"() ({
      %run_scoped3A = memref.alloca() : memref<2x1x80xi32, #tpu.memory_space<vmem>>
      %run_scoped3A_7 = tpu.sem_alloc : memref<2x!tpu.dma_semaphore, #tpu.memory_space<semaphore_mem>>
      %run_scoped3A_8 = memref.alloca() : memref<2x80x128xf32, #tpu.memory_space<vmem>>
      %run_scoped3A_9 = tpu.sem_alloc : memref<2x!tpu.dma_semaphore, #tpu.memory_space<semaphore_mem>>
      %add3A_10 = arith.constant 0 : i32
      %add3A_11 = arith.addi %add3A_10, %mul3A_6 : i32
      %select_n3A = arith.constant true
      %select_n3A_12 = arith.constant 0 : i32
      %select_n3A_13 = arith.constant -1 : i32
      %select_n3A_14 = arith.select %select_n3A, %select_n3A_13, %select_n3A_12 : i32
      %eq3A = arith.constant -1 : i32
      %eq3A_15 = arith.cmpi eq, %select_n3A_14, %eq3A : i32
      %select_n3A_16 = arith.constant 124 : i32
      %select_n3A_17 = arith.select %eq3A_15, %select_n3A_16, %select_n3A_14 : i32
      %add3A_18 = arith.addi %select_n3A_17, %mul3A_6 : i32
      %select_n3A_19 = arith.constant true
      %select_n3A_20 = arith.constant 0 : i32
      %select_n3A_21 = arith.constant 1 : i32
      %select_n3A_22 = arith.select %select_n3A_19, %select_n3A_21, %select_n3A_20 : i32
      %eq3A_23 = arith.constant 125 : i32
      %eq3A_24 = arith.cmpi eq, %select_n3A_22, %eq3A_23 : i32
      %select_n3A_25 = arith.constant 0 : i32
      %select_n3A_26 = arith.select %eq3A_24, %select_n3A_25, %select_n3A_22 : i32
      %add3A_27 = arith.addi %select_n3A_26, %mul3A_6 : i32
      %add3A_28 = arith.constant 1 : i32
      %add3A_29 = arith.addi %select_n3A_26, %add3A_28 : i32
      %select_n3A_30 = arith.constant true
      %select_n3A_31 = arith.select %select_n3A_30, %add3A_29, %select_n3A_26 : i32
      %eq3A_32 = arith.constant 125 : i32
      %eq3A_33 = arith.cmpi eq, %select_n3A_31, %eq3A_32 : i32
      %select_n3A_34 = arith.constant 0 : i32
      %select_n3A_35 = arith.select %eq3A_33, %select_n3A_34, %select_n3A_31 : i32
      %add3A_36 = arith.addi %select_n3A_35, %mul3A_6 : i32
      "tpu.trace_start"() <{level = 10 : i32, message = "ep_initialize_0"}> : () -> ()
      %rem3A = arith.constant 0 : i32
      %rem3A_37 = arith.constant 2 : i32
      %rem3A_38 = arith.remui %rem3A, %rem3A_37 : i32
      %mul3A_39 = arith.constant 1 : i32
      %mul3A_40 = arith.muli %mul3A_39, %add3A_11 : i32
      %dma_start3A = arith.constant 0 : i32
      %dma_start3A_41 = arith.constant 0 : i32
      %dma_start3A_42 = tpu.memref_slice %run_scoped3A[%rem3A_38, %dma_start3A, %dma_start3A_41] : memref<2x1x80xi32, #tpu.memory_space<vmem>> -> memref<1x1x80xi32, #tpu.memory_space<vmem>>
      %dma_start3A_43 = tpu.memref_squeeze %dma_start3A_42 : memref<1x1x80xi32, #tpu.memory_space<vmem>> -> memref<1x80xi32, #tpu.memory_space<vmem>>
      %dma_start3A_44 = arith.constant 0 : i32
      %dma_start3A_45 = tpu.memref_slice %arg3[%mul3A_40, %dma_start3A_44] : memref<4000x80xi32, #tpu.memory_space<hbm>> -> memref<1x80xi32, #tpu.memory_space<hbm>>
      %dma_start3A_46 = tpu.memref_slice %run_scoped3A_7[%rem3A_38] : memref<2x!tpu.dma_semaphore, #tpu.memory_space<semaphore_mem>> -> memref<1x!tpu.dma_semaphore, #tpu.memory_space<semaphore_mem>>
      %dma_start3A_47 = tpu.memref_squeeze %dma_start3A_46 : memref<1x!tpu.dma_semaphore, #tpu.memory_space<semaphore_mem>> -> memref<!tpu.dma_semaphore, #tpu.memory_space<semaphore_mem>>
      %dma_start3A_48 = arith.constant 0 : i32
      %dma_start3A_49 = arith.constant 0 : i32
      %dma_start3A_50 = tpu.memref_slice %run_scoped3A[%rem3A_38, %dma_start3A_48, %dma_start3A_49] : memref<2x1x80xi32, #tpu.memory_space<vmem>> -> memref<1x1x80xi32, #tpu.memory_space<vmem>>
      %dma_start3A_51 = tpu.memref_squeeze %dma_start3A_50 : memref<1x1x80xi32, #tpu.memory_space<vmem>> -> memref<1x80xi32, #tpu.memory_space<vmem>>
      %dma_start3A_52 = arith.constant 0 : i32
      %dma_start3A_53 = tpu.memref_slice %arg3[%mul3A_40, %dma_start3A_52] : memref<4000x80xi32, #tpu.memory_space<hbm>> -> memref<1x80xi32, #tpu.memory_space<hbm>>
      tpu.enqueue_dma source(%dma_start3A_53 : memref<1x80xi32, #tpu.memory_space<hbm>>) target(%dma_start3A_51 : memref<1x80xi32, #tpu.memory_space<vmem>>) target_semaphore(%dma_start3A_47 : memref<!tpu.dma_semaphore, #tpu.memory_space<semaphore_mem>>)
      %add3A_54 = arith.constant 0 : i32
      %add3A_55 = arith.constant 1 : i32
      %add3A_56 = arith.addi %add3A_54, %add3A_55 : i32
      %select_n3A_57 = arith.constant true
      %select_n3A_58 = arith.constant 0 : i32
      %select_n3A_59 = arith.select %select_n3A_57, %add3A_56, %select_n3A_58 : i32
      "tpu.trace_stop"() : () -> ()
      %scan3A = arith.constant 0 : i32
      %scan3A_60 = arith.constant 0 : i32
      %scan3A_61 = arith.constant 0 : i32
      %scan3A_62 = arith.constant 0 : i32
      %scan3A_63 = arith.constant 0 : i32
      %scan3A_64 = arith.constant 125 : i32
      %scan3A_65 = arith.addi %scan3A_63, %scan3A_64 : i32
      %scan3A_66 = arith.constant 1 : i32
      %scan3A_67:5 = scf.for %scan3A_121 = %scan3A_63 to %scan3A_65 step %scan3A_66 iter_args(%scan3A_122 = %select_n3A_59, %scan3A_123 = %scan3A, %scan3A_124 = %scan3A_60, %scan3A_125 = %scan3A_61, %scan3A_126 = %scan3A_62) -> (i32, i32, i32, i32, i32)  : i32 {
        %eq3A_127 = arith.constant 0 : i32
        %eq3A_128 = arith.cmpi eq, %scan3A_121, %eq3A_127 : i32
        %eq3A_129 = arith.constant 124 : i32
        %eq3A_130 = arith.cmpi eq, %scan3A_121, %eq3A_129 : i32
        %add3A_131 = arith.addi %scan3A_126, %mul3A_6 : i32
        %sub3A_132 = arith.constant 1 : i32
        %sub3A_133 = arith.subi %scan3A_126, %sub3A_132 : i32
        %select_n3A_134 = arith.constant true
        %select_n3A_135 = arith.select %select_n3A_134, %sub3A_133, %scan3A_126 : i32
        %eq3A_136 = arith.constant -1 : i32
        %eq3A_137 = arith.cmpi eq, %select_n3A_135, %eq3A_136 : i32
        %select_n3A_138 = arith.constant 124 : i32
        %select_n3A_139 = arith.select %eq3A_137, %select_n3A_138, %select_n3A_135 : i32
        %add3A_140 = arith.addi %select_n3A_139, %mul3A_6 : i32
        %add3A_141 = arith.constant 1 : i32
        %add3A_142 = arith.addi %scan3A_126, %add3A_141 : i32
        %select_n3A_143 = arith.constant true
        %select_n3A_144 = arith.select %select_n3A_143, %add3A_142, %scan3A_126 : i32
        %eq3A_145 = arith.constant 125 : i32
        %eq3A_146 = arith.cmpi eq, %select_n3A_144, %eq3A_145 : i32
        %select_n3A_147 = arith.constant 0 : i32
        %select_n3A_148 = arith.select %eq3A_146, %select_n3A_147, %select_n3A_144 : i32
        %add3A_149 = arith.addi %select_n3A_148, %mul3A_6 : i32
        %add3A_150 = arith.constant 1 : i32
        %add3A_151 = arith.addi %select_n3A_148, %add3A_150 : i32
        %select_n3A_152 = arith.constant true
        %select_n3A_153 = arith.select %select_n3A_152, %add3A_151, %select_n3A_148 : i32
        %eq3A_154 = arith.constant 125 : i32
        %eq3A_155 = arith.cmpi eq, %select_n3A_153, %eq3A_154 : i32
        %select_n3A_156 = arith.constant 0 : i32
        %select_n3A_157 = arith.select %eq3A_155, %select_n3A_156, %select_n3A_153 : i32
        %add3A_158 = arith.addi %select_n3A_157, %mul3A_6 : i32
        %ne3A = arith.cmpi ne, %add3A_131, %add3A_149 : i32
        %or3A = arith.constant false
        %or3A_159 = arith.ori %or3A, %ne3A : i1
        %or3A_160 = arith.constant false
        %or3A_161 = arith.ori %or3A_159, %or3A_160 : i1
        %ge3A = arith.constant 124 : i32
        %ge3A_162 = arith.cmpi sge, %scan3A_121, %ge3A : i32
        %not3A = arith.constant true
        %not3A_163 = arith.xori %ge3A_162, %not3A : i1
        %and3A = arith.andi %or3A_161, %not3A_163 : i1
        %convert_element_type3A = arith.extui %and3A : i1 to i32
        %cond3A = arith.constant 0 : i32
        %cond3A_164 = arith.cmpi ne, %convert_element_type3A, %cond3A : i32
        scf.if %cond3A_164 {
          "tpu.trace_start"() <{level = 10 : i32, message = "ep_copy_in"}> : () -> ()
          %rem3A_274 = arith.constant 2 : i32
          %rem3A_275 = arith.remui %scan3A_122, %rem3A_274 : i32
          %mul3A_276 = arith.constant 1 : i32
          %mul3A_277 = arith.muli %mul3A_276, %add3A_149 : i32
          %dma_start3A_278 = arith.constant 0 : i32
          %dma_start3A_279 = arith.constant 0 : i32
          %dma_start3A_280 = tpu.memref_slice %run_scoped3A[%rem3A_275, %dma_start3A_278, %dma_start3A_279] : memref<2x1x80xi32, #tpu.memory_space<vmem>> -> memref<1x1x80xi32, #tpu.memory_space<vmem>>
          %dma_start3A_281 = tpu.memref_squeeze %dma_start3A_280 : memref<1x1x80xi32, #tpu.memory_space<vmem>> -> memref<1x80xi32, #tpu.memory_space<vmem>>
          %dma_start3A_282 = arith.constant 0 : i32
          %dma_start3A_283 = tpu.memref_slice %arg3[%mul3A_277, %dma_start3A_282] : memref<4000x80xi32, #tpu.memory_space<hbm>> -> memref<1x80xi32, #tpu.memory_space<hbm>>
          %dma_start3A_284 = tpu.memref_slice %run_scoped3A_7[%rem3A_275] : memref<2x!tpu.dma_semaphore, #tpu.memory_space<semaphore_mem>> -> memref<1x!tpu.dma_semaphore, #tpu.memory_space<semaphore_mem>>
          %dma_start3A_285 = tpu.memref_squeeze %dma_start3A_284 : memref<1x!tpu.dma_semaphore, #tpu.memory_space<semaphore_mem>> -> memref<!tpu.dma_semaphore, #tpu.memory_space<semaphore_mem>>
          %dma_start3A_286 = arith.constant 0 : i32
          %dma_start3A_287 = arith.constant 0 : i32
          %dma_start3A_288 = tpu.memref_slice %run_scoped3A[%rem3A_275, %dma_start3A_286, %dma_start3A_287] : memref<2x1x80xi32, #tpu.memory_space<vmem>> -> memref<1x1x80xi32, #tpu.memory_space<vmem>>
          %dma_start3A_289 = tpu.memref_squeeze %dma_start3A_288 : memref<1x1x80xi32, #tpu.memory_space<vmem>> -> memref<1x80xi32, #tpu.memory_space<vmem>>
          %dma_start3A_290 = arith.constant 0 : i32
          %dma_start3A_291 = tpu.memref_slice %arg3[%mul3A_277, %dma_start3A_290] : memref<4000x80xi32, #tpu.memory_space<hbm>> -> memref<1x80xi32, #tpu.memory_space<hbm>>
          tpu.enqueue_dma source(%dma_start3A_291 : memref<1x80xi32, #tpu.memory_space<hbm>>) target(%dma_start3A_289 : memref<1x80xi32, #tpu.memory_space<vmem>>) target_semaphore(%dma_start3A_285 : memref<!tpu.dma_semaphore, #tpu.memory_space<semaphore_mem>>)
          "tpu.trace_stop"() : () -> ()
        } else {
        }
        %and3A_165 = arith.constant true
        %and3A_166 = arith.andi %and3A, %and3A_165 : i1
        %add3A_167 = arith.constant 1 : i32
        %add3A_168 = arith.addi %scan3A_122, %add3A_167 : i32
        %select_n3A_169 = arith.select %and3A_166, %add3A_168, %scan3A_122 : i32
        %ne3A_170 = arith.cmpi ne, %add3A_131, %add3A_149 : i32
        %or3A_171 = arith.constant false
        %or3A_172 = arith.ori %or3A_171, %ne3A_170 : i1
        %or3A_173 = arith.constant false
        %or3A_174 = arith.ori %or3A_172, %or3A_173 : i1
        %ge3A_175 = arith.constant 124 : i32
        %ge3A_176 = arith.cmpi sge, %scan3A_121, %ge3A_175 : i32
        %not3A_177 = arith.constant true
        %not3A_178 = arith.xori %ge3A_176, %not3A_177 : i1
        %and3A_179 = arith.andi %or3A_174, %not3A_178 : i1
        %ne3A_180 = arith.cmpi ne, %add3A_131, %add3A_140 : i32
        %or3A_181 = arith.constant false
        %or3A_182 = arith.ori %or3A_181, %ne3A_180 : i1
        %or3A_183 = arith.constant false
        %or3A_184 = arith.ori %or3A_182, %or3A_183 : i1
        %or3A_185 = arith.ori %or3A_184, %eq3A_128 : i1
        %convert_element_type3A_186 = arith.extui %or3A_185 : i1 to i32
        %cond3A_187 = arith.constant 0 : i32
        %cond3A_188 = arith.cmpi ne, %convert_element_type3A_186, %cond3A_187 : i32
        scf.if %cond3A_188 {
          "tpu.trace_start"() <{level = 10 : i32, message = "ep_wait_in"}> : () -> ()
          %mul3A_274 = arith.constant 1 : i32
          %mul3A_275 = arith.muli %mul3A_274, %add3A_131 : i32
          %rem3A_276 = arith.constant 2 : i32
          %rem3A_277 = arith.remui %scan3A_123, %rem3A_276 : i32
          %dma_wait3A_278 = arith.constant 0 : i32
          %dma_wait3A_279 = arith.constant 0 : i32
          %dma_wait3A_280 = tpu.memref_slice %run_scoped3A[%rem3A_277, %dma_wait3A_278, %dma_wait3A_279] : memref<2x1x80xi32, #tpu.memory_space<vmem>> -> memref<1x1x80xi32, #tpu.memory_space<vmem>>
          %dma_wait3A_281 = tpu.memref_squeeze %dma_wait3A_280 : memref<1x1x80xi32, #tpu.memory_space<vmem>> -> memref<1x80xi32, #tpu.memory_space<vmem>>
          %dma_wait3A_282 = arith.constant 0 : i32
          %dma_wait3A_283 = tpu.memref_slice %arg3[%mul3A_275, %dma_wait3A_282] : memref<4000x80xi32, #tpu.memory_space<hbm>> -> memref<1x80xi32, #tpu.memory_space<hbm>>
          %dma_wait3A_284 = tpu.memref_slice %run_scoped3A_7[%rem3A_277] : memref<2x!tpu.dma_semaphore, #tpu.memory_space<semaphore_mem>> -> memref<1x!tpu.dma_semaphore, #tpu.memory_space<semaphore_mem>>
          %dma_wait3A_285 = tpu.memref_squeeze %dma_wait3A_284 : memref<1x!tpu.dma_semaphore, #tpu.memory_space<semaphore_mem>> -> memref<!tpu.dma_semaphore, #tpu.memory_space<semaphore_mem>>
          %dma_wait3A_286 = arith.constant 0 : i32
          %dma_wait3A_287 = arith.constant 0 : i32
          %dma_wait3A_288 = tpu.memref_slice %run_scoped3A[%rem3A_277, %dma_wait3A_286, %dma_wait3A_287] : memref<2x1x80xi32, #tpu.memory_space<vmem>> -> memref<1x1x80xi32, #tpu.memory_space<vmem>>
          %dma_wait3A_289 = tpu.memref_squeeze %dma_wait3A_288 : memref<1x1x80xi32, #tpu.memory_space<vmem>> -> memref<1x80xi32, #tpu.memory_space<vmem>>
          %dma_wait3A_290 = arith.constant 0 : i32
          %dma_wait3A_291 = tpu.memref_slice %arg3[%mul3A_275, %dma_wait3A_290] : memref<4000x80xi32, #tpu.memory_space<hbm>> -> memref<1x80xi32, #tpu.memory_space<hbm>>
          tpu.wait_dma2 semaphore(%dma_wait3A_285 : memref<!tpu.dma_semaphore, #tpu.memory_space<semaphore_mem>>) src(%dma_wait3A_291 : memref<1x80xi32, #tpu.memory_space<hbm>>) dst(%dma_wait3A_289 : memref<1x80xi32, #tpu.memory_space<vmem>>)
          "tpu.trace_stop"() : () -> ()
        } else {
        }
        %ne3A_189 = arith.cmpi ne, %add3A_131, %add3A_140 : i32
        %or3A_190 = arith.constant false
        %or3A_191 = arith.ori %or3A_190, %ne3A_189 : i1
        %or3A_192 = arith.constant false
        %or3A_193 = arith.ori %or3A_191, %or3A_192 : i1
        %or3A_194 = arith.ori %or3A_193, %eq3A_128 : i1
        %convert_element_type3A_195 = arith.extui %or3A_194 : i1 to i32
        %cond3A_196 = arith.constant 0 : i32
        %cond3A_197 = arith.cmpi ne, %convert_element_type3A_195, %cond3A_196 : i32
        scf.if %cond3A_197 {
        } else {
        }
        %rem3A_198 = arith.constant 2 : i32
        %rem3A_199 = arith.remui %scan3A_123, %rem3A_198 : i32
        %rem3A_200 = arith.constant 2 : i32
        %rem3A_201 = arith.remui %scan3A_124, %rem3A_200 : i32
        %run_scoped3A_202 = arith.constant 0 : i32
        "tpu.trace_start"() <{level = 10 : i32, message = "ep_run_kernel"}> : () -> ()
        "tpu.region"() ({
          %run_scoped3A_274 = tpu.sem_alloc : memref<!tpu.dma_semaphore, #tpu.memory_space<semaphore_mem>>
          %dma_start3A_275 = arith.constant 0 : i32
          %dma_start3A_276 = arith.constant 0 : i32
          %dma_start3A_277 = tpu.memref_slice %run_scoped3A_8[%rem3A_201, %dma_start3A_275, %dma_start3A_276] : memref<2x80x128xf32, #tpu.memory_space<vmem>> -> memref<1x80x128xf32, #tpu.memory_space<vmem>>
          %dma_start3A_278 = tpu.memref_squeeze %dma_start3A_277 : memref<1x80x128xf32, #tpu.memory_space<vmem>> -> memref<80x128xf32, #tpu.memory_space<vmem>>
          %dma_start3A_279 = arith.constant 0 : i32
          %dma_start3A_280 = arith.constant 0 : i32
          %dma_start3A_281 = tpu.memref_slice %run_scoped3A[%rem3A_199, %dma_start3A_279, %dma_start3A_280] : memref<2x1x80xi32, #tpu.memory_space<vmem>> -> memref<1x1x80xi32, #tpu.memory_space<vmem>>
          %dma_start3A_282 = tpu.memref_squeeze %dma_start3A_281 : memref<1x1x80xi32, #tpu.memory_space<vmem>> -> memref<1x80xi32, #tpu.memory_space<vmem>>
          %dma_start3A_283 = arith.constant 0 : i32
          %dma_start3A_284 = tpu.memref_slice %dma_start3A_282[%run_scoped3A_202, %dma_start3A_283] : memref<1x80xi32, #tpu.memory_space<vmem>> -> memref<1x80xi32, #tpu.memory_space<vmem>>
          %dma_start3A_285 = tpu.memref_squeeze %dma_start3A_284 : memref<1x80xi32, #tpu.memory_space<vmem>> -> memref<80xi32, #tpu.memory_space<vmem>>
          %dma_start3A_286 = arith.constant 0 : i32
          %dma_start3A_287 = arith.constant 0 : i32
          %dma_start3A_288 = tpu.memref_slice %arg2[%dma_start3A_286, %dma_start3A_287] : memref<6000x128xf32, #tpu.memory_space<hbm>> -> memref<6000x128xf32, #tpu.memory_space<hbm>>
          tpu.enqueue_indirect_dma source(%dma_start3A_288 : memref<6000x128xf32, #tpu.memory_space<hbm>>) target(%dma_start3A_278 : memref<80x128xf32, #tpu.memory_space<vmem>>) offsets(%dma_start3A_285 : memref<80xi32, #tpu.memory_space<vmem>>) semaphore(%run_scoped3A_274 : memref<!tpu.dma_semaphore, #tpu.memory_space<semaphore_mem>>)
          %dma_wait3A_289 = arith.constant 0 : i32
          %dma_wait3A_290 = arith.constant 0 : i32
          %dma_wait3A_291 = tpu.memref_slice %run_scoped3A_8[%rem3A_201, %dma_wait3A_289, %dma_wait3A_290] : memref<2x80x128xf32, #tpu.memory_space<vmem>> -> memref<1x80x128xf32, #tpu.memory_space<vmem>>
          %dma_wait3A_292 = tpu.memref_squeeze %dma_wait3A_291 : memref<1x80x128xf32, #tpu.memory_space<vmem>> -> memref<80x128xf32, #tpu.memory_space<vmem>>
          %dma_wait3A_293 = arith.constant 0 : i32
          %dma_wait3A_294 = arith.constant 0 : i32
          %dma_wait3A_295 = tpu.memref_slice %run_scoped3A[%rem3A_199, %dma_wait3A_293, %dma_wait3A_294] : memref<2x1x80xi32, #tpu.memory_space<vmem>> -> memref<1x1x80xi32, #tpu.memory_space<vmem>>
          %dma_wait3A_296 = tpu.memref_squeeze %dma_wait3A_295 : memref<1x1x80xi32, #tpu.memory_space<vmem>> -> memref<1x80xi32, #tpu.memory_space<vmem>>
          %dma_wait3A_297 = arith.constant 0 : i32
          %dma_wait3A_298 = tpu.memref_slice %dma_wait3A_296[%run_scoped3A_202, %dma_wait3A_297] : memref<1x80xi32, #tpu.memory_space<vmem>> -> memref<1x80xi32, #tpu.memory_space<vmem>>
          %dma_wait3A_299 = tpu.memref_squeeze %dma_wait3A_298 : memref<1x80xi32, #tpu.memory_space<vmem>> -> memref<80xi32, #tpu.memory_space<vmem>>
          %dma_wait3A_300 = arith.constant 0 : i32
          %dma_wait3A_301 = arith.constant 0 : i32
          %dma_wait3A_302 = tpu.memref_slice %arg2[%dma_wait3A_300, %dma_wait3A_301] : memref<6000x128xf32, #tpu.memory_space<hbm>> -> memref<6000x128xf32, #tpu.memory_space<hbm>>
          tpu.wait_indirect_dma semaphore(%run_scoped3A_274 : memref<!tpu.dma_semaphore, #tpu.memory_space<semaphore_mem>>) src(%dma_wait3A_302 : memref<6000x128xf32, #tpu.memory_space<hbm>>) dst(%dma_wait3A_292 : memref<80x128xf32, #tpu.memory_space<vmem>>)
          tpu.yield
        }) : () -> ()
        "tpu.trace_stop"() : () -> ()
        %ne3A_203 = arith.cmpi ne, %add3A_131, %add3A_149 : i32
        %or3A_204 = arith.constant false
        %or3A_205 = arith.ori %or3A_204, %ne3A_203 : i1
        %or3A_206 = arith.constant false
        %or3A_207 = arith.ori %or3A_205, %or3A_206 : i1
        %or3A_208 = arith.ori %or3A_207, %eq3A_130 : i1
        %convert_element_type3A_209 = arith.extui %or3A_208 : i1 to i32
        %cond3A_210 = arith.constant 0 : i32
        %cond3A_211 = arith.cmpi ne, %convert_element_type3A_209, %cond3A_210 : i32
        scf.if %cond3A_211 {
        } else {
        }
        %and3A_212 = arith.constant false
        %and3A_213 = arith.andi %or3A_208, %and3A_212 : i1
        %ne3A_214 = arith.cmpi ne, %add3A_131, %add3A_149 : i32
        %or3A_215 = arith.constant false
        %or3A_216 = arith.ori %or3A_215, %ne3A_214 : i1
        %or3A_217 = arith.constant false
        %or3A_218 = arith.ori %or3A_216, %or3A_217 : i1
        %or3A_219 = arith.ori %or3A_218, %eq3A_130 : i1
        %convert_element_type3A_220 = arith.extui %or3A_219 : i1 to i32
        %cond3A_221 = arith.constant 0 : i32
        %cond3A_222 = arith.cmpi ne, %convert_element_type3A_220, %cond3A_221 : i32
        scf.if %cond3A_222 {
          "tpu.trace_start"() <{level = 10 : i32, message = "ep_copy_out"}> : () -> ()
          %rem3A_274 = arith.constant 2 : i32
          %rem3A_275 = arith.remui %scan3A_124, %rem3A_274 : i32
          %mul3A_276 = arith.constant 80 : i32
          %mul3A_277 = arith.muli %mul3A_276, %add3A_131 : i32
          %dma_start3A_278 = arith.constant 0 : i32
          %dma_start3A_279 = arith.constant 0 : i32
          %dma_start3A_280 = tpu.memref_slice %run_scoped3A_8[%rem3A_275, %dma_start3A_278, %dma_start3A_279] : memref<2x80x128xf32, #tpu.memory_space<vmem>> -> memref<1x80x128xf32, #tpu.memory_space<vmem>>
          %dma_start3A_281 = tpu.memref_squeeze %dma_start3A_280 : memref<1x80x128xf32, #tpu.memory_space<vmem>> -> memref<80x128xf32, #tpu.memory_space<vmem>>
          %dma_start3A_282 = arith.constant 0 : i32
          %dma_start3A_283 = tpu.memref_slice %arg4[%mul3A_277, %dma_start3A_282] : memref<320000x128xf32, #tpu.memory_space<hbm>> -> memref<80x128xf32, #tpu.memory_space<hbm>>
          %dma_start3A_284 = tpu.memref_slice %run_scoped3A_9[%rem3A_275] : memref<2x!tpu.dma_semaphore, #tpu.memory_space<semaphore_mem>> -> memref<1x!tpu.dma_semaphore, #tpu.memory_space<semaphore_mem>>
          %dma_start3A_285 = tpu.memref_squeeze %dma_start3A_284 : memref<1x!tpu.dma_semaphore, #tpu.memory_space<semaphore_mem>> -> memref<!tpu.dma_semaphore, #tpu.memory_space<semaphore_mem>>
          %dma_start3A_286 = arith.constant 0 : i32
          %dma_start3A_287 = tpu.memref_slice %arg4[%mul3A_277, %dma_start3A_286] : memref<320000x128xf32, #tpu.memory_space<hbm>> -> memref<80x128xf32, #tpu.memory_space<hbm>>
          %dma_start3A_288 = arith.constant 0 : i32
          %dma_start3A_289 = arith.constant 0 : i32
          %dma_start3A_290 = tpu.memref_slice %run_scoped3A_8[%rem3A_275, %dma_start3A_288, %dma_start3A_289] : memref<2x80x128xf32, #tpu.memory_space<vmem>> -> memref<1x80x128xf32, #tpu.memory_space<vmem>>
          %dma_start3A_291 = tpu.memref_squeeze %dma_start3A_290 : memref<1x80x128xf32, #tpu.memory_space<vmem>> -> memref<80x128xf32, #tpu.memory_space<vmem>>
          tpu.enqueue_dma source(%dma_start3A_291 : memref<80x128xf32, #tpu.memory_space<vmem>>) target(%dma_start3A_287 : memref<80x128xf32, #tpu.memory_space<hbm>>) target_semaphore(%dma_start3A_285 : memref<!tpu.dma_semaphore, #tpu.memory_space<semaphore_mem>>)
          "tpu.trace_stop"() : () -> ()
        } else {
        }
        %and3A_223 = arith.constant true
        %and3A_224 = arith.andi %or3A_219, %and3A_223 : i1
        %add3A_225 = arith.constant 1 : i32
        %add3A_226 = arith.addi %scan3A_124, %add3A_225 : i32
        %select_n3A_227 = arith.select %and3A_224, %add3A_226, %scan3A_124 : i32
        %ne3A_228 = arith.cmpi ne, %add3A_131, %add3A_140 : i32
        %or3A_229 = arith.constant false
        %or3A_230 = arith.ori %or3A_229, %ne3A_228 : i1
        %or3A_231 = arith.constant false
        %or3A_232 = arith.ori %or3A_230, %or3A_231 : i1
        %not3A_233 = arith.constant true
        %not3A_234 = arith.xori %eq3A_128, %not3A_233 : i1
        %and3A_235 = arith.andi %or3A_232, %not3A_234 : i1
        %convert_element_type3A_236 = arith.extui %and3A_235 : i1 to i32
        %cond3A_237 = arith.constant 0 : i32
        %cond3A_238 = arith.cmpi ne, %convert_element_type3A_236, %cond3A_237 : i32
        scf.if %cond3A_238 {
        } else {
        }
        %and3A_239 = arith.constant false
        %and3A_240 = arith.andi %and3A_235, %and3A_239 : i1
        %ne3A_241 = arith.cmpi ne, %add3A_131, %add3A_140 : i32
        %or3A_242 = arith.constant false
        %or3A_243 = arith.ori %or3A_242, %ne3A_241 : i1
        %or3A_244 = arith.constant false
        %or3A_245 = arith.ori %or3A_243, %or3A_244 : i1
        %not3A_246 = arith.constant true
        %not3A_247 = arith.xori %eq3A_128, %not3A_246 : i1
        %and3A_248 = arith.andi %or3A_245, %not3A_247 : i1
        %convert_element_type3A_249 = arith.extui %and3A_248 : i1 to i32
        %cond3A_250 = arith.constant 0 : i32
        %cond3A_251 = arith.cmpi ne, %convert_element_type3A_249, %cond3A_250 : i32
        scf.if %cond3A_251 {
          "tpu.trace_start"() <{level = 10 : i32, message = "ep_wait_out"}> : () -> ()
          %rem3A_274 = arith.constant 2 : i32
          %rem3A_275 = arith.remui %scan3A_125, %rem3A_274 : i32
          %mul3A_276 = arith.constant 80 : i32
          %mul3A_277 = arith.muli %mul3A_276, %add3A_140 : i32
          %dma_wait3A_278 = arith.constant 0 : i32
          %dma_wait3A_279 = arith.constant 0 : i32
          %dma_wait3A_280 = tpu.memref_slice %run_scoped3A_8[%rem3A_275, %dma_wait3A_278, %dma_wait3A_279] : memref<2x80x128xf32, #tpu.memory_space<vmem>> -> memref<1x80x128xf32, #tpu.memory_space<vmem>>
          %dma_wait3A_281 = tpu.memref_squeeze %dma_wait3A_280 : memref<1x80x128xf32, #tpu.memory_space<vmem>> -> memref<80x128xf32, #tpu.memory_space<vmem>>
          %dma_wait3A_282 = arith.constant 0 : i32
          %dma_wait3A_283 = tpu.memref_slice %arg4[%mul3A_277, %dma_wait3A_282] : memref<320000x128xf32, #tpu.memory_space<hbm>> -> memref<80x128xf32, #tpu.memory_space<hbm>>
          %dma_wait3A_284 = tpu.memref_slice %run_scoped3A_9[%rem3A_275] : memref<2x!tpu.dma_semaphore, #tpu.memory_space<semaphore_mem>> -> memref<1x!tpu.dma_semaphore, #tpu.memory_space<semaphore_mem>>
          %dma_wait3A_285 = tpu.memref_squeeze %dma_wait3A_284 : memref<1x!tpu.dma_semaphore, #tpu.memory_space<semaphore_mem>> -> memref<!tpu.dma_semaphore, #tpu.memory_space<semaphore_mem>>
          %dma_wait3A_286 = arith.constant 0 : i32
          %dma_wait3A_287 = tpu.memref_slice %arg4[%mul3A_277, %dma_wait3A_286] : memref<320000x128xf32, #tpu.memory_space<hbm>> -> memref<80x128xf32, #tpu.memory_space<hbm>>
          %dma_wait3A_288 = arith.constant 0 : i32
          %dma_wait3A_289 = arith.constant 0 : i32
          %dma_wait3A_290 = tpu.memref_slice %run_scoped3A_8[%rem3A_275, %dma_wait3A_288, %dma_wait3A_289] : memref<2x80x128xf32, #tpu.memory_space<vmem>> -> memref<1x80x128xf32, #tpu.memory_space<vmem>>
          %dma_wait3A_291 = tpu.memref_squeeze %dma_wait3A_290 : memref<1x80x128xf32, #tpu.memory_space<vmem>> -> memref<80x128xf32, #tpu.memory_space<vmem>>
          tpu.wait_dma2 semaphore(%dma_wait3A_285 : memref<!tpu.dma_semaphore, #tpu.memory_space<semaphore_mem>>) src(%dma_wait3A_291 : memref<80x128xf32, #tpu.memory_space<vmem>>) dst(%dma_wait3A_287 : memref<80x128xf32, #tpu.memory_space<hbm>>)
          "tpu.trace_stop"() : () -> ()
        } else {
        }
        %and3A_252 = arith.constant true
        %and3A_253 = arith.andi %and3A_248, %and3A_252 : i1
        %add3A_254 = arith.constant 1 : i32
        %add3A_255 = arith.addi %scan3A_125, %add3A_254 : i32
        %select_n3A_256 = arith.select %and3A_253, %add3A_255, %scan3A_125 : i32
        %ne3A_257 = arith.cmpi ne, %add3A_131, %add3A_149 : i32
        %or3A_258 = arith.constant false
        %or3A_259 = arith.ori %or3A_258, %ne3A_257 : i1
        %or3A_260 = arith.constant false
        %or3A_261 = arith.ori %or3A_259, %or3A_260 : i1
        %or3A_262 = arith.ori %or3A_261, %eq3A_130 : i1
        %add3A_263 = arith.constant 1 : i32
        %add3A_264 = arith.addi %scan3A_123, %add3A_263 : i32
        %select_n3A_265 = arith.select %or3A_262, %add3A_264, %scan3A_123 : i32
        %add3A_266 = arith.constant 1 : i32
        %add3A_267 = arith.addi %scan3A_126, %add3A_266 : i32
        %select_n3A_268 = arith.constant true
        %select_n3A_269 = arith.select %select_n3A_268, %add3A_267, %scan3A_126 : i32
        %eq3A_270 = arith.constant 125 : i32
        %eq3A_271 = arith.cmpi eq, %select_n3A_269, %eq3A_270 : i32
        %select_n3A_272 = arith.constant 0 : i32
        %select_n3A_273 = arith.select %eq3A_271, %select_n3A_272, %select_n3A_269 : i32
        scf.yield %select_n3A_169, %select_n3A_265, %select_n3A_227, %select_n3A_256, %select_n3A_273 : i32, i32, i32, i32, i32
      }
      %scan3A_68 = arith.constant 125 : i32
      %sub3A = arith.constant 1 : i32
      %sub3A_69 = arith.subi %scan3A_67#4, %sub3A : i32
      %select_n3A_70 = arith.constant true
      %select_n3A_71 = arith.select %select_n3A_70, %sub3A_69, %scan3A_67#4 : i32
      %eq3A_72 = arith.constant -1 : i32
      %eq3A_73 = arith.cmpi eq, %select_n3A_71, %eq3A_72 : i32
      %select_n3A_74 = arith.constant 124 : i32
      %select_n3A_75 = arith.select %eq3A_73, %select_n3A_74, %select_n3A_71 : i32
      %add3A_76 = arith.addi %select_n3A_75, %mul3A_6 : i32
      %sub3A_77 = arith.constant 1 : i32
      %sub3A_78 = arith.subi %select_n3A_75, %sub3A_77 : i32
      %select_n3A_79 = arith.constant true
      %select_n3A_80 = arith.select %select_n3A_79, %sub3A_78, %select_n3A_75 : i32
      %eq3A_81 = arith.constant -1 : i32
      %eq3A_82 = arith.cmpi eq, %select_n3A_80, %eq3A_81 : i32
      %select_n3A_83 = arith.constant 124 : i32
      %select_n3A_84 = arith.select %eq3A_82, %select_n3A_83, %select_n3A_80 : i32
      %add3A_85 = arith.addi %select_n3A_84, %mul3A_6 : i32
      %add3A_86 = arith.constant 1 : i32
      %add3A_87 = arith.addi %select_n3A_75, %add3A_86 : i32
      %select_n3A_88 = arith.constant true
      %select_n3A_89 = arith.select %select_n3A_88, %add3A_87, %select_n3A_75 : i32
      %eq3A_90 = arith.constant 125 : i32
      %eq3A_91 = arith.cmpi eq, %select_n3A_89, %eq3A_90 : i32
      %select_n3A_92 = arith.constant 0 : i32
      %select_n3A_93 = arith.select %eq3A_91, %select_n3A_92, %select_n3A_89 : i32
      %add3A_94 = arith.addi %select_n3A_93, %mul3A_6 : i32
      %add3A_95 = arith.constant 1 : i32
      %add3A_96 = arith.addi %select_n3A_93, %add3A_95 : i32
      %select_n3A_97 = arith.constant true
      %select_n3A_98 = arith.select %select_n3A_97, %add3A_96, %select_n3A_93 : i32
      %eq3A_99 = arith.constant 125 : i32
      %eq3A_100 = arith.cmpi eq, %select_n3A_98, %eq3A_99 : i32
      %select_n3A_101 = arith.constant 0 : i32
      %select_n3A_102 = arith.select %eq3A_100, %select_n3A_101, %select_n3A_98 : i32
      %add3A_103 = arith.addi %select_n3A_102, %mul3A_6 : i32
      "tpu.trace_start"() <{level = 10 : i32, message = "ep_finalize"}> : () -> ()
      %rem3A_104 = arith.constant 2 : i32
      %rem3A_105 = arith.remui %scan3A_67#3, %rem3A_104 : i32
      %mul3A_106 = arith.constant 80 : i32
      %mul3A_107 = arith.muli %mul3A_106, %add3A_76 : i32
      %dma_wait3A = arith.constant 0 : i32
      %dma_wait3A_108 = arith.constant 0 : i32
      %dma_wait3A_109 = tpu.memref_slice %run_scoped3A_8[%rem3A_105, %dma_wait3A, %dma_wait3A_108] : memref<2x80x128xf32, #tpu.memory_space<vmem>> -> memref<1x80x128xf32, #tpu.memory_space<vmem>>
      %dma_wait3A_110 = tpu.memref_squeeze %dma_wait3A_109 : memref<1x80x128xf32, #tpu.memory_space<vmem>> -> memref<80x128xf32, #tpu.memory_space<vmem>>
      %dma_wait3A_111 = arith.constant 0 : i32
      %dma_wait3A_112 = tpu.memref_slice %arg4[%mul3A_107, %dma_wait3A_111] : memref<320000x128xf32, #tpu.memory_space<hbm>> -> memref<80x128xf32, #tpu.memory_space<hbm>>
      %dma_wait3A_113 = tpu.memref_slice %run_scoped3A_9[%rem3A_105] : memref<2x!tpu.dma_semaphore, #tpu.memory_space<semaphore_mem>> -> memref<1x!tpu.dma_semaphore, #tpu.memory_space<semaphore_mem>>
      %dma_wait3A_114 = tpu.memref_squeeze %dma_wait3A_113 : memref<1x!tpu.dma_semaphore, #tpu.memory_space<semaphore_mem>> -> memref<!tpu.dma_semaphore, #tpu.memory_space<semaphore_mem>>
      %dma_wait3A_115 = arith.constant 0 : i32
      %dma_wait3A_116 = tpu.memref_slice %arg4[%mul3A_107, %dma_wait3A_115] : memref<320000x128xf32, #tpu.memory_space<hbm>> -> memref<80x128xf32, #tpu.memory_space<hbm>>
      %dma_wait3A_117 = arith.constant 0 : i32
      %dma_wait3A_118 = arith.constant 0 : i32
      %dma_wait3A_119 = tpu.memref_slice %run_scoped3A_8[%rem3A_105, %dma_wait3A_117, %dma_wait3A_118] : memref<2x80x128xf32, #tpu.memory_space<vmem>> -> memref<1x80x128xf32, #tpu.memory_space<vmem>>
      %dma_wait3A_120 = tpu.memref_squeeze %dma_wait3A_119 : memref<1x80x128xf32, #tpu.memory_space<vmem>> -> memref<80x128xf32, #tpu.memory_space<vmem>>
      tpu.wait_dma2 semaphore(%dma_wait3A_114 : memref<!tpu.dma_semaphore, #tpu.memory_space<semaphore_mem>>) src(%dma_wait3A_120 : memref<80x128xf32, #tpu.memory_space<vmem>>) dst(%dma_wait3A_116 : memref<80x128xf32, #tpu.memory_space<hbm>>)
      "tpu.trace_stop"() : () -> ()
      tpu.yield
    }) : () -> ()
    return
  }
}

#map = affine_map<(d0, d1) -> (0, 0)>
#map1 = affine_map<(d0, d1) -> (0)>
#map2 = affine_map<(d0, d1) -> (0, 0, 0)>
module attributes {stable_mosaic.version = 14 : i64} {
  func.func @body(%arg0: i32, %arg1: i32, %arg2: memref<320000x128xf32, #tpu.memory_space<hbm>>, %arg3: memref<320000x128xf32, #tpu.memory_space<hbm>>, %arg4: memref<320000xi32, #tpu.memory_space<hbm>>, %arg5: memref<376x128xf32, #tpu.memory_space<hbm>>, %arg6: memref<2x6016x128xf32, #tpu.memory_space<hbm>>, %arg7: memref<2x6016x128xf32, #tpu.memory_space<hbm>>, %arg8: memref<40xi32, #tpu.memory_space<vmem>>, %arg9: memref<40xi32, #tpu.memory_space<vmem>>, %arg10: memref<40x128xf32, #tpu.memory_space<vmem>>, %arg11: memref<40x128xf32, #tpu.memory_space<vmem>>, %arg12: memref<40x128xf32, #tpu.memory_space<vmem>>, %arg13: memref<40x128xf32, #tpu.memory_space<vmem>>, %arg14: memref<6016x128xf32, #tpu.memory_space<vmem_shared>>, %arg15: memref<6016x128xf32, #tpu.memory_space<vmem_shared>>, %arg16: memref<!tpu.dma_semaphore, #tpu.memory_space<semaphore_mem>>, %arg17: memref<!tpu.dma_semaphore, #tpu.memory_space<semaphore_mem>>, %arg18: memref<!tpu.dma_semaphore, #tpu.memory_space<semaphore_mem>>, %arg19: memref<!tpu.dma_semaphore, #tpu.memory_space<semaphore_mem>>, %arg20: memref<!tpu.dma_semaphore, #tpu.memory_space<semaphore_mem>>, %arg21: memref<!tpu.dma_semaphore, #tpu.memory_space<semaphore_mem>>) attributes {dimension_semantics = [#tpu.dimension_semantics<core_parallel>, #tpu.dimension_semantics<subcore_parallel>], iteration_bounds = array<i64: 2, 16>, scalar_prefetch = 0 : i64, scratch_operands = 14 : i64, tpu.core_type = #tpu.core_type<sc_vector_subcore>, window_params = [{transform_indices = #map}, {transform_indices = #map}, {transform_indices = #map1}, {transform_indices = #map}, {transform_indices = #map2}, {transform_indices = #map2}]} {
    %mul3A = arith.constant 2 : i32
    %mul3A_0 = arith.muli %arg1, %mul3A : i32
    %add3A = arith.addi %mul3A_0, %arg0 : i32
    %mul3A_1 = arith.constant 250 : i32
    %mul3A_2 = arith.muli %add3A, %mul3A_1 : i32
    %mul3A_3 = arith.constant 376 : i32
    %mul3A_4 = arith.muli %arg1, %mul3A_3 : i32
    "tpu.region"() ({
      %run_scoped3A = tpu.sem_alloc : memref<!tpu.dma_semaphore, #tpu.memory_space<semaphore_mem>>
      %dma_start3A_63 = arith.constant 0 : i32
      %dma_start3A_64 = tpu.memref_slice %arg14[%mul3A_4, %dma_start3A_63] : memref<6016x128xf32, #tpu.memory_space<vmem_shared>> -> memref<376x128xf32, #tpu.memory_space<vmem_shared>>
      tpu.enqueue_dma source(%arg5 : memref<376x128xf32, #tpu.memory_space<hbm>>) target(%dma_start3A_64 : memref<376x128xf32, #tpu.memory_space<vmem_shared>>) target_semaphore(%run_scoped3A : memref<!tpu.dma_semaphore, #tpu.memory_space<semaphore_mem>>)
      %dma_wait3A = arith.constant 0 : i32
      %dma_wait3A_65 = tpu.memref_slice %arg14[%mul3A_4, %dma_wait3A] : memref<6016x128xf32, #tpu.memory_space<vmem_shared>> -> memref<376x128xf32, #tpu.memory_space<vmem_shared>>
      tpu.wait_dma2 semaphore(%run_scoped3A : memref<!tpu.dma_semaphore, #tpu.memory_space<semaphore_mem>>) src(%arg5 : memref<376x128xf32, #tpu.memory_space<hbm>>) dst(%dma_wait3A_65 : memref<376x128xf32, #tpu.memory_space<vmem_shared>>)
      tpu.yield
    }) : () -> ()
    %mul3A_5 = arith.constant 376 : i32
    %mul3A_6 = arith.muli %arg1, %mul3A_5 : i32
    "tpu.region"() ({
      %run_scoped3A = tpu.sem_alloc : memref<!tpu.dma_semaphore, #tpu.memory_space<semaphore_mem>>
      %dma_start3A_63 = arith.constant 0 : i32
      %dma_start3A_64 = tpu.memref_slice %arg15[%mul3A_6, %dma_start3A_63] : memref<6016x128xf32, #tpu.memory_space<vmem_shared>> -> memref<376x128xf32, #tpu.memory_space<vmem_shared>>
      tpu.enqueue_dma source(%arg5 : memref<376x128xf32, #tpu.memory_space<hbm>>) target(%dma_start3A_64 : memref<376x128xf32, #tpu.memory_space<vmem_shared>>) target_semaphore(%run_scoped3A : memref<!tpu.dma_semaphore, #tpu.memory_space<semaphore_mem>>)
      %dma_wait3A = arith.constant 0 : i32
      %dma_wait3A_65 = tpu.memref_slice %arg15[%mul3A_6, %dma_wait3A] : memref<6016x128xf32, #tpu.memory_space<vmem_shared>> -> memref<376x128xf32, #tpu.memory_space<vmem_shared>>
      tpu.wait_dma2 semaphore(%run_scoped3A : memref<!tpu.dma_semaphore, #tpu.memory_space<semaphore_mem>>) src(%arg5 : memref<376x128xf32, #tpu.memory_space<hbm>>) dst(%dma_wait3A_65 : memref<376x128xf32, #tpu.memory_space<vmem_shared>>)
      tpu.yield
    }) : () -> ()
    %barrier3A = arith.constant 0 : index
    tpu.barrier barrier_id(%barrier3A)
    %add3A_7 = arith.constant 0 : i32
    %add3A_8 = arith.addi %mul3A_2, %add3A_7 : i32
    %mul3A_9 = arith.constant 40 : i32
    %mul3A_10 = arith.muli %add3A_8, %mul3A_9 : i32
    %dma_start3A = tpu.memref_slice %arg4[%mul3A_10] : memref<320000xi32, #tpu.memory_space<hbm>> -> memref<40xi32, #tpu.memory_space<hbm>>
    %dma_start3A_11 = tpu.memref_slice %arg4[%mul3A_10] : memref<320000xi32, #tpu.memory_space<hbm>> -> memref<40xi32, #tpu.memory_space<hbm>>
    tpu.enqueue_dma source(%dma_start3A_11 : memref<40xi32, #tpu.memory_space<hbm>>) target(%arg8 : memref<40xi32, #tpu.memory_space<vmem>>) target_semaphore(%arg16 : memref<!tpu.dma_semaphore, #tpu.memory_space<semaphore_mem>>)
    %add3A_12 = arith.constant 0 : i32
    %add3A_13 = arith.addi %mul3A_2, %add3A_12 : i32
    %mul3A_14 = arith.constant 40 : i32
    %mul3A_15 = arith.muli %add3A_13, %mul3A_14 : i32
    %dma_start3A_16 = arith.constant 0 : i32
    %dma_start3A_17 = tpu.memref_slice %arg2[%mul3A_15, %dma_start3A_16] : memref<320000x128xf32, #tpu.memory_space<hbm>> -> memref<40x128xf32, #tpu.memory_space<hbm>>
    %dma_start3A_18 = arith.constant 0 : i32
    %dma_start3A_19 = tpu.memref_slice %arg2[%mul3A_15, %dma_start3A_18] : memref<320000x128xf32, #tpu.memory_space<hbm>> -> memref<40x128xf32, #tpu.memory_space<hbm>>
    tpu.enqueue_dma source(%dma_start3A_19 : memref<40x128xf32, #tpu.memory_space<hbm>>) target(%arg10 : memref<40x128xf32, #tpu.memory_space<vmem>>) target_semaphore(%arg18 : memref<!tpu.dma_semaphore, #tpu.memory_space<semaphore_mem>>)
    %add3A_20 = arith.constant 0 : i32
    %add3A_21 = arith.addi %mul3A_2, %add3A_20 : i32
    %mul3A_22 = arith.constant 40 : i32
    %mul3A_23 = arith.muli %add3A_21, %mul3A_22 : i32
    %dma_start3A_24 = arith.constant 0 : i32
    %dma_start3A_25 = tpu.memref_slice %arg3[%mul3A_23, %dma_start3A_24] : memref<320000x128xf32, #tpu.memory_space<hbm>> -> memref<40x128xf32, #tpu.memory_space<hbm>>
    %dma_start3A_26 = arith.constant 0 : i32
    %dma_start3A_27 = tpu.memref_slice %arg3[%mul3A_23, %dma_start3A_26] : memref<320000x128xf32, #tpu.memory_space<hbm>> -> memref<40x128xf32, #tpu.memory_space<hbm>>
    tpu.enqueue_dma source(%dma_start3A_27 : memref<40x128xf32, #tpu.memory_space<hbm>>) target(%arg12 : memref<40x128xf32, #tpu.memory_space<vmem>>) target_semaphore(%arg20 : memref<!tpu.dma_semaphore, #tpu.memory_space<semaphore_mem>>)
    %add3A_28 = arith.constant 1 : i32
    %add3A_29 = arith.addi %mul3A_2, %add3A_28 : i32
    %mul3A_30 = arith.constant 40 : i32
    %mul3A_31 = arith.muli %add3A_29, %mul3A_30 : i32
    %dma_start3A_32 = tpu.memref_slice %arg4[%mul3A_31] : memref<320000xi32, #tpu.memory_space<hbm>> -> memref<40xi32, #tpu.memory_space<hbm>>
    %dma_start3A_33 = tpu.memref_slice %arg4[%mul3A_31] : memref<320000xi32, #tpu.memory_space<hbm>> -> memref<40xi32, #tpu.memory_space<hbm>>
    tpu.enqueue_dma source(%dma_start3A_33 : memref<40xi32, #tpu.memory_space<hbm>>) target(%arg9 : memref<40xi32, #tpu.memory_space<vmem>>) target_semaphore(%arg17 : memref<!tpu.dma_semaphore, #tpu.memory_space<semaphore_mem>>)
    %add3A_34 = arith.constant 1 : i32
    %add3A_35 = arith.addi %mul3A_2, %add3A_34 : i32
    %mul3A_36 = arith.constant 40 : i32
    %mul3A_37 = arith.muli %add3A_35, %mul3A_36 : i32
    %dma_start3A_38 = arith.constant 0 : i32
    %dma_start3A_39 = tpu.memref_slice %arg2[%mul3A_37, %dma_start3A_38] : memref<320000x128xf32, #tpu.memory_space<hbm>> -> memref<40x128xf32, #tpu.memory_space<hbm>>
    %dma_start3A_40 = arith.constant 0 : i32
    %dma_start3A_41 = tpu.memref_slice %arg2[%mul3A_37, %dma_start3A_40] : memref<320000x128xf32, #tpu.memory_space<hbm>> -> memref<40x128xf32, #tpu.memory_space<hbm>>
    tpu.enqueue_dma source(%dma_start3A_41 : memref<40x128xf32, #tpu.memory_space<hbm>>) target(%arg11 : memref<40x128xf32, #tpu.memory_space<vmem>>) target_semaphore(%arg19 : memref<!tpu.dma_semaphore, #tpu.memory_space<semaphore_mem>>)
    %add3A_42 = arith.constant 1 : i32
    %add3A_43 = arith.addi %mul3A_2, %add3A_42 : i32
    %mul3A_44 = arith.constant 40 : i32
    %mul3A_45 = arith.muli %add3A_43, %mul3A_44 : i32
    %dma_start3A_46 = arith.constant 0 : i32
    %dma_start3A_47 = tpu.memref_slice %arg3[%mul3A_45, %dma_start3A_46] : memref<320000x128xf32, #tpu.memory_space<hbm>> -> memref<40x128xf32, #tpu.memory_space<hbm>>
    %dma_start3A_48 = arith.constant 0 : i32
    %dma_start3A_49 = tpu.memref_slice %arg3[%mul3A_45, %dma_start3A_48] : memref<320000x128xf32, #tpu.memory_space<hbm>> -> memref<40x128xf32, #tpu.memory_space<hbm>>
    tpu.enqueue_dma source(%dma_start3A_49 : memref<40x128xf32, #tpu.memory_space<hbm>>) target(%arg13 : memref<40x128xf32, #tpu.memory_space<vmem>>) target_semaphore(%arg21 : memref<!tpu.dma_semaphore, #tpu.memory_space<semaphore_mem>>)
    %scan3A = arith.constant 0 : i32
    %scan3A_50 = arith.constant 125 : i32
    %scan3A_51 = arith.addi %scan3A, %scan3A_50 : i32
    %scan3A_52 = arith.constant 1 : i32
    scf.for %scan3A_63 = %scan3A to %scan3A_51 step %scan3A_52  : i32 {
      %mul3A_64 = arith.constant 2 : i32
      %mul3A_65 = arith.muli %scan3A_63, %mul3A_64 : i32
      %add3A_66 = arith.constant 0 : i32
      %add3A_67 = arith.addi %add3A_66, %mul3A_65 : i32
      %dma_wait3A = arith.constant 0 : i32
      %dma_wait3A_68 = tpu.memref_slice %arg4[%dma_wait3A] : memref<320000xi32, #tpu.memory_space<hbm>> -> memref<40xi32, #tpu.memory_space<hbm>>
      %dma_wait3A_69 = arith.constant 0 : i32
      %dma_wait3A_70 = tpu.memref_slice %arg4[%dma_wait3A_69] : memref<320000xi32, #tpu.memory_space<hbm>> -> memref<40xi32, #tpu.memory_space<hbm>>
      tpu.wait_dma2 semaphore(%arg16 : memref<!tpu.dma_semaphore, #tpu.memory_space<semaphore_mem>>) src(%dma_wait3A_70 : memref<40xi32, #tpu.memory_space<hbm>>) dst(%arg8 : memref<40xi32, #tpu.memory_space<vmem>>)
      %dma_wait3A_71 = arith.constant 0 : i32
      %dma_wait3A_72 = arith.constant 0 : i32
      %dma_wait3A_73 = tpu.memref_slice %arg2[%dma_wait3A_71, %dma_wait3A_72] : memref<320000x128xf32, #tpu.memory_space<hbm>> -> memref<40x128xf32, #tpu.memory_space<hbm>>
      %dma_wait3A_74 = arith.constant 0 : i32
      %dma_wait3A_75 = arith.constant 0 : i32
      %dma_wait3A_76 = tpu.memref_slice %arg2[%dma_wait3A_74, %dma_wait3A_75] : memref<320000x128xf32, #tpu.memory_space<hbm>> -> memref<40x128xf32, #tpu.memory_space<hbm>>
      tpu.wait_dma2 semaphore(%arg18 : memref<!tpu.dma_semaphore, #tpu.memory_space<semaphore_mem>>) src(%dma_wait3A_76 : memref<40x128xf32, #tpu.memory_space<hbm>>) dst(%arg10 : memref<40x128xf32, #tpu.memory_space<vmem>>)
      %dma_wait3A_77 = arith.constant 0 : i32
      %dma_wait3A_78 = arith.constant 0 : i32
      %dma_wait3A_79 = tpu.memref_slice %arg3[%dma_wait3A_77, %dma_wait3A_78] : memref<320000x128xf32, #tpu.memory_space<hbm>> -> memref<40x128xf32, #tpu.memory_space<hbm>>
      %dma_wait3A_80 = arith.constant 0 : i32
      %dma_wait3A_81 = arith.constant 0 : i32
      %dma_wait3A_82 = tpu.memref_slice %arg3[%dma_wait3A_80, %dma_wait3A_81] : memref<320000x128xf32, #tpu.memory_space<hbm>> -> memref<40x128xf32, #tpu.memory_space<hbm>>
      tpu.wait_dma2 semaphore(%arg20 : memref<!tpu.dma_semaphore, #tpu.memory_space<semaphore_mem>>) src(%dma_wait3A_82 : memref<40x128xf32, #tpu.memory_space<hbm>>) dst(%arg12 : memref<40x128xf32, #tpu.memory_space<vmem>>)
      "tpu.region"() ({
        %run_scoped3A = tpu.sem_alloc : memref<!tpu.dma_semaphore, #tpu.memory_space<semaphore_mem>>
        %dma_start3A_110 = arith.constant 0 : i32
        %dma_start3A_111 = arith.constant 0 : i32
        %dma_start3A_112 = tpu.memref_slice %arg14[%dma_start3A_110, %dma_start3A_111] : memref<6016x128xf32, #tpu.memory_space<vmem_shared>> -> memref<6016x128xf32, #tpu.memory_space<vmem_shared>>
        tpu.enqueue_indirect_dma source(%arg10 : memref<40x128xf32, #tpu.memory_space<vmem>>) target(%dma_start3A_112 : memref<6016x128xf32, #tpu.memory_space<vmem_shared>>) offsets(%arg8 : memref<40xi32, #tpu.memory_space<vmem>>) semaphore(%run_scoped3A : memref<!tpu.dma_semaphore, #tpu.memory_space<semaphore_mem>>) {add = true}
        %dma_wait3A_113 = arith.constant 0 : i32
        %dma_wait3A_114 = arith.constant 0 : i32
        %dma_wait3A_115 = tpu.memref_slice %arg14[%dma_wait3A_113, %dma_wait3A_114] : memref<6016x128xf32, #tpu.memory_space<vmem_shared>> -> memref<6016x128xf32, #tpu.memory_space<vmem_shared>>
        tpu.wait_indirect_dma semaphore(%run_scoped3A : memref<!tpu.dma_semaphore, #tpu.memory_space<semaphore_mem>>) src(%arg10 : memref<40x128xf32, #tpu.memory_space<vmem>>) dst(%dma_wait3A_115 : memref<6016x128xf32, #tpu.memory_space<vmem_shared>>)
        tpu.yield
      }) : () -> ()
      "tpu.region"() ({
        %run_scoped3A = tpu.sem_alloc : memref<!tpu.dma_semaphore, #tpu.memory_space<semaphore_mem>>
        %dma_start3A_110 = arith.constant 0 : i32
        %dma_start3A_111 = arith.constant 0 : i32
        %dma_start3A_112 = tpu.memref_slice %arg15[%dma_start3A_110, %dma_start3A_111] : memref<6016x128xf32, #tpu.memory_space<vmem_shared>> -> memref<6016x128xf32, #tpu.memory_space<vmem_shared>>
        tpu.enqueue_indirect_dma source(%arg12 : memref<40x128xf32, #tpu.memory_space<vmem>>) target(%dma_start3A_112 : memref<6016x128xf32, #tpu.memory_space<vmem_shared>>) offsets(%arg8 : memref<40xi32, #tpu.memory_space<vmem>>) semaphore(%run_scoped3A : memref<!tpu.dma_semaphore, #tpu.memory_space<semaphore_mem>>) {add = true}
        %dma_wait3A_113 = arith.constant 0 : i32
        %dma_wait3A_114 = arith.constant 0 : i32
        %dma_wait3A_115 = tpu.memref_slice %arg15[%dma_wait3A_113, %dma_wait3A_114] : memref<6016x128xf32, #tpu.memory_space<vmem_shared>> -> memref<6016x128xf32, #tpu.memory_space<vmem_shared>>
        tpu.wait_indirect_dma semaphore(%run_scoped3A : memref<!tpu.dma_semaphore, #tpu.memory_space<semaphore_mem>>) src(%arg12 : memref<40x128xf32, #tpu.memory_space<vmem>>) dst(%dma_wait3A_115 : memref<6016x128xf32, #tpu.memory_space<vmem_shared>>)
        tpu.yield
      }) : () -> ()
      %add3A_83 = arith.constant 2 : i32
      %add3A_84 = arith.addi %add3A_67, %add3A_83 : i32
      %lt3A = arith.constant 250 : i32
      %lt3A_85 = arith.cmpi slt, %add3A_84, %lt3A : i32
      %convert_element_type3A = arith.extui %lt3A_85 : i1 to i32
      %cond3A = arith.constant 0 : i32
      %cond3A_86 = arith.cmpi ne, %convert_element_type3A, %cond3A : i32
      scf.if %cond3A_86 {
        %add3A_110 = arith.constant 0 : i32
        %add3A_111 = arith.addi %add3A_67, %add3A_110 : i32
        %add3A_112 = arith.constant 2 : i32
        %add3A_113 = arith.addi %add3A_111, %add3A_112 : i32
        %add3A_114 = arith.addi %mul3A_2, %add3A_113 : i32
        %mul3A_115 = arith.constant 40 : i32
        %mul3A_116 = arith.muli %add3A_114, %mul3A_115 : i32
        %dma_start3A_117 = tpu.memref_slice %arg4[%mul3A_116] : memref<320000xi32, #tpu.memory_space<hbm>> -> memref<40xi32, #tpu.memory_space<hbm>>
        %dma_start3A_118 = tpu.memref_slice %arg4[%mul3A_116] : memref<320000xi32, #tpu.memory_space<hbm>> -> memref<40xi32, #tpu.memory_space<hbm>>
        tpu.enqueue_dma source(%dma_start3A_118 : memref<40xi32, #tpu.memory_space<hbm>>) target(%arg8 : memref<40xi32, #tpu.memory_space<vmem>>) target_semaphore(%arg16 : memref<!tpu.dma_semaphore, #tpu.memory_space<semaphore_mem>>)
        %add3A_119 = arith.addi %mul3A_2, %add3A_113 : i32
        %mul3A_120 = arith.constant 40 : i32
        %mul3A_121 = arith.muli %add3A_119, %mul3A_120 : i32
        %dma_start3A_122 = arith.constant 0 : i32
        %dma_start3A_123 = tpu.memref_slice %arg2[%mul3A_121, %dma_start3A_122] : memref<320000x128xf32, #tpu.memory_space<hbm>> -> memref<40x128xf32, #tpu.memory_space<hbm>>
        %dma_start3A_124 = arith.constant 0 : i32
        %dma_start3A_125 = tpu.memref_slice %arg2[%mul3A_121, %dma_start3A_124] : memref<320000x128xf32, #tpu.memory_space<hbm>> -> memref<40x128xf32, #tpu.memory_space<hbm>>
        tpu.enqueue_dma source(%dma_start3A_125 : memref<40x128xf32, #tpu.memory_space<hbm>>) target(%arg10 : memref<40x128xf32, #tpu.memory_space<vmem>>) target_semaphore(%arg18 : memref<!tpu.dma_semaphore, #tpu.memory_space<semaphore_mem>>)
        %add3A_126 = arith.addi %mul3A_2, %add3A_113 : i32
        %mul3A_127 = arith.constant 40 : i32
        %mul3A_128 = arith.muli %add3A_126, %mul3A_127 : i32
        %dma_start3A_129 = arith.constant 0 : i32
        %dma_start3A_130 = tpu.memref_slice %arg3[%mul3A_128, %dma_start3A_129] : memref<320000x128xf32, #tpu.memory_space<hbm>> -> memref<40x128xf32, #tpu.memory_space<hbm>>
        %dma_start3A_131 = arith.constant 0 : i32
        %dma_start3A_132 = tpu.memref_slice %arg3[%mul3A_128, %dma_start3A_131] : memref<320000x128xf32, #tpu.memory_space<hbm>> -> memref<40x128xf32, #tpu.memory_space<hbm>>
        tpu.enqueue_dma source(%dma_start3A_132 : memref<40x128xf32, #tpu.memory_space<hbm>>) target(%arg12 : memref<40x128xf32, #tpu.memory_space<vmem>>) target_semaphore(%arg20 : memref<!tpu.dma_semaphore, #tpu.memory_space<semaphore_mem>>)
      } else {
      }
      %dma_wait3A_87 = arith.constant 0 : i32
      %dma_wait3A_88 = tpu.memref_slice %arg4[%dma_wait3A_87] : memref<320000xi32, #tpu.memory_space<hbm>> -> memref<40xi32, #tpu.memory_space<hbm>>
      %dma_wait3A_89 = arith.constant 0 : i32
      %dma_wait3A_90 = tpu.memref_slice %arg4[%dma_wait3A_89] : memref<320000xi32, #tpu.memory_space<hbm>> -> memref<40xi32, #tpu.memory_space<hbm>>
      tpu.wait_dma2 semaphore(%arg17 : memref<!tpu.dma_semaphore, #tpu.memory_space<semaphore_mem>>) src(%dma_wait3A_90 : memref<40xi32, #tpu.memory_space<hbm>>) dst(%arg9 : memref<40xi32, #tpu.memory_space<vmem>>)
      %dma_wait3A_91 = arith.constant 0 : i32
      %dma_wait3A_92 = arith.constant 0 : i32
      %dma_wait3A_93 = tpu.memref_slice %arg2[%dma_wait3A_91, %dma_wait3A_92] : memref<320000x128xf32, #tpu.memory_space<hbm>> -> memref<40x128xf32, #tpu.memory_space<hbm>>
      %dma_wait3A_94 = arith.constant 0 : i32
      %dma_wait3A_95 = arith.constant 0 : i32
      %dma_wait3A_96 = tpu.memref_slice %arg2[%dma_wait3A_94, %dma_wait3A_95] : memref<320000x128xf32, #tpu.memory_space<hbm>> -> memref<40x128xf32, #tpu.memory_space<hbm>>
      tpu.wait_dma2 semaphore(%arg19 : memref<!tpu.dma_semaphore, #tpu.memory_space<semaphore_mem>>) src(%dma_wait3A_96 : memref<40x128xf32, #tpu.memory_space<hbm>>) dst(%arg11 : memref<40x128xf32, #tpu.memory_space<vmem>>)
      %dma_wait3A_97 = arith.constant 0 : i32
      %dma_wait3A_98 = arith.constant 0 : i32
      %dma_wait3A_99 = tpu.memref_slice %arg3[%dma_wait3A_97, %dma_wait3A_98] : memref<320000x128xf32, #tpu.memory_space<hbm>> -> memref<40x128xf32, #tpu.memory_space<hbm>>
      %dma_wait3A_100 = arith.constant 0 : i32
      %dma_wait3A_101 = arith.constant 0 : i32
      %dma_wait3A_102 = tpu.memref_slice %arg3[%dma_wait3A_100, %dma_wait3A_101] : memref<320000x128xf32, #tpu.memory_space<hbm>> -> memref<40x128xf32, #tpu.memory_space<hbm>>
      tpu.wait_dma2 semaphore(%arg21 : memref<!tpu.dma_semaphore, #tpu.memory_space<semaphore_mem>>) src(%dma_wait3A_102 : memref<40x128xf32, #tpu.memory_space<hbm>>) dst(%arg13 : memref<40x128xf32, #tpu.memory_space<vmem>>)
      "tpu.region"() ({
        %run_scoped3A = tpu.sem_alloc : memref<!tpu.dma_semaphore, #tpu.memory_space<semaphore_mem>>
        %dma_start3A_110 = arith.constant 0 : i32
        %dma_start3A_111 = arith.constant 0 : i32
        %dma_start3A_112 = tpu.memref_slice %arg14[%dma_start3A_110, %dma_start3A_111] : memref<6016x128xf32, #tpu.memory_space<vmem_shared>> -> memref<6016x128xf32, #tpu.memory_space<vmem_shared>>
        tpu.enqueue_indirect_dma source(%arg11 : memref<40x128xf32, #tpu.memory_space<vmem>>) target(%dma_start3A_112 : memref<6016x128xf32, #tpu.memory_space<vmem_shared>>) offsets(%arg9 : memref<40xi32, #tpu.memory_space<vmem>>) semaphore(%run_scoped3A : memref<!tpu.dma_semaphore, #tpu.memory_space<semaphore_mem>>) {add = true}
        %dma_wait3A_113 = arith.constant 0 : i32
        %dma_wait3A_114 = arith.constant 0 : i32
        %dma_wait3A_115 = tpu.memref_slice %arg14[%dma_wait3A_113, %dma_wait3A_114] : memref<6016x128xf32, #tpu.memory_space<vmem_shared>> -> memref<6016x128xf32, #tpu.memory_space<vmem_shared>>
        tpu.wait_indirect_dma semaphore(%run_scoped3A : memref<!tpu.dma_semaphore, #tpu.memory_space<semaphore_mem>>) src(%arg11 : memref<40x128xf32, #tpu.memory_space<vmem>>) dst(%dma_wait3A_115 : memref<6016x128xf32, #tpu.memory_space<vmem_shared>>)
        tpu.yield
      }) : () -> ()
      "tpu.region"() ({
        %run_scoped3A = tpu.sem_alloc : memref<!tpu.dma_semaphore, #tpu.memory_space<semaphore_mem>>
        %dma_start3A_110 = arith.constant 0 : i32
        %dma_start3A_111 = arith.constant 0 : i32
        %dma_start3A_112 = tpu.memref_slice %arg15[%dma_start3A_110, %dma_start3A_111] : memref<6016x128xf32, #tpu.memory_space<vmem_shared>> -> memref<6016x128xf32, #tpu.memory_space<vmem_shared>>
        tpu.enqueue_indirect_dma source(%arg13 : memref<40x128xf32, #tpu.memory_space<vmem>>) target(%dma_start3A_112 : memref<6016x128xf32, #tpu.memory_space<vmem_shared>>) offsets(%arg9 : memref<40xi32, #tpu.memory_space<vmem>>) semaphore(%run_scoped3A : memref<!tpu.dma_semaphore, #tpu.memory_space<semaphore_mem>>) {add = true}
        %dma_wait3A_113 = arith.constant 0 : i32
        %dma_wait3A_114 = arith.constant 0 : i32
        %dma_wait3A_115 = tpu.memref_slice %arg15[%dma_wait3A_113, %dma_wait3A_114] : memref<6016x128xf32, #tpu.memory_space<vmem_shared>> -> memref<6016x128xf32, #tpu.memory_space<vmem_shared>>
        tpu.wait_indirect_dma semaphore(%run_scoped3A : memref<!tpu.dma_semaphore, #tpu.memory_space<semaphore_mem>>) src(%arg13 : memref<40x128xf32, #tpu.memory_space<vmem>>) dst(%dma_wait3A_115 : memref<6016x128xf32, #tpu.memory_space<vmem_shared>>)
        tpu.yield
      }) : () -> ()
      %add3A_103 = arith.constant 2 : i32
      %add3A_104 = arith.addi %add3A_67, %add3A_103 : i32
      %lt3A_105 = arith.constant 250 : i32
      %lt3A_106 = arith.cmpi slt, %add3A_104, %lt3A_105 : i32
      %convert_element_type3A_107 = arith.extui %lt3A_106 : i1 to i32
      %cond3A_108 = arith.constant 0 : i32
      %cond3A_109 = arith.cmpi ne, %convert_element_type3A_107, %cond3A_108 : i32
      scf.if %cond3A_109 {
        %add3A_110 = arith.constant 1 : i32
        %add3A_111 = arith.addi %add3A_67, %add3A_110 : i32
        %add3A_112 = arith.constant 2 : i32
        %add3A_113 = arith.addi %add3A_111, %add3A_112 : i32
        %add3A_114 = arith.addi %mul3A_2, %add3A_113 : i32
        %mul3A_115 = arith.constant 40 : i32
        %mul3A_116 = arith.muli %add3A_114, %mul3A_115 : i32
        %dma_start3A_117 = tpu.memref_slice %arg4[%mul3A_116] : memref<320000xi32, #tpu.memory_space<hbm>> -> memref<40xi32, #tpu.memory_space<hbm>>
        %dma_start3A_118 = tpu.memref_slice %arg4[%mul3A_116] : memref<320000xi32, #tpu.memory_space<hbm>> -> memref<40xi32, #tpu.memory_space<hbm>>
        tpu.enqueue_dma source(%dma_start3A_118 : memref<40xi32, #tpu.memory_space<hbm>>) target(%arg9 : memref<40xi32, #tpu.memory_space<vmem>>) target_semaphore(%arg17 : memref<!tpu.dma_semaphore, #tpu.memory_space<semaphore_mem>>)
        %add3A_119 = arith.addi %mul3A_2, %add3A_113 : i32
        %mul3A_120 = arith.constant 40 : i32
        %mul3A_121 = arith.muli %add3A_119, %mul3A_120 : i32
        %dma_start3A_122 = arith.constant 0 : i32
        %dma_start3A_123 = tpu.memref_slice %arg2[%mul3A_121, %dma_start3A_122] : memref<320000x128xf32, #tpu.memory_space<hbm>> -> memref<40x128xf32, #tpu.memory_space<hbm>>
        %dma_start3A_124 = arith.constant 0 : i32
        %dma_start3A_125 = tpu.memref_slice %arg2[%mul3A_121, %dma_start3A_124] : memref<320000x128xf32, #tpu.memory_space<hbm>> -> memref<40x128xf32, #tpu.memory_space<hbm>>
        tpu.enqueue_dma source(%dma_start3A_125 : memref<40x128xf32, #tpu.memory_space<hbm>>) target(%arg11 : memref<40x128xf32, #tpu.memory_space<vmem>>) target_semaphore(%arg19 : memref<!tpu.dma_semaphore, #tpu.memory_space<semaphore_mem>>)
        %add3A_126 = arith.addi %mul3A_2, %add3A_113 : i32
        %mul3A_127 = arith.constant 40 : i32
        %mul3A_128 = arith.muli %add3A_126, %mul3A_127 : i32
        %dma_start3A_129 = arith.constant 0 : i32
        %dma_start3A_130 = tpu.memref_slice %arg3[%mul3A_128, %dma_start3A_129] : memref<320000x128xf32, #tpu.memory_space<hbm>> -> memref<40x128xf32, #tpu.memory_space<hbm>>
        %dma_start3A_131 = arith.constant 0 : i32
        %dma_start3A_132 = tpu.memref_slice %arg3[%mul3A_128, %dma_start3A_131] : memref<320000x128xf32, #tpu.memory_space<hbm>> -> memref<40x128xf32, #tpu.memory_space<hbm>>
        tpu.enqueue_dma source(%dma_start3A_132 : memref<40x128xf32, #tpu.memory_space<hbm>>) target(%arg13 : memref<40x128xf32, #tpu.memory_space<vmem>>) target_semaphore(%arg21 : memref<!tpu.dma_semaphore, #tpu.memory_space<semaphore_mem>>)
      } else {
      }
    }
    %scan3A_53 = arith.constant 125 : i32
    %barrier3A_54 = arith.constant 0 : index
    tpu.barrier barrier_id(%barrier3A_54)
    %mul3A_55 = arith.constant 376 : i32
    %mul3A_56 = arith.muli %arg1, %mul3A_55 : i32
    %mul3A_57 = arith.constant 376 : i32
    %mul3A_58 = arith.muli %arg1, %mul3A_57 : i32
    "tpu.region"() ({
      %run_scoped3A = tpu.sem_alloc : memref<!tpu.dma_semaphore, #tpu.memory_space<semaphore_mem>>
      %dma_start3A_63 = arith.constant 0 : i32
      %dma_start3A_64 = tpu.memref_slice %arg6[%arg0, %mul3A_58, %dma_start3A_63] : memref<2x6016x128xf32, #tpu.memory_space<hbm>> -> memref<1x376x128xf32, #tpu.memory_space<hbm>>
      %dma_start3A_65 = tpu.memref_squeeze %dma_start3A_64 : memref<1x376x128xf32, #tpu.memory_space<hbm>> -> memref<376x128xf32, #tpu.memory_space<hbm>>
      %dma_start3A_66 = arith.constant 0 : i32
      %dma_start3A_67 = tpu.memref_slice %arg14[%mul3A_56, %dma_start3A_66] : memref<6016x128xf32, #tpu.memory_space<vmem_shared>> -> memref<376x128xf32, #tpu.memory_space<vmem_shared>>
      tpu.enqueue_dma source(%dma_start3A_67 : memref<376x128xf32, #tpu.memory_space<vmem_shared>>) target(%dma_start3A_65 : memref<376x128xf32, #tpu.memory_space<hbm>>) target_semaphore(%run_scoped3A : memref<!tpu.dma_semaphore, #tpu.memory_space<semaphore_mem>>)
      %dma_wait3A = arith.constant 0 : i32
      %dma_wait3A_68 = tpu.memref_slice %arg6[%arg0, %mul3A_58, %dma_wait3A] : memref<2x6016x128xf32, #tpu.memory_space<hbm>> -> memref<1x376x128xf32, #tpu.memory_space<hbm>>
      %dma_wait3A_69 = tpu.memref_squeeze %dma_wait3A_68 : memref<1x376x128xf32, #tpu.memory_space<hbm>> -> memref<376x128xf32, #tpu.memory_space<hbm>>
      %dma_wait3A_70 = arith.constant 0 : i32
      %dma_wait3A_71 = tpu.memref_slice %arg14[%mul3A_56, %dma_wait3A_70] : memref<6016x128xf32, #tpu.memory_space<vmem_shared>> -> memref<376x128xf32, #tpu.memory_space<vmem_shared>>
      tpu.wait_dma2 semaphore(%run_scoped3A : memref<!tpu.dma_semaphore, #tpu.memory_space<semaphore_mem>>) src(%dma_wait3A_71 : memref<376x128xf32, #tpu.memory_space<vmem_shared>>) dst(%dma_wait3A_69 : memref<376x128xf32, #tpu.memory_space<hbm>>)
      tpu.yield
    }) : () -> ()
    %mul3A_59 = arith.constant 376 : i32
    %mul3A_60 = arith.muli %arg1, %mul3A_59 : i32
    %mul3A_61 = arith.constant 376 : i32
    %mul3A_62 = arith.muli %arg1, %mul3A_61 : i32
    "tpu.region"() ({
      %run_scoped3A = tpu.sem_alloc : memref<!tpu.dma_semaphore, #tpu.memory_space<semaphore_mem>>
      %dma_start3A_63 = arith.constant 0 : i32
      %dma_start3A_64 = tpu.memref_slice %arg7[%arg0, %mul3A_62, %dma_start3A_63] : memref<2x6016x128xf32, #tpu.memory_space<hbm>> -> memref<1x376x128xf32, #tpu.memory_space<hbm>>
      %dma_start3A_65 = tpu.memref_squeeze %dma_start3A_64 : memref<1x376x128xf32, #tpu.memory_space<hbm>> -> memref<376x128xf32, #tpu.memory_space<hbm>>
      %dma_start3A_66 = arith.constant 0 : i32
      %dma_start3A_67 = tpu.memref_slice %arg15[%mul3A_60, %dma_start3A_66] : memref<6016x128xf32, #tpu.memory_space<vmem_shared>> -> memref<376x128xf32, #tpu.memory_space<vmem_shared>>
      tpu.enqueue_dma source(%dma_start3A_67 : memref<376x128xf32, #tpu.memory_space<vmem_shared>>) target(%dma_start3A_65 : memref<376x128xf32, #tpu.memory_space<hbm>>) target_semaphore(%run_scoped3A : memref<!tpu.dma_semaphore, #tpu.memory_space<semaphore_mem>>)
      %dma_wait3A = arith.constant 0 : i32
      %dma_wait3A_68 = tpu.memref_slice %arg7[%arg0, %mul3A_62, %dma_wait3A] : memref<2x6016x128xf32, #tpu.memory_space<hbm>> -> memref<1x376x128xf32, #tpu.memory_space<hbm>>
      %dma_wait3A_69 = tpu.memref_squeeze %dma_wait3A_68 : memref<1x376x128xf32, #tpu.memory_space<hbm>> -> memref<376x128xf32, #tpu.memory_space<hbm>>
      %dma_wait3A_70 = arith.constant 0 : i32
      %dma_wait3A_71 = tpu.memref_slice %arg15[%mul3A_60, %dma_wait3A_70] : memref<6016x128xf32, #tpu.memory_space<vmem_shared>> -> memref<376x128xf32, #tpu.memory_space<vmem_shared>>
      tpu.wait_dma2 semaphore(%run_scoped3A : memref<!tpu.dma_semaphore, #tpu.memory_space<semaphore_mem>>) src(%dma_wait3A_71 : memref<376x128xf32, #tpu.memory_space<vmem_shared>>) dst(%dma_wait3A_69 : memref<376x128xf32, #tpu.memory_space<hbm>>)
      tpu.yield
    }) : () -> ()
    return
  }
}

module attributes {stable_mosaic.version = 14 : i64} {
  func.func @_proj_body(%arg0: memref<6000x128xf32, #tpu.memory_space<vmem>>, %arg1: memref<4000x128xf32, #tpu.memory_space<vmem>>, %arg2: memref<128x384xf32, #tpu.memory_space<vmem>>, %arg3: memref<1x384xf32, #tpu.memory_space<vmem>>, %arg4: memref<128x384xf32, #tpu.memory_space<vmem>>, %arg5: memref<1x384xf32, #tpu.memory_space<vmem>>, %arg6: memref<8x32x32xf32, #tpu.memory_space<vmem>>, %arg7: memref<8x32x32xf32, #tpu.memory_space<vmem>>, %arg8: memref<1x4xf32, #tpu.memory_space<vmem>>, %arg9: memref<1x4xf32, #tpu.memory_space<vmem>>, %arg10: memref<6000x128xf32, #tpu.memory_space<vmem>>, %arg11: memref<10000x256xf32, #tpu.memory_space<vmem>>) attributes {dimension_semantics = [], scalar_prefetch = 0 : i64, scratch_operands = 0 : i64, tpu.core_type = #tpu.core_type<tc>} {
    %get3A = arith.constant 0 : index
    %get3A_0 = arith.constant 0 : index
    %get3A_1 = vector.load %arg0[%get3A, %get3A_0] : memref<6000x128xf32, #tpu.memory_space<vmem>>, vector<6000x128xf32>
    %get3A_2 = arith.constant 0 : index
    %get3A_3 = arith.constant 0 : index
    %get3A_4 = vector.load %arg1[%get3A_2, %get3A_3] : memref<4000x128xf32, #tpu.memory_space<vmem>>, vector<4000x128xf32>
    %get3A_5 = arith.constant 0 : index
    %get3A_6 = arith.constant 0 : index
    %get3A_7 = vector.load %arg2[%get3A_5, %get3A_6] : memref<128x384xf32, #tpu.memory_space<vmem>>, vector<128x384xf32>
    %get3A_8 = arith.constant 0 : index
    %get3A_9 = arith.constant 0 : index
    %get3A_10 = vector.load %arg3[%get3A_8, %get3A_9] : memref<1x384xf32, #tpu.memory_space<vmem>>, vector<1x384xf32>
    %get3A_11 = arith.constant 0 : index
    %get3A_12 = arith.constant 0 : index
    %get3A_13 = vector.load %arg4[%get3A_11, %get3A_12] : memref<128x384xf32, #tpu.memory_space<vmem>>, vector<128x384xf32>
    %get3A_14 = arith.constant 0 : index
    %get3A_15 = arith.constant 0 : index
    %get3A_16 = vector.load %arg5[%get3A_14, %get3A_15] : memref<1x384xf32, #tpu.memory_space<vmem>>, vector<1x384xf32>
    %get3A_17 = arith.constant 0 : index
    %get3A_18 = arith.constant 0 : index
    %get3A_19 = arith.constant 0 : index
    %get3A_20 = vector.load %arg6[%get3A_17, %get3A_18, %get3A_19] : memref<8x32x32xf32, #tpu.memory_space<vmem>>, vector<8x32x32xf32>
    %get3A_21 = arith.constant 0 : index
    %get3A_22 = arith.constant 0 : index
    %get3A_23 = arith.constant 0 : index
    %get3A_24 = vector.load %arg7[%get3A_21, %get3A_22, %get3A_23] : memref<8x32x32xf32, #tpu.memory_space<vmem>>, vector<8x32x32xf32>
    %get3A_25 = arith.constant 0 : index
    %get3A_26 = arith.constant 0 : index
    %get3A_27 = vector.load %arg8[%get3A_25, %get3A_26] : memref<1x4xf32, #tpu.memory_space<vmem>>, vector<1x4xf32>
    %get3A_28 = arith.constant 0 : index
    %get3A_29 = arith.constant 0 : index
    %get3A_30 = vector.load %arg9[%get3A_28, %get3A_29] : memref<1x4xf32, #tpu.memory_space<vmem>>, vector<1x4xf32>
    %slice3A = vector.extract_strided_slice %get3A_7 {offsets = [0, 128], sizes = [128, 128], strides = [1, 1]} : vector<128x384xf32> to vector<128x128xf32>
    %dot_general3A = arith.constant dense<0.000000e+00> : vector<6000x128xf32>
    %dot_general3A_31 = tpu.matmul %get3A_1, %slice3A, %dot_general3A {dimension_numbers = #tpu.dot_dimension_numbers<[1], [0], [0], [1], [0, 0, 1, 1], [], []>, transpose_lhs_hint = false} : vector<6000x128xf32>, vector<128x128xf32>, vector<6000x128xf32> -> vector<6000x128xf32>
    %slice3A_32 = vector.extract_strided_slice %get3A_10 {offsets = [0, 128], sizes = [1, 128], strides = [1, 1]} : vector<1x384xf32> to vector<1x128xf32>
    %add3A = vector.broadcast %slice3A_32 : vector<1x128xf32> to vector<6000x128xf32>
    %add3A_33 = arith.addf %dot_general3A_31, %add3A : vector<6000x128xf32>
    %mul3A = arith.constant 0.176776692 : f32
    %mul3A_34 = vector.broadcast %mul3A : f32 to vector<6000x128xf32>
    %mul3A_35 = arith.mulf %add3A_33, %mul3A_34 : vector<6000x128xf32>
    %swap3A = arith.constant 0 : index
    %swap3A_36 = arith.constant 0 : index
    %swap3A_37 = vector.load %arg10[%swap3A, %swap3A_36] : memref<6000x128xf32, #tpu.memory_space<vmem>>, vector<6000x128xf32>
    tpu.vector_store %arg10[%swap3A, %swap3A_36], %mul3A_35 {strides = array<i32>} : memref<6000x128xf32, #tpu.memory_space<vmem>>, vector<6000x128xf32>,
    %slice3A_38 = vector.extract_strided_slice %get3A_13 {offsets = [0, 0], sizes = [128, 128], strides = [1, 1]} : vector<128x384xf32> to vector<128x128xf32>
    %slice3A_39 = vector.extract_strided_slice %get3A_16 {offsets = [0, 0], sizes = [1, 128], strides = [1, 1]} : vector<1x384xf32> to vector<1x128xf32>
    %slice3A_40 = vector.extract_strided_slice %get3A_20 {offsets = [0, 0, 0], sizes = [1, 32, 32], strides = [1, 1, 1]} : vector<8x32x32xf32> to vector<1x32x32xf32>
    %squeeze3A = vector.shape_cast %slice3A_40 : vector<1x32x32xf32> to vector<32x32xf32>
    %slice3A_41 = vector.extract_strided_slice %slice3A_38 {offsets = [0, 0], sizes = [128, 32], strides = [1, 1]} : vector<128x128xf32> to vector<128x32xf32>
    %dot_general3A_42 = arith.constant dense<0.000000e+00> : vector<128x32xf32>
    %dot_general3A_43 = tpu.matmul %slice3A_41, %squeeze3A, %dot_general3A_42 {dimension_numbers = #tpu.dot_dimension_numbers<[1], [0], [0], [1], [0, 0, 1, 1], [], []>, transpose_lhs_hint = false} : vector<128x32xf32>, vector<32x32xf32>, vector<128x32xf32> -> vector<128x32xf32>
    %slice3A_44 = vector.extract_strided_slice %slice3A_39 {offsets = [0, 0], sizes = [1, 32], strides = [1, 1]} : vector<1x128xf32> to vector<1x32xf32>
    %dot_general3A_45 = arith.constant dense<0.000000e+00> : vector<1x32xf32>
    %dot_general3A_46 = tpu.matmul %slice3A_44, %squeeze3A, %dot_general3A_45 {dimension_numbers = #tpu.dot_dimension_numbers<[1], [0], [0], [1], [0, 0, 1, 1], [], []>, transpose_lhs_hint = false} : vector<1x32xf32>, vector<32x32xf32>, vector<1x32xf32> -> vector<1x32xf32>
    %slice3A_47 = vector.extract_strided_slice %get3A_27 {offsets = [0, 0], sizes = [1, 1], strides = [1, 1]} : vector<1x4xf32> to vector<1x1xf32>
    %mul3A_48 = vector.broadcast %slice3A_47 : vector<1x1xf32> to vector<128x32xf32>
    %mul3A_49 = arith.mulf %dot_general3A_43, %mul3A_48 : vector<128x32xf32>
    %mul3A_50 = vector.broadcast %slice3A_47 : vector<1x1xf32> to vector<1x32xf32>
    %mul3A_51 = arith.mulf %dot_general3A_46, %mul3A_50 : vector<1x32xf32>
    %slice3A_52 = vector.extract_strided_slice %get3A_20 {offsets = [2, 0, 0], sizes = [1, 32, 32], strides = [1, 1, 1]} : vector<8x32x32xf32> to vector<1x32x32xf32>
    %squeeze3A_53 = vector.shape_cast %slice3A_52 : vector<1x32x32xf32> to vector<32x32xf32>
    %slice3A_54 = vector.extract_strided_slice %slice3A_38 {offsets = [0, 32], sizes = [128, 32], strides = [1, 1]} : vector<128x128xf32> to vector<128x32xf32>
    %dot_general3A_55 = arith.constant dense<0.000000e+00> : vector<128x32xf32>
    %dot_general3A_56 = tpu.matmul %slice3A_54, %squeeze3A_53, %dot_general3A_55 {dimension_numbers = #tpu.dot_dimension_numbers<[1], [0], [0], [1], [0, 0, 1, 1], [], []>, transpose_lhs_hint = false} : vector<128x32xf32>, vector<32x32xf32>, vector<128x32xf32> -> vector<128x32xf32>
    %slice3A_57 = vector.extract_strided_slice %slice3A_39 {offsets = [0, 32], sizes = [1, 32], strides = [1, 1]} : vector<1x128xf32> to vector<1x32xf32>
    %dot_general3A_58 = arith.constant dense<0.000000e+00> : vector<1x32xf32>
    %dot_general3A_59 = tpu.matmul %slice3A_57, %squeeze3A_53, %dot_general3A_58 {dimension_numbers = #tpu.dot_dimension_numbers<[1], [0], [0], [1], [0, 0, 1, 1], [], []>, transpose_lhs_hint = false} : vector<1x32xf32>, vector<32x32xf32>, vector<1x32xf32> -> vector<1x32xf32>
    %slice3A_60 = vector.extract_strided_slice %get3A_27 {offsets = [0, 1], sizes = [1, 1], strides = [1, 1]} : vector<1x4xf32> to vector<1x1xf32>
    %mul3A_61 = vector.broadcast %slice3A_60 : vector<1x1xf32> to vector<128x32xf32>
    %mul3A_62 = arith.mulf %dot_general3A_56, %mul3A_61 : vector<128x32xf32>
    %mul3A_63 = vector.broadcast %slice3A_60 : vector<1x1xf32> to vector<1x32xf32>
    %mul3A_64 = arith.mulf %dot_general3A_59, %mul3A_63 : vector<1x32xf32>
    %slice3A_65 = vector.extract_strided_slice %get3A_20 {offsets = [4, 0, 0], sizes = [1, 32, 32], strides = [1, 1, 1]} : vector<8x32x32xf32> to vector<1x32x32xf32>
    %squeeze3A_66 = vector.shape_cast %slice3A_65 : vector<1x32x32xf32> to vector<32x32xf32>
    %slice3A_67 = vector.extract_strided_slice %slice3A_38 {offsets = [0, 64], sizes = [128, 32], strides = [1, 1]} : vector<128x128xf32> to vector<128x32xf32>
    %dot_general3A_68 = arith.constant dense<0.000000e+00> : vector<128x32xf32>
    %dot_general3A_69 = tpu.matmul %slice3A_67, %squeeze3A_66, %dot_general3A_68 {dimension_numbers = #tpu.dot_dimension_numbers<[1], [0], [0], [1], [0, 0, 1, 1], [], []>, transpose_lhs_hint = false} : vector<128x32xf32>, vector<32x32xf32>, vector<128x32xf32> -> vector<128x32xf32>
    %slice3A_70 = vector.extract_strided_slice %slice3A_39 {offsets = [0, 64], sizes = [1, 32], strides = [1, 1]} : vector<1x128xf32> to vector<1x32xf32>
    %dot_general3A_71 = arith.constant dense<0.000000e+00> : vector<1x32xf32>
    %dot_general3A_72 = tpu.matmul %slice3A_70, %squeeze3A_66, %dot_general3A_71 {dimension_numbers = #tpu.dot_dimension_numbers<[1], [0], [0], [1], [0, 0, 1, 1], [], []>, transpose_lhs_hint = false} : vector<1x32xf32>, vector<32x32xf32>, vector<1x32xf32> -> vector<1x32xf32>
    %slice3A_73 = vector.extract_strided_slice %get3A_27 {offsets = [0, 2], sizes = [1, 1], strides = [1, 1]} : vector<1x4xf32> to vector<1x1xf32>
    %mul3A_74 = vector.broadcast %slice3A_73 : vector<1x1xf32> to vector<128x32xf32>
    %mul3A_75 = arith.mulf %dot_general3A_69, %mul3A_74 : vector<128x32xf32>
    %mul3A_76 = vector.broadcast %slice3A_73 : vector<1x1xf32> to vector<1x32xf32>
    %mul3A_77 = arith.mulf %dot_general3A_72, %mul3A_76 : vector<1x32xf32>
    %slice3A_78 = vector.extract_strided_slice %get3A_20 {offsets = [6, 0, 0], sizes = [1, 32, 32], strides = [1, 1, 1]} : vector<8x32x32xf32> to vector<1x32x32xf32>
    %squeeze3A_79 = vector.shape_cast %slice3A_78 : vector<1x32x32xf32> to vector<32x32xf32>
    %slice3A_80 = vector.extract_strided_slice %slice3A_38 {offsets = [0, 96], sizes = [128, 32], strides = [1, 1]} : vector<128x128xf32> to vector<128x32xf32>
    %dot_general3A_81 = arith.constant dense<0.000000e+00> : vector<128x32xf32>
    %dot_general3A_82 = tpu.matmul %slice3A_80, %squeeze3A_79, %dot_general3A_81 {dimension_numbers = #tpu.dot_dimension_numbers<[1], [0], [0], [1], [0, 0, 1, 1], [], []>, transpose_lhs_hint = false} : vector<128x32xf32>, vector<32x32xf32>, vector<128x32xf32> -> vector<128x32xf32>
    %slice3A_83 = vector.extract_strided_slice %slice3A_39 {offsets = [0, 96], sizes = [1, 32], strides = [1, 1]} : vector<1x128xf32> to vector<1x32xf32>
    %dot_general3A_84 = arith.constant dense<0.000000e+00> : vector<1x32xf32>
    %dot_general3A_85 = tpu.matmul %slice3A_83, %squeeze3A_79, %dot_general3A_84 {dimension_numbers = #tpu.dot_dimension_numbers<[1], [0], [0], [1], [0, 0, 1, 1], [], []>, transpose_lhs_hint = false} : vector<1x32xf32>, vector<32x32xf32>, vector<1x32xf32> -> vector<1x32xf32>
    %slice3A_86 = vector.extract_strided_slice %get3A_27 {offsets = [0, 3], sizes = [1, 1], strides = [1, 1]} : vector<1x4xf32> to vector<1x1xf32>
    %mul3A_87 = vector.broadcast %slice3A_86 : vector<1x1xf32> to vector<128x32xf32>
    %mul3A_88 = arith.mulf %dot_general3A_82, %mul3A_87 : vector<128x32xf32>
    %mul3A_89 = vector.broadcast %slice3A_86 : vector<1x1xf32> to vector<1x32xf32>
    %mul3A_90 = arith.mulf %dot_general3A_85, %mul3A_89 : vector<1x32xf32>
    %concatenate3A = tpu.concatenate %mul3A_49, %mul3A_62, %mul3A_75, %mul3A_88 in 1 : vector<128x32xf32>, vector<128x32xf32>, vector<128x32xf32>, vector<128x32xf32> -> vector<128x128xf32>
    %concatenate3A_91 = tpu.concatenate %mul3A_51, %mul3A_64, %mul3A_77, %mul3A_90 in 1 : vector<1x32xf32>, vector<1x32xf32>, vector<1x32xf32>, vector<1x32xf32> -> vector<1x128xf32>
    %slice3A_92 = vector.extract_strided_slice %get3A_7 {offsets = [0, 0], sizes = [128, 128], strides = [1, 1]} : vector<128x384xf32> to vector<128x128xf32>
    %slice3A_93 = vector.extract_strided_slice %get3A_10 {offsets = [0, 0], sizes = [1, 128], strides = [1, 1]} : vector<1x384xf32> to vector<1x128xf32>
    %slice3A_94 = vector.extract_strided_slice %get3A_20 {offsets = [1, 0, 0], sizes = [1, 32, 32], strides = [1, 1, 1]} : vector<8x32x32xf32> to vector<1x32x32xf32>
    %squeeze3A_95 = vector.shape_cast %slice3A_94 : vector<1x32x32xf32> to vector<32x32xf32>
    %slice3A_96 = vector.extract_strided_slice %slice3A_92 {offsets = [0, 0], sizes = [128, 32], strides = [1, 1]} : vector<128x128xf32> to vector<128x32xf32>
    %dot_general3A_97 = arith.constant dense<0.000000e+00> : vector<128x32xf32>
    %dot_general3A_98 = tpu.matmul %slice3A_96, %squeeze3A_95, %dot_general3A_97 {dimension_numbers = #tpu.dot_dimension_numbers<[1], [0], [0], [1], [0, 0, 1, 1], [], []>, transpose_lhs_hint = false} : vector<128x32xf32>, vector<32x32xf32>, vector<128x32xf32> -> vector<128x32xf32>
    %slice3A_99 = vector.extract_strided_slice %slice3A_93 {offsets = [0, 0], sizes = [1, 32], strides = [1, 1]} : vector<1x128xf32> to vector<1x32xf32>
    %dot_general3A_100 = arith.constant dense<0.000000e+00> : vector<1x32xf32>
    %dot_general3A_101 = tpu.matmul %slice3A_99, %squeeze3A_95, %dot_general3A_100 {dimension_numbers = #tpu.dot_dimension_numbers<[1], [0], [0], [1], [0, 0, 1, 1], [], []>, transpose_lhs_hint = false} : vector<1x32xf32>, vector<32x32xf32>, vector<1x32xf32> -> vector<1x32xf32>
    %slice3A_102 = vector.extract_strided_slice %get3A_30 {offsets = [0, 0], sizes = [1, 1], strides = [1, 1]} : vector<1x4xf32> to vector<1x1xf32>
    %mul3A_103 = vector.broadcast %slice3A_102 : vector<1x1xf32> to vector<128x32xf32>
    %mul3A_104 = arith.mulf %dot_general3A_98, %mul3A_103 : vector<128x32xf32>
    %mul3A_105 = vector.broadcast %slice3A_102 : vector<1x1xf32> to vector<1x32xf32>
    %mul3A_106 = arith.mulf %dot_general3A_101, %mul3A_105 : vector<1x32xf32>
    %slice3A_107 = vector.extract_strided_slice %get3A_20 {offsets = [3, 0, 0], sizes = [1, 32, 32], strides = [1, 1, 1]} : vector<8x32x32xf32> to vector<1x32x32xf32>
    %squeeze3A_108 = vector.shape_cast %slice3A_107 : vector<1x32x32xf32> to vector<32x32xf32>
    %slice3A_109 = vector.extract_strided_slice %slice3A_92 {offsets = [0, 32], sizes = [128, 32], strides = [1, 1]} : vector<128x128xf32> to vector<128x32xf32>
    %dot_general3A_110 = arith.constant dense<0.000000e+00> : vector<128x32xf32>
    %dot_general3A_111 = tpu.matmul %slice3A_109, %squeeze3A_108, %dot_general3A_110 {dimension_numbers = #tpu.dot_dimension_numbers<[1], [0], [0], [1], [0, 0, 1, 1], [], []>, transpose_lhs_hint = false} : vector<128x32xf32>, vector<32x32xf32>, vector<128x32xf32> -> vector<128x32xf32>
    %slice3A_112 = vector.extract_strided_slice %slice3A_93 {offsets = [0, 32], sizes = [1, 32], strides = [1, 1]} : vector<1x128xf32> to vector<1x32xf32>
    %dot_general3A_113 = arith.constant dense<0.000000e+00> : vector<1x32xf32>
    %dot_general3A_114 = tpu.matmul %slice3A_112, %squeeze3A_108, %dot_general3A_113 {dimension_numbers = #tpu.dot_dimension_numbers<[1], [0], [0], [1], [0, 0, 1, 1], [], []>, transpose_lhs_hint = false} : vector<1x32xf32>, vector<32x32xf32>, vector<1x32xf32> -> vector<1x32xf32>
    %slice3A_115 = vector.extract_strided_slice %get3A_30 {offsets = [0, 1], sizes = [1, 1], strides = [1, 1]} : vector<1x4xf32> to vector<1x1xf32>
    %mul3A_116 = vector.broadcast %slice3A_115 : vector<1x1xf32> to vector<128x32xf32>
    %mul3A_117 = arith.mulf %dot_general3A_111, %mul3A_116 : vector<128x32xf32>
    %mul3A_118 = vector.broadcast %slice3A_115 : vector<1x1xf32> to vector<1x32xf32>
    %mul3A_119 = arith.mulf %dot_general3A_114, %mul3A_118 : vector<1x32xf32>
    %slice3A_120 = vector.extract_strided_slice %get3A_20 {offsets = [5, 0, 0], sizes = [1, 32, 32], strides = [1, 1, 1]} : vector<8x32x32xf32> to vector<1x32x32xf32>
    %squeeze3A_121 = vector.shape_cast %slice3A_120 : vector<1x32x32xf32> to vector<32x32xf32>
    %slice3A_122 = vector.extract_strided_slice %slice3A_92 {offsets = [0, 64], sizes = [128, 32], strides = [1, 1]} : vector<128x128xf32> to vector<128x32xf32>
    %dot_general3A_123 = arith.constant dense<0.000000e+00> : vector<128x32xf32>
    %dot_general3A_124 = tpu.matmul %slice3A_122, %squeeze3A_121, %dot_general3A_123 {dimension_numbers = #tpu.dot_dimension_numbers<[1], [0], [0], [1], [0, 0, 1, 1], [], []>, transpose_lhs_hint = false} : vector<128x32xf32>, vector<32x32xf32>, vector<128x32xf32> -> vector<128x32xf32>
    %slice3A_125 = vector.extract_strided_slice %slice3A_93 {offsets = [0, 64], sizes = [1, 32], strides = [1, 1]} : vector<1x128xf32> to vector<1x32xf32>
    %dot_general3A_126 = arith.constant dense<0.000000e+00> : vector<1x32xf32>
    %dot_general3A_127 = tpu.matmul %slice3A_125, %squeeze3A_121, %dot_general3A_126 {dimension_numbers = #tpu.dot_dimension_numbers<[1], [0], [0], [1], [0, 0, 1, 1], [], []>, transpose_lhs_hint = false} : vector<1x32xf32>, vector<32x32xf32>, vector<1x32xf32> -> vector<1x32xf32>
    %slice3A_128 = vector.extract_strided_slice %get3A_30 {offsets = [0, 2], sizes = [1, 1], strides = [1, 1]} : vector<1x4xf32> to vector<1x1xf32>
    %mul3A_129 = vector.broadcast %slice3A_128 : vector<1x1xf32> to vector<128x32xf32>
    %mul3A_130 = arith.mulf %dot_general3A_124, %mul3A_129 : vector<128x32xf32>
    %mul3A_131 = vector.broadcast %slice3A_128 : vector<1x1xf32> to vector<1x32xf32>
    %mul3A_132 = arith.mulf %dot_general3A_127, %mul3A_131 : vector<1x32xf32>
    %slice3A_133 = vector.extract_strided_slice %get3A_20 {offsets = [7, 0, 0], sizes = [1, 32, 32], strides = [1, 1, 1]} : vector<8x32x32xf32> to vector<1x32x32xf32>
    %squeeze3A_134 = vector.shape_cast %slice3A_133 : vector<1x32x32xf32> to vector<32x32xf32>
    %slice3A_135 = vector.extract_strided_slice %slice3A_92 {offsets = [0, 96], sizes = [128, 32], strides = [1, 1]} : vector<128x128xf32> to vector<128x32xf32>
    %dot_general3A_136 = arith.constant dense<0.000000e+00> : vector<128x32xf32>
    %dot_general3A_137 = tpu.matmul %slice3A_135, %squeeze3A_134, %dot_general3A_136 {dimension_numbers = #tpu.dot_dimension_numbers<[1], [0], [0], [1], [0, 0, 1, 1], [], []>, transpose_lhs_hint = false} : vector<128x32xf32>, vector<32x32xf32>, vector<128x32xf32> -> vector<128x32xf32>
    %slice3A_138 = vector.extract_strided_slice %slice3A_93 {offsets = [0, 96], sizes = [1, 32], strides = [1, 1]} : vector<1x128xf32> to vector<1x32xf32>
    %dot_general3A_139 = arith.constant dense<0.000000e+00> : vector<1x32xf32>
    %dot_general3A_140 = tpu.matmul %slice3A_138, %squeeze3A_134, %dot_general3A_139 {dimension_numbers = #tpu.dot_dimension_numbers<[1], [0], [0], [1], [0, 0, 1, 1], [], []>, transpose_lhs_hint = false} : vector<1x32xf32>, vector<32x32xf32>, vector<1x32xf32> -> vector<1x32xf32>
    %slice3A_141 = vector.extract_strided_slice %get3A_30 {offsets = [0, 3], sizes = [1, 1], strides = [1, 1]} : vector<1x4xf32> to vector<1x1xf32>
    %mul3A_142 = vector.broadcast %slice3A_141 : vector<1x1xf32> to vector<128x32xf32>
    %mul3A_143 = arith.mulf %dot_general3A_137, %mul3A_142 : vector<128x32xf32>
    %mul3A_144 = vector.broadcast %slice3A_141 : vector<1x1xf32> to vector<1x32xf32>
    %mul3A_145 = arith.mulf %dot_general3A_140, %mul3A_144 : vector<1x32xf32>
    %concatenate3A_146 = tpu.concatenate %mul3A_104, %mul3A_117, %mul3A_130, %mul3A_143 in 1 : vector<128x32xf32>, vector<128x32xf32>, vector<128x32xf32>, vector<128x32xf32> -> vector<128x128xf32>
    %concatenate3A_147 = tpu.concatenate %mul3A_106, %mul3A_119, %mul3A_132, %mul3A_145 in 1 : vector<1x32xf32>, vector<1x32xf32>, vector<1x32xf32>, vector<1x32xf32> -> vector<1x128xf32>
    %slice3A_148 = vector.extract_strided_slice %get3A_13 {offsets = [0, 256], sizes = [128, 128], strides = [1, 1]} : vector<128x384xf32> to vector<128x128xf32>
    %slice3A_149 = vector.extract_strided_slice %get3A_16 {offsets = [0, 256], sizes = [1, 128], strides = [1, 1]} : vector<1x384xf32> to vector<1x128xf32>
    %slice3A_150 = vector.extract_strided_slice %get3A_24 {offsets = [0, 0, 0], sizes = [1, 32, 32], strides = [1, 1, 1]} : vector<8x32x32xf32> to vector<1x32x32xf32>
    %squeeze3A_151 = vector.shape_cast %slice3A_150 : vector<1x32x32xf32> to vector<32x32xf32>
    %slice3A_152 = vector.extract_strided_slice %slice3A_148 {offsets = [0, 0], sizes = [128, 32], strides = [1, 1]} : vector<128x128xf32> to vector<128x32xf32>
    %dot_general3A_153 = arith.constant dense<0.000000e+00> : vector<128x32xf32>
    %dot_general3A_154 = tpu.matmul %slice3A_152, %squeeze3A_151, %dot_general3A_153 {dimension_numbers = #tpu.dot_dimension_numbers<[1], [0], [0], [1], [0, 0, 1, 1], [], []>, transpose_lhs_hint = false} : vector<128x32xf32>, vector<32x32xf32>, vector<128x32xf32> -> vector<128x32xf32>
    %slice3A_155 = vector.extract_strided_slice %slice3A_149 {offsets = [0, 0], sizes = [1, 32], strides = [1, 1]} : vector<1x128xf32> to vector<1x32xf32>
    %dot_general3A_156 = arith.constant dense<0.000000e+00> : vector<1x32xf32>
    %dot_general3A_157 = tpu.matmul %slice3A_155, %squeeze3A_151, %dot_general3A_156 {dimension_numbers = #tpu.dot_dimension_numbers<[1], [0], [0], [1], [0, 0, 1, 1], [], []>, transpose_lhs_hint = false} : vector<1x32xf32>, vector<32x32xf32>, vector<1x32xf32> -> vector<1x32xf32>
    %slice3A_158 = vector.extract_strided_slice %get3A_24 {offsets = [2, 0, 0], sizes = [1, 32, 32], strides = [1, 1, 1]} : vector<8x32x32xf32> to vector<1x32x32xf32>
    %squeeze3A_159 = vector.shape_cast %slice3A_158 : vector<1x32x32xf32> to vector<32x32xf32>
    %slice3A_160 = vector.extract_strided_slice %slice3A_148 {offsets = [0, 32], sizes = [128, 32], strides = [1, 1]} : vector<128x128xf32> to vector<128x32xf32>
    %dot_general3A_161 = arith.constant dense<0.000000e+00> : vector<128x32xf32>
    %dot_general3A_162 = tpu.matmul %slice3A_160, %squeeze3A_159, %dot_general3A_161 {dimension_numbers = #tpu.dot_dimension_numbers<[1], [0], [0], [1], [0, 0, 1, 1], [], []>, transpose_lhs_hint = false} : vector<128x32xf32>, vector<32x32xf32>, vector<128x32xf32> -> vector<128x32xf32>
    %slice3A_163 = vector.extract_strided_slice %slice3A_149 {offsets = [0, 32], sizes = [1, 32], strides = [1, 1]} : vector<1x128xf32> to vector<1x32xf32>
    %dot_general3A_164 = arith.constant dense<0.000000e+00> : vector<1x32xf32>
    %dot_general3A_165 = tpu.matmul %slice3A_163, %squeeze3A_159, %dot_general3A_164 {dimension_numbers = #tpu.dot_dimension_numbers<[1], [0], [0], [1], [0, 0, 1, 1], [], []>, transpose_lhs_hint = false} : vector<1x32xf32>, vector<32x32xf32>, vector<1x32xf32> -> vector<1x32xf32>
    %slice3A_166 = vector.extract_strided_slice %get3A_24 {offsets = [4, 0, 0], sizes = [1, 32, 32], strides = [1, 1, 1]} : vector<8x32x32xf32> to vector<1x32x32xf32>
    %squeeze3A_167 = vector.shape_cast %slice3A_166 : vector<1x32x32xf32> to vector<32x32xf32>
    %slice3A_168 = vector.extract_strided_slice %slice3A_148 {offsets = [0, 64], sizes = [128, 32], strides = [1, 1]} : vector<128x128xf32> to vector<128x32xf32>
    %dot_general3A_169 = arith.constant dense<0.000000e+00> : vector<128x32xf32>
    %dot_general3A_170 = tpu.matmul %slice3A_168, %squeeze3A_167, %dot_general3A_169 {dimension_numbers = #tpu.dot_dimension_numbers<[1], [0], [0], [1], [0, 0, 1, 1], [], []>, transpose_lhs_hint = false} : vector<128x32xf32>, vector<32x32xf32>, vector<128x32xf32> -> vector<128x32xf32>
    %slice3A_171 = vector.extract_strided_slice %slice3A_149 {offsets = [0, 64], sizes = [1, 32], strides = [1, 1]} : vector<1x128xf32> to vector<1x32xf32>
    %dot_general3A_172 = arith.constant dense<0.000000e+00> : vector<1x32xf32>
    %dot_general3A_173 = tpu.matmul %slice3A_171, %squeeze3A_167, %dot_general3A_172 {dimension_numbers = #tpu.dot_dimension_numbers<[1], [0], [0], [1], [0, 0, 1, 1], [], []>, transpose_lhs_hint = false} : vector<1x32xf32>, vector<32x32xf32>, vector<1x32xf32> -> vector<1x32xf32>
    %slice3A_174 = vector.extract_strided_slice %get3A_24 {offsets = [6, 0, 0], sizes = [1, 32, 32], strides = [1, 1, 1]} : vector<8x32x32xf32> to vector<1x32x32xf32>
    %squeeze3A_175 = vector.shape_cast %slice3A_174 : vector<1x32x32xf32> to vector<32x32xf32>
    %slice3A_176 = vector.extract_strided_slice %slice3A_148 {offsets = [0, 96], sizes = [128, 32], strides = [1, 1]} : vector<128x128xf32> to vector<128x32xf32>
    %dot_general3A_177 = arith.constant dense<0.000000e+00> : vector<128x32xf32>
    %dot_general3A_178 = tpu.matmul %slice3A_176, %squeeze3A_175, %dot_general3A_177 {dimension_numbers = #tpu.dot_dimension_numbers<[1], [0], [0], [1], [0, 0, 1, 1], [], []>, transpose_lhs_hint = false} : vector<128x32xf32>, vector<32x32xf32>, vector<128x32xf32> -> vector<128x32xf32>
    %slice3A_179 = vector.extract_strided_slice %slice3A_149 {offsets = [0, 96], sizes = [1, 32], strides = [1, 1]} : vector<1x128xf32> to vector<1x32xf32>
    %dot_general3A_180 = arith.constant dense<0.000000e+00> : vector<1x32xf32>
    %dot_general3A_181 = tpu.matmul %slice3A_179, %squeeze3A_175, %dot_general3A_180 {dimension_numbers = #tpu.dot_dimension_numbers<[1], [0], [0], [1], [0, 0, 1, 1], [], []>, transpose_lhs_hint = false} : vector<1x32xf32>, vector<32x32xf32>, vector<1x32xf32> -> vector<1x32xf32>
    %concatenate3A_182 = tpu.concatenate %dot_general3A_154, %dot_general3A_162, %dot_general3A_170, %dot_general3A_178 in 1 : vector<128x32xf32>, vector<128x32xf32>, vector<128x32xf32>, vector<128x32xf32> -> vector<128x128xf32>
    %concatenate3A_183 = tpu.concatenate %dot_general3A_157, %dot_general3A_165, %dot_general3A_173, %dot_general3A_181 in 1 : vector<1x32xf32>, vector<1x32xf32>, vector<1x32xf32>, vector<1x32xf32> -> vector<1x128xf32>
    %slice3A_184 = vector.extract_strided_slice %get3A_7 {offsets = [0, 256], sizes = [128, 128], strides = [1, 1]} : vector<128x384xf32> to vector<128x128xf32>
    %slice3A_185 = vector.extract_strided_slice %get3A_10 {offsets = [0, 256], sizes = [1, 128], strides = [1, 1]} : vector<1x384xf32> to vector<1x128xf32>
    %slice3A_186 = vector.extract_strided_slice %get3A_24 {offsets = [1, 0, 0], sizes = [1, 32, 32], strides = [1, 1, 1]} : vector<8x32x32xf32> to vector<1x32x32xf32>
    %squeeze3A_187 = vector.shape_cast %slice3A_186 : vector<1x32x32xf32> to vector<32x32xf32>
    %slice3A_188 = vector.extract_strided_slice %slice3A_184 {offsets = [0, 0], sizes = [128, 32], strides = [1, 1]} : vector<128x128xf32> to vector<128x32xf32>
    %dot_general3A_189 = arith.constant dense<0.000000e+00> : vector<128x32xf32>
    %dot_general3A_190 = tpu.matmul %slice3A_188, %squeeze3A_187, %dot_general3A_189 {dimension_numbers = #tpu.dot_dimension_numbers<[1], [0], [0], [1], [0, 0, 1, 1], [], []>, transpose_lhs_hint = false} : vector<128x32xf32>, vector<32x32xf32>, vector<128x32xf32> -> vector<128x32xf32>
    %slice3A_191 = vector.extract_strided_slice %slice3A_185 {offsets = [0, 0], sizes = [1, 32], strides = [1, 1]} : vector<1x128xf32> to vector<1x32xf32>
    %dot_general3A_192 = arith.constant dense<0.000000e+00> : vector<1x32xf32>
    %dot_general3A_193 = tpu.matmul %slice3A_191, %squeeze3A_187, %dot_general3A_192 {dimension_numbers = #tpu.dot_dimension_numbers<[1], [0], [0], [1], [0, 0, 1, 1], [], []>, transpose_lhs_hint = false} : vector<1x32xf32>, vector<32x32xf32>, vector<1x32xf32> -> vector<1x32xf32>
    %slice3A_194 = vector.extract_strided_slice %get3A_24 {offsets = [3, 0, 0], sizes = [1, 32, 32], strides = [1, 1, 1]} : vector<8x32x32xf32> to vector<1x32x32xf32>
    %squeeze3A_195 = vector.shape_cast %slice3A_194 : vector<1x32x32xf32> to vector<32x32xf32>
    %slice3A_196 = vector.extract_strided_slice %slice3A_184 {offsets = [0, 32], sizes = [128, 32], strides = [1, 1]} : vector<128x128xf32> to vector<128x32xf32>
    %dot_general3A_197 = arith.constant dense<0.000000e+00> : vector<128x32xf32>
    %dot_general3A_198 = tpu.matmul %slice3A_196, %squeeze3A_195, %dot_general3A_197 {dimension_numbers = #tpu.dot_dimension_numbers<[1], [0], [0], [1], [0, 0, 1, 1], [], []>, transpose_lhs_hint = false} : vector<128x32xf32>, vector<32x32xf32>, vector<128x32xf32> -> vector<128x32xf32>
    %slice3A_199 = vector.extract_strided_slice %slice3A_185 {offsets = [0, 32], sizes = [1, 32], strides = [1, 1]} : vector<1x128xf32> to vector<1x32xf32>
    %dot_general3A_200 = arith.constant dense<0.000000e+00> : vector<1x32xf32>
    %dot_general3A_201 = tpu.matmul %slice3A_199, %squeeze3A_195, %dot_general3A_200 {dimension_numbers = #tpu.dot_dimension_numbers<[1], [0], [0], [1], [0, 0, 1, 1], [], []>, transpose_lhs_hint = false} : vector<1x32xf32>, vector<32x32xf32>, vector<1x32xf32> -> vector<1x32xf32>
    %slice3A_202 = vector.extract_strided_slice %get3A_24 {offsets = [5, 0, 0], sizes = [1, 32, 32], strides = [1, 1, 1]} : vector<8x32x32xf32> to vector<1x32x32xf32>
    %squeeze3A_203 = vector.shape_cast %slice3A_202 : vector<1x32x32xf32> to vector<32x32xf32>
    %slice3A_204 = vector.extract_strided_slice %slice3A_184 {offsets = [0, 64], sizes = [128, 32], strides = [1, 1]} : vector<128x128xf32> to vector<128x32xf32>
    %dot_general3A_205 = arith.constant dense<0.000000e+00> : vector<128x32xf32>
    %dot_general3A_206 = tpu.matmul %slice3A_204, %squeeze3A_203, %dot_general3A_205 {dimension_numbers = #tpu.dot_dimension_numbers<[1], [0], [0], [1], [0, 0, 1, 1], [], []>, transpose_lhs_hint = false} : vector<128x32xf32>, vector<32x32xf32>, vector<128x32xf32> -> vector<128x32xf32>
    %slice3A_207 = vector.extract_strided_slice %slice3A_185 {offsets = [0, 64], sizes = [1, 32], strides = [1, 1]} : vector<1x128xf32> to vector<1x32xf32>
    %dot_general3A_208 = arith.constant dense<0.000000e+00> : vector<1x32xf32>
    %dot_general3A_209 = tpu.matmul %slice3A_207, %squeeze3A_203, %dot_general3A_208 {dimension_numbers = #tpu.dot_dimension_numbers<[1], [0], [0], [1], [0, 0, 1, 1], [], []>, transpose_lhs_hint = false} : vector<1x32xf32>, vector<32x32xf32>, vector<1x32xf32> -> vector<1x32xf32>
    %slice3A_210 = vector.extract_strided_slice %get3A_24 {offsets = [7, 0, 0], sizes = [1, 32, 32], strides = [1, 1, 1]} : vector<8x32x32xf32> to vector<1x32x32xf32>
    %squeeze3A_211 = vector.shape_cast %slice3A_210 : vector<1x32x32xf32> to vector<32x32xf32>
    %slice3A_212 = vector.extract_strided_slice %slice3A_184 {offsets = [0, 96], sizes = [128, 32], strides = [1, 1]} : vector<128x128xf32> to vector<128x32xf32>
    %dot_general3A_213 = arith.constant dense<0.000000e+00> : vector<128x32xf32>
    %dot_general3A_214 = tpu.matmul %slice3A_212, %squeeze3A_211, %dot_general3A_213 {dimension_numbers = #tpu.dot_dimension_numbers<[1], [0], [0], [1], [0, 0, 1, 1], [], []>, transpose_lhs_hint = false} : vector<128x32xf32>, vector<32x32xf32>, vector<128x32xf32> -> vector<128x32xf32>
    %slice3A_215 = vector.extract_strided_slice %slice3A_185 {offsets = [0, 96], sizes = [1, 32], strides = [1, 1]} : vector<1x128xf32> to vector<1x32xf32>
    %dot_general3A_216 = arith.constant dense<0.000000e+00> : vector<1x32xf32>
    %dot_general3A_217 = tpu.matmul %slice3A_215, %squeeze3A_211, %dot_general3A_216 {dimension_numbers = #tpu.dot_dimension_numbers<[1], [0], [0], [1], [0, 0, 1, 1], [], []>, transpose_lhs_hint = false} : vector<1x32xf32>, vector<32x32xf32>, vector<1x32xf32> -> vector<1x32xf32>
    %concatenate3A_218 = tpu.concatenate %dot_general3A_190, %dot_general3A_198, %dot_general3A_206, %dot_general3A_214 in 1 : vector<128x32xf32>, vector<128x32xf32>, vector<128x32xf32>, vector<128x32xf32> -> vector<128x128xf32>
    %concatenate3A_219 = tpu.concatenate %dot_general3A_193, %dot_general3A_201, %dot_general3A_209, %dot_general3A_217 in 1 : vector<1x32xf32>, vector<1x32xf32>, vector<1x32xf32>, vector<1x32xf32> -> vector<1x128xf32>
    %dot_general3A_220 = arith.constant dense<0.000000e+00> : vector<4000x128xf32>
    %dot_general3A_221 = tpu.matmul %get3A_4, %concatenate3A, %dot_general3A_220 {dimension_numbers = #tpu.dot_dimension_numbers<[1], [0], [0], [1], [0, 0, 1, 1], [], []>, transpose_lhs_hint = false} : vector<4000x128xf32>, vector<128x128xf32>, vector<4000x128xf32> -> vector<4000x128xf32>
    %add3A_222 = vector.broadcast %concatenate3A_91 : vector<1x128xf32> to vector<4000x128xf32>
    %add3A_223 = arith.addf %dot_general3A_221, %add3A_222 : vector<4000x128xf32>
    %dot_general3A_224 = arith.constant dense<0.000000e+00> : vector<4000x128xf32>
    %dot_general3A_225 = tpu.matmul %get3A_4, %concatenate3A_182, %dot_general3A_224 {dimension_numbers = #tpu.dot_dimension_numbers<[1], [0], [0], [1], [0, 0, 1, 1], [], []>, transpose_lhs_hint = false} : vector<4000x128xf32>, vector<128x128xf32>, vector<4000x128xf32> -> vector<4000x128xf32>
    %add3A_226 = vector.broadcast %concatenate3A_183 : vector<1x128xf32> to vector<4000x128xf32>
    %add3A_227 = arith.addf %dot_general3A_225, %add3A_226 : vector<4000x128xf32>
    %concatenate3A_228 = tpu.concatenate %add3A_223, %add3A_227 in 1 : vector<4000x128xf32>, vector<4000x128xf32> -> vector<4000x256xf32>
    %swap3A_229 = arith.constant 0 : index
    %swap3A_230 = arith.constant 0 : index
    %swap3A_231 = vector.load %arg11[%swap3A_229, %swap3A_230] : memref<10000x256xf32, #tpu.memory_space<vmem>>, vector<4000x256xf32>
    tpu.vector_store %arg11[%swap3A_229, %swap3A_230], %concatenate3A_228 {strides = array<i32>} : memref<10000x256xf32, #tpu.memory_space<vmem>>, vector<4000x256xf32>,
    %dot_general3A_232 = arith.constant dense<0.000000e+00> : vector<6000x128xf32>
    %dot_general3A_233 = tpu.matmul %get3A_1, %concatenate3A_146, %dot_general3A_232 {dimension_numbers = #tpu.dot_dimension_numbers<[1], [0], [0], [1], [0, 0, 1, 1], [], []>, transpose_lhs_hint = false} : vector<6000x128xf32>, vector<128x128xf32>, vector<6000x128xf32> -> vector<6000x128xf32>
    %add3A_234 = vector.broadcast %concatenate3A_147 : vector<1x128xf32> to vector<6000x128xf32>
    %add3A_235 = arith.addf %dot_general3A_233, %add3A_234 : vector<6000x128xf32>
    %dot_general3A_236 = arith.constant dense<0.000000e+00> : vector<6000x128xf32>
    %dot_general3A_237 = tpu.matmul %get3A_1, %concatenate3A_218, %dot_general3A_236 {dimension_numbers = #tpu.dot_dimension_numbers<[1], [0], [0], [1], [0, 0, 1, 1], [], []>, transpose_lhs_hint = false} : vector<6000x128xf32>, vector<128x128xf32>, vector<6000x128xf32> -> vector<6000x128xf32>
    %add3A_238 = vector.broadcast %concatenate3A_219 : vector<1x128xf32> to vector<6000x128xf32>
    %add3A_239 = arith.addf %dot_general3A_237, %add3A_238 : vector<6000x128xf32>
    %concatenate3A_240 = tpu.concatenate %add3A_235, %add3A_239 in 1 : vector<6000x128xf32>, vector<6000x128xf32> -> vector<6000x256xf32>
    %swap3A_241 = arith.constant 4000 : index
    %swap3A_242 = arith.constant 0 : index
    %swap3A_243 = vector.load %arg11[%swap3A_241, %swap3A_242] : memref<10000x256xf32, #tpu.memory_space<vmem>>, vector<6000x256xf32>
    tpu.vector_store %arg11[%swap3A_241, %swap3A_242], %concatenate3A_240 {strides = array<i32>} : memref<10000x256xf32, #tpu.memory_space<vmem>>, vector<6000x256xf32>,
    return
  }
}

module attributes {stable_mosaic.version = 14 : i64} {
  func.func @_edge_body(%arg0: i32, %arg1: memref<4000x128xf32, #tpu.memory_space<vmem>>, %arg2: memref<4000x256xf32, #tpu.memory_space<vmem>>, %arg3: memref<128x4xf32, #tpu.memory_space<vmem>>, %arg4: memref<4x128xf32, #tpu.memory_space<vmem>>, %arg5: memref<4000x128xf32, #tpu.memory_space<vmem>>, %arg6: memref<4000x128xf32, #tpu.memory_space<vmem>>) attributes {dimension_semantics = [#tpu.dimension_semantics<arbitrary>], iteration_bounds = array<i64: 80>, scalar_prefetch = 0 : i64, scratch_operands = 0 : i64, tpu.core_type = #tpu.core_type<tc>, window_params = [{transform_indices = @transform_0, window_bounds = array<i64: 4000, 128>}, {transform_indices = @transform_1, window_bounds = array<i64: 4000, 256>}, {pipeline_mode = #tpu.pipeline_mode<synchronous>, transform_indices = @transform_2, window_bounds = array<i64: 128, 4>}, {pipeline_mode = #tpu.pipeline_mode<synchronous>, transform_indices = @transform_3, window_bounds = array<i64: 4, 128>}, {transform_indices = @transform_4, window_bounds = array<i64: 4000, 128>}, {transform_indices = @transform_5, window_bounds = array<i64: 4000, 128>}]} {
    %get3A = arith.constant 0 : index
    %get3A_0 = arith.constant 0 : index
    %get3A_1 = vector.load %arg1[%get3A, %get3A_0] : memref<4000x128xf32, #tpu.memory_space<vmem>>, vector<4000x128xf32>
    %get3A_2 = arith.constant 0 : index
    %get3A_3 = arith.constant 0 : index
    %get3A_4 = vector.load %arg2[%get3A_2, %get3A_3] : memref<4000x256xf32, #tpu.memory_space<vmem>>, vector<4000x128xf32>
    %mul3A = arith.mulf %get3A_1, %get3A_4 : vector<4000x128xf32>
    %get3A_5 = arith.constant 0 : index
    %get3A_6 = arith.constant 0 : index
    %get3A_7 = vector.load %arg3[%get3A_5, %get3A_6] : memref<128x4xf32, #tpu.memory_space<vmem>>, vector<128x4xf32>
    %dot_general3A = arith.constant dense<0.000000e+00> : vector<4000x4xf32>
    %dot_general3A_8 = tpu.matmul %mul3A, %get3A_7, %dot_general3A {dimension_numbers = #tpu.dot_dimension_numbers<[1], [0], [0], [1], [0, 0, 1, 1], [], []>, transpose_lhs_hint = false} : vector<4000x128xf32>, vector<128x4xf32>, vector<4000x4xf32> -> vector<4000x4xf32>
    %exp3A = math.exp %dot_general3A_8 : vector<4000x4xf32>
    %get3A_9 = arith.constant 0 : index
    %get3A_10 = arith.constant 0 : index
    %get3A_11 = vector.load %arg4[%get3A_9, %get3A_10] : memref<4x128xf32, #tpu.memory_space<vmem>>, vector<4x128xf32>
    %dot_general3A_12 = arith.constant dense<0.000000e+00> : vector<4000x128xf32>
    %dot_general3A_13 = tpu.matmul %exp3A, %get3A_11, %dot_general3A_12 {dimension_numbers = #tpu.dot_dimension_numbers<[1], [0], [0], [1], [0, 0, 1, 1], [], []>, transpose_lhs_hint = false} : vector<4000x4xf32>, vector<4x128xf32>, vector<4000x128xf32> -> vector<4000x128xf32>
    %get3A_14 = arith.constant 0 : index
    %get3A_15 = arith.constant 128 : index
    %get3A_16 = vector.load %arg2[%get3A_14, %get3A_15] : memref<4000x256xf32, #tpu.memory_space<vmem>>, vector<4000x128xf32>
    %mul3A_17 = arith.mulf %dot_general3A_13, %get3A_16 : vector<4000x128xf32>
    %swap3A = arith.constant 0 : index
    %swap3A_18 = arith.constant 0 : index
    %swap3A_19 = vector.load %arg5[%swap3A, %swap3A_18] : memref<4000x128xf32, #tpu.memory_space<vmem>>, vector<4000x128xf32>
    tpu.vector_store %arg5[%swap3A, %swap3A_18], %mul3A_17 {strides = array<i32>} : memref<4000x128xf32, #tpu.memory_space<vmem>>, vector<4000x128xf32>,
    %swap3A_20 = arith.constant 0 : index
    %swap3A_21 = arith.constant 0 : index
    %swap3A_22 = vector.load %arg6[%swap3A_20, %swap3A_21] : memref<4000x128xf32, #tpu.memory_space<vmem>>, vector<4000x128xf32>
    tpu.vector_store %arg6[%swap3A_20, %swap3A_21], %dot_general3A_13 {strides = array<i32>} : memref<4000x128xf32, #tpu.memory_space<vmem>>, vector<4000x128xf32>,
    return
  }
  func.func @transform_0(%arg0: i32) -> (i32, i32) {
    %c0_i32 = arith.constant 0 : i32
    %c0_i32_0 = arith.constant 0 : i32
    return %arg0, %c0_i32 : i32, i32
  }
  func.func @transform_1(%arg0: i32) -> (i32, i32) {
    %c0_i32 = arith.constant 0 : i32
    %c0_i32_0 = arith.constant 0 : i32
    return %arg0, %c0_i32 : i32, i32
  }
  func.func @transform_2(%arg0: i32) -> (i32, i32) {
    %c0_i32 = arith.constant 0 : i32
    %c0_i32_0 = arith.constant 0 : i32
    %c0_i32_1 = arith.constant 0 : i32
    return %c0_i32, %c0_i32_0 : i32, i32
  }
  func.func @transform_3(%arg0: i32) -> (i32, i32) {
    %c0_i32 = arith.constant 0 : i32
    %c0_i32_0 = arith.constant 0 : i32
    %c0_i32_1 = arith.constant 0 : i32
    return %c0_i32, %c0_i32_0 : i32, i32
  }
  func.func @transform_4(%arg0: i32) -> (i32, i32) {
    %c0_i32 = arith.constant 0 : i32
    %c0_i32_0 = arith.constant 0 : i32
    return %arg0, %c0_i32 : i32, i32
  }
  func.func @transform_5(%arg0: i32) -> (i32, i32) {
    %c0_i32 = arith.constant 0 : i32
    %c0_i32_0 = arith.constant 0 : i32
    return %arg0, %c0_i32 : i32, i32
  }
}

module attributes {stable_mosaic.version = 14 : i64} {
  func.func @_final_body(%arg0: memref<2x6016x128xf32, #tpu.memory_space<vmem>>, %arg1: memref<2x6016x128xf32, #tpu.memory_space<vmem>>, %arg2: memref<6000x128xf32, #tpu.memory_space<vmem>>, %arg3: memref<128x128xf32, #tpu.memory_space<vmem>>, %arg4: memref<1x128xf32, #tpu.memory_space<vmem>>, %arg5: memref<1x128xf32, #tpu.memory_space<vmem>>, %arg6: memref<128x3xf32, #tpu.memory_space<vmem>>, %arg7: memref<1x3xf32, #tpu.memory_space<vmem>>, %arg8: memref<6000x3xf32, #tpu.memory_space<vmem>>) attributes {dimension_semantics = [], scalar_prefetch = 0 : i64, scratch_operands = 0 : i64, tpu.core_type = #tpu.core_type<tc>} {
    %get3A = arith.constant 0 : index
    %get3A_0 = arith.constant 0 : index
    %get3A_1 = arith.constant 0 : index
    %get3A_2 = vector.load %arg0[%get3A, %get3A_0, %get3A_1] : memref<2x6016x128xf32, #tpu.memory_space<vmem>>, vector<1x6000x128xf32>
    %get3A_3 = vector.shape_cast %get3A_2 : vector<1x6000x128xf32> to vector<6000x128xf32>
    %get3A_4 = arith.constant 1 : index
    %get3A_5 = arith.constant 0 : index
    %get3A_6 = arith.constant 0 : index
    %get3A_7 = vector.load %arg0[%get3A_4, %get3A_5, %get3A_6] : memref<2x6016x128xf32, #tpu.memory_space<vmem>>, vector<1x6000x128xf32>
    %get3A_8 = vector.shape_cast %get3A_7 : vector<1x6000x128xf32> to vector<6000x128xf32>
    %add3A = arith.addf %get3A_3, %get3A_8 : vector<6000x128xf32>
    %get3A_9 = arith.constant 0 : index
    %get3A_10 = arith.constant 0 : index
    %get3A_11 = arith.constant 0 : index
    %get3A_12 = vector.load %arg1[%get3A_9, %get3A_10, %get3A_11] : memref<2x6016x128xf32, #tpu.memory_space<vmem>>, vector<1x6000x128xf32>
    %get3A_13 = vector.shape_cast %get3A_12 : vector<1x6000x128xf32> to vector<6000x128xf32>
    %get3A_14 = arith.constant 1 : index
    %get3A_15 = arith.constant 0 : index
    %get3A_16 = arith.constant 0 : index
    %get3A_17 = vector.load %arg1[%get3A_14, %get3A_15, %get3A_16] : memref<2x6016x128xf32, #tpu.memory_space<vmem>>, vector<1x6000x128xf32>
    %get3A_18 = vector.shape_cast %get3A_17 : vector<1x6000x128xf32> to vector<6000x128xf32>
    %add3A_19 = arith.addf %get3A_13, %get3A_18 : vector<6000x128xf32>
    %add3A_20 = arith.constant 1.000000e-16 : f32
    %add3A_21 = vector.broadcast %add3A_20 : f32 to vector<6000x128xf32>
    %add3A_22 = arith.addf %add3A_19, %add3A_21 : vector<6000x128xf32>
    %div3A = arith.divf %add3A, %add3A_22 : vector<6000x128xf32>
    %mul3A = arith.constant 5.000000e-01 : f32
    %mul3A_23 = vector.broadcast %mul3A : f32 to vector<6000x128xf32>
    %mul3A_24 = arith.mulf %mul3A_23, %div3A : vector<6000x128xf32>
    %mul3A_25 = arith.constant 0.707106769 : f32
    %mul3A_26 = vector.broadcast %mul3A_25 : f32 to vector<6000x128xf32>
    %mul3A_27 = arith.mulf %div3A, %mul3A_26 : vector<6000x128xf32>
    %erf3A = math.erf %mul3A_27 : vector<6000x128xf32>
    %add3A_28 = arith.constant 1.000000e+00 : f32
    %add3A_29 = vector.broadcast %add3A_28 : f32 to vector<6000x128xf32>
    %add3A_30 = arith.addf %add3A_29, %erf3A : vector<6000x128xf32>
    %mul3A_31 = arith.mulf %mul3A_24, %add3A_30 : vector<6000x128xf32>
    %get3A_32 = arith.constant 0 : index
    %get3A_33 = arith.constant 0 : index
    %get3A_34 = vector.load %arg3[%get3A_32, %get3A_33] : memref<128x128xf32, #tpu.memory_space<vmem>>, vector<128x128xf32>
    %dot_general3A = arith.constant dense<0.000000e+00> : vector<6000x128xf32>
    %dot_general3A_35 = tpu.matmul %mul3A_31, %get3A_34, %dot_general3A {dimension_numbers = #tpu.dot_dimension_numbers<[1], [0], [0], [1], [0, 0, 1, 1], [], []>, transpose_lhs_hint = false} : vector<6000x128xf32>, vector<128x128xf32>, vector<6000x128xf32> -> vector<6000x128xf32>
    %get3A_36 = arith.constant 0 : index
    %get3A_37 = arith.constant 0 : index
    %get3A_38 = vector.load %arg4[%get3A_36, %get3A_37] : memref<1x128xf32, #tpu.memory_space<vmem>>, vector<1x128xf32>
    %add3A_39 = vector.broadcast %get3A_38 : vector<1x128xf32> to vector<6000x128xf32>
    %add3A_40 = arith.addf %dot_general3A_35, %add3A_39 : vector<6000x128xf32>
    %get3A_41 = arith.constant 0 : index
    %get3A_42 = arith.constant 0 : index
    %get3A_43 = vector.load %arg5[%get3A_41, %get3A_42] : memref<1x128xf32, #tpu.memory_space<vmem>>, vector<1x128xf32>
    %logistic3A = arith.negf %get3A_43 : vector<1x128xf32>
    %logistic3A_44 = math.exp %logistic3A : vector<1x128xf32>
    %logistic3A_45 = arith.constant 1.000000e+00 : f32
    %logistic3A_46 = vector.broadcast %logistic3A_45 : f32 to vector<1x128xf32>
    %logistic3A_47 = arith.addf %logistic3A_46, %logistic3A_44 : vector<1x128xf32>
    %logistic3A_48 = arith.divf %logistic3A_46, %logistic3A_47 : vector<1x128xf32>
    %mul3A_49 = vector.broadcast %logistic3A_48 : vector<1x128xf32> to vector<6000x128xf32>
    %mul3A_50 = arith.mulf %mul3A_49, %add3A_40 : vector<6000x128xf32>
    %sub3A = arith.constant 1.000000e+00 : f32
    %sub3A_51 = vector.broadcast %sub3A : f32 to vector<1x128xf32>
    %sub3A_52 = arith.subf %sub3A_51, %logistic3A_48 : vector<1x128xf32>
    %get3A_53 = arith.constant 0 : index
    %get3A_54 = arith.constant 0 : index
    %get3A_55 = vector.load %arg2[%get3A_53, %get3A_54] : memref<6000x128xf32, #tpu.memory_space<vmem>>, vector<6000x128xf32>
    %mul3A_56 = vector.broadcast %sub3A_52 : vector<1x128xf32> to vector<6000x128xf32>
    %mul3A_57 = arith.mulf %mul3A_56, %get3A_55 : vector<6000x128xf32>
    %add3A_58 = arith.addf %mul3A_50, %mul3A_57 : vector<6000x128xf32>
    %get3A_59 = arith.constant 0 : index
    %get3A_60 = arith.constant 0 : index
    %get3A_61 = vector.load %arg6[%get3A_59, %get3A_60] : memref<128x3xf32, #tpu.memory_space<vmem>>, vector<128x3xf32>
    %dot_general3A_62 = arith.constant dense<0.000000e+00> : vector<6000x3xf32>
    %dot_general3A_63 = tpu.matmul %add3A_58, %get3A_61, %dot_general3A_62 {dimension_numbers = #tpu.dot_dimension_numbers<[1], [0], [0], [1], [0, 0, 1, 1], [], []>, transpose_lhs_hint = false} : vector<6000x128xf32>, vector<128x3xf32>, vector<6000x3xf32> -> vector<6000x3xf32>
    %get3A_64 = arith.constant 0 : index
    %get3A_65 = arith.constant 0 : index
    %get3A_66 = vector.load %arg7[%get3A_64, %get3A_65] : memref<1x3xf32, #tpu.memory_space<vmem>>, vector<1x3xf32>
    %add3A_67 = vector.broadcast %get3A_66 : vector<1x3xf32> to vector<6000x3xf32>
    %add3A_68 = arith.addf %dot_general3A_63, %add3A_67 : vector<6000x3xf32>
    %swap3A = arith.constant 0 : index
    %swap3A_69 = arith.constant 0 : index
    %swap3A_70 = vector.load %arg8[%swap3A, %swap3A_69] : memref<6000x3xf32, #tpu.memory_space<vmem>>, vector<6000x3xf32>
    tpu.vector_store %arg8[%swap3A, %swap3A_69], %add3A_68 {strides = array<i32>} : memref<6000x3xf32, #tpu.memory_space<vmem>>, vector<6000x3xf32>,
    return
  }
}

</mosaic_0001>

<sc_bundles>
// kernel: kernel.11.cloned.1.call-start
scs
__scs_entry_jumppad:
0x0: {  	(pc) =	sbr.rel $0x88, $3  }
0x1: {  	(tag) =	ssettag $0x0;
	lr =	simm.s32 $0x1  }
0x2: {  	[smem:$0x3F90] =	sst lr;
	_ =	strace $0xD0000000  }
0x3: {  	_ = 	snop  }
0x4: {  	_ = 	snop  }
0x5: {  	_ = 	snop  }
0x6: {  	_ = 	snop  }
0x7: {  	_ = 	snop  }
__scs_overlays_trampoline_lowered:
0x8: {  	[smem:$0x3F9F] =	sst s0  }
0x9: {  	[smem:$0x3FA0] =	sst s1  }
0xa: {  	[smem:$0x3FA1] =	sst s2  }
0xb: {  	[smem:$0x3FA2] =	sst s3  }
0xc: {  	[smem:$0x3FA3] =	sst s4  }
0xd: {  	[smem:$0x3FA4] =	sst s5  }
0xe: {  	[smem:$0x3FA5] =	sst s6  }
0xf: {  	[smem:$0x3FA6] =	sst s7  }
0x10: {  	[smem:$0x3FA7] =	sst s8  }
0x11: {  	[smem:$0x3FA8] =	sst s9;
	s0 =	simm.s32 @!p0 $0x0  }
0x12: {  	s1 =	sld [smem:$0x3F8E];
	s0 =	simm.s32 @p0 $0x1  }
0x13: {  	[smem:$0x3FA9] =	sst s0;
	s0 =	simm.s32 @!p1 $0x0  }
0x14: {  	s2 =	sld [smem:$0x3F8D];
	s0 =	simm.s32 @p1 $0x1  }
0x15: {  	[smem:$0x3FAA] =	sst s0;
	s0 =	simm.s32 @!p2 $0x0  }
0x16: {  	s3 =	sld [smem:$0x3FDB];
	s0 =	simm.s32 @p2 $0x1  }
0x17: {  	s4 =	simm.s32 $0x1BF5;
	[smem:$0x3FAC] =	sst s0  }
0x18: {  	s0 =	sld [smem:$0x3F8F];
	_ =	swait.ge [sflag:s4], $0x0  }
0x19: {  	s7 =	sld [smem:$0x3F90]  }
0x1a: {  	s8 =	sadd.s32 $0xFFFFE003, lr  }
0x1b: {  	s9 =	sadd.s32 $0xFFFFFEF7, lr;
	s5 =	simm.s32 $0xFFFFFFFF;
	p2 =	slt.u32 s8, $0xFFFFF086  }
0x1c: {  	p1 =	slt.u32 s9, $0xF7A;
	s5 =	simm.s32 @!p2 $0x0  }
0x1d: {  	s5 =	simm.s32 @p1 $0x1;
	p0 =	seq.s32 s7, s2  }
0x1e: {  	s7 =	smul.u32 @!p0 $0xF7A, s2;
	p2 =	seq.s32 @!p0 s5, $0x0  }
0x1f: {  	s9 =	smul.u32 $0xF7A, s1;
	s8 =	simm.s32 @!p0 $0x1BF5;
	p2 =	por !p2, p0  }
0x20: {  	[sflag:s8] =	ssyncset.s32 @!p0 $0xFFFFF086;
	s6 =	sadd.s32 @!p0 s3, s7;
	s7 =	simm.s32 @!p0 $0x108  }
0x21: {  	s3 =	sadd.s32 s3, s9;
	s6 =	sadd.s32 @!p0 $0x88, s6;
	s7 =	simm.s32 @p2 $0x1082  }
0x22: {  	[simem:s7], [sflag:s8] =	dma.local @!p0 [hbm:s6], $0xF7A  }
0x23: {  	s9 =	sor.u32 $0xD0000000, s2;
	s6 =	simm.s32 $0x108;
	_ =	swait.ge @!p0 [sflag:s8], $0x0  }
0x24: {  	s3 =	sadd.s32 $0x88, s3;
	s6 =	simm.s32 @!p1 $0x1082;
	[sflag:s4] =	ssyncset.s32 $0xFFFFF086  }
0x25: {  	[simem:s6], [sflag:s4] =	dma.local [hbm:s3], $0xF7A  }
0x26: {  	[smem:$0x3F90] =	sst s1;
	(tag) =	ssettag s2;
	_ =	strace s9  }
0x27: {  	s1 =	sld [smem:$0x3FA0]  }
0x28: {  	s2 =	sld [smem:$0x3FA1]  }
0x29: {  	s4 =	sld [smem:$0x3FA3]  }
0x2a: {  	p0 =	seq.s32 s5, $0x0;
	s5 =	sld [smem:$0x3FA4]  }
0x2b: {  	s6 =	sld [smem:$0x3FA5]  }
0x2c: {  	s7 =	sld [smem:$0x3FA6]  }
0x2d: {  	s3 =	simm.s32 $0x108;
	s8 =	sld [smem:$0x3FA7]  }
0x2e: {  	s3 =	simm.s32 @!p0 $0x1082;
	s9 =	sld [smem:$0x3FA8]  }
0x2f: {  	lr =	sadd.s32 s0, s3;
	s0 =	sld [smem:$0x3F9F]  }
0x30: {  	s3 =	sld [smem:$0x3FA2]  }
0x31: {  	[smem:$0x3FAB] =	sst s10  }
0x32: {  	s10 =	sld [smem:$0x3FA9];
	_ =	sdelay $0x3  }
0x33: {  	p0 =	seq.s32 s10, $0x1;
	s10 =	sld [smem:$0x3FAB];
	_ =	sdelay $0x3  }
0x34: {  	[smem:$0x3FAB] =	sst s10  }
0x35: {  	s10 =	sld [smem:$0x3FAA];
	_ =	sdelay $0x3  }
0x36: {  	p1 =	seq.s32 s10, $0x1;
	s10 =	sld [smem:$0x3FAB];
	_ =	sdelay $0x3  }
0x37: {  	[smem:$0x3FAB] =	sst s10  }
0x38: {  	s10 =	sld [smem:$0x3FAC]  }
0x39: {  	_ = 	snop;
	(pc) =	sbr.ind lr, $3  }
0x3a: {  	_ = 	snop  }
0x3b: {  	_ = 	snop  }
0x3c: {  	p2 =	seq.s32 s10, $0x1;
	s10 =	sld [smem:$0x3FAB]  }
0x3d: {  	_ =	shalt  }
0x3e: {  	_ =	shalt  }
0x3f: {  	_ =	shalt  }
0x40: {  	_ =	shalt  }
0x41: {  	_ =	shalt  }
0x42: {  	_ =	shalt  }
0x43: {  	_ =	shalt  }
0x44: {  	_ =	shalt  }
0x45: {  	_ =	shalt  }
0x46: {  	_ =	shalt  }
0x47: {  	_ =	shalt  }
0x48: {  	_ =	shalt  }
0x49: {  	_ =	shalt  }
0x4a: {  	_ =	shalt  }
0x4b: {  	_ =	shalt  }
0x4c: {  	_ =	shalt  }
0x4d: {  	_ =	shalt  }
0x4e: {  	_ =	shalt  }
0x4f: {  	_ =	shalt  }
0x50: {  	_ =	shalt  }
0x51: {  	_ =	shalt  }
0x52: {  	_ =	shalt  }
0x53: {  	_ =	shalt  }
0x54: {  	_ =	shalt  }
0x55: {  	_ =	shalt  }
0x56: {  	_ =	shalt  }
0x57: {  	_ =	shalt  }
0x58: {  	_ =	shalt  }
0x59: {  	_ =	shalt  }
0x5a: {  	_ =	shalt  }
0x5b: {  	_ =	shalt  }
0x5c: {  	_ =	shalt  }
0x5d: {  	_ =	shalt  }
0x5e: {  	_ =	shalt  }
0x5f: {  	_ =	shalt  }
0x60: {  	_ =	shalt  }
0x61: {  	_ =	shalt  }
0x62: {  	_ =	shalt  }
0x63: {  	_ =	shalt  }
0x64: {  	_ =	shalt  }
0x65: {  	_ =	shalt  }
0x66: {  	_ =	shalt  }
0x67: {  	_ =	shalt  }
0x68: {  	_ =	shalt  }
0x69: {  	_ =	shalt  }
0x6a: {  	_ =	shalt  }
0x6b: {  	_ =	shalt  }
0x6c: {  	_ =	shalt  }
0x6d: {  	_ =	shalt  }
0x6e: {  	_ =	shalt  }
0x6f: {  	_ =	shalt  }
0x70: {  	_ =	shalt  }
0x71: {  	_ =	shalt  }
0x72: {  	_ =	shalt  }
0x73: {  	_ =	shalt  }
0x74: {  	_ =	shalt  }
0x75: {  	_ =	shalt  }
0x76: {  	_ =	shalt  }
0x77: {  	_ =	shalt  }
0x78: {  	_ =	shalt  }
0x79: {  	_ =	shalt  }
0x7a: {  	_ =	shalt  }
0x7b: {  	_ =	shalt  }
0x7c: {  	_ =	shalt  }
0x7d: {  	_ =	shalt  }
0x7e: {  	_ =	shalt  }
0x7f: {  	_ =	shalt  }
0x80: {  	_ =	shalt  }
0x81: {  	_ =	shalt  }
0x82: {  	_ =	shalt  }
0x83: {  	_ =	shalt  }
0x84: {  	_ =	shalt  }
0x85: {  	_ =	shalt  }
0x86: {  	_ =	shalt  }
0x87: {  	_ =	shalt  }
.Lfunc_end0:
.L_simem_size_0:
called_computation.1_lowered:
.L_overlay_start_0:
0x88: {  	s2 =	sld [smem:$0x3FD9]  }
0x89: {  	s3 =	sld [smem:$0x3FFE];
	_ =	sdelay $0x1  }
0x8a: {  	s1 =	srdreg.scid  }
0x8b: {  	s0 =	sand.u32 $0x1, s1  }
0x8c: {  	s17 =	sshll.u32 s0, $0xA;
	s2 =	sadd.s32 s3, s2  }
0x8d: {  	s2 =	sadd.s32 s2, s17  }
0x8e: {  	[smem:$0x3FB7] =	sst s2  }
0x8f: {  	_ = 	snop  }
0x90: {  	(tm) =	ssettm $0x1  }
0x91: {  	s18 =	sld [smem:$0x3FFB];
	_ =	sdelay $0x3  }
0x92: {  	_ =	strace s18  }
0x93: {  	s2 =	sld [smem:$0x3FFC];
	_ =	sdelay $0x3  }
0x94: {  	_ =	strace s2  }
0x95: {  	s2 =	sld [smem:$0x3FFD];
	_ =	sdelay $0x3  }
0x96: {  	_ =	strace s2  }
0x97: {  	_ =	strace $0x8FFFFFFF  }
0x98: {  	s19 =	sld [smem:$0x3FDB];
	_ =	sdelay $0x1  }
0x99: {  	s20 =	simm.s32 $_scs_section_size  }
0x9a: {  	s4 =	simm.s32 $_size__tile_overlayer_lowered;
	s5 =	simm.s32 $_tile_overlayer_lowered  }
0x9b: {  	s6 =	simm.s32 $0x1BFF;
	s21 =	sshll.u32 s5, $0x1;
	s3 =	sadd.s32 s20, s19  }
0x9c: {  	s22 =	simm.s32 $0x0;
	s4 =	sshll.u32 s4, $0x1;
	s5 =	sadd.s32 s21, s3  }
0x9d: {  	[timem:s22], [sflag:s6] =	dma.local [hbm:s5], s4  }
0x9e: {  	_ =	swait.ge [sflag:s6], s4  }
0x9f: {  	s4 =	ssub.s32 $0x0, s4;
	[sflag:s6] =	ssyncset.done $0x0  }
0xa0: {  	[sflag:s6] =	ssyncadd.s32 s4;
	_ =	sdelay $0x1  }
0xa1: {  	s23 =	simm.s32 $0x1B8B  }
0xa2: {  	_ =	swait.ge [sflag:s23], $0x1  }
0xa3: {  	[sflag:s23] =	ssyncset.done $0x0  }
0xa4: {  	[sflag:s23] =	ssyncadd.s32 $0xFFFFFFFF  }
0xa5: {  	s4 =	sld [smem:$0x0]  }
0xa6: {  	s5 =	sand.u32 $0xFFFFFFFE, s1  }
0xa7: {  	p0 =	sne.s32 s1, s5  }
0xa8: {  	s5 =	sshll.u32 @p0 s5, $0xE  }
0xa9: {  	s5 =	sadd.s32 @p0 $0x11B8D, s5;
	s6 =	sshll.u32 @p0 s4, $0x11  }
0xaa: {  	s5 =	sor.u32 @p0 s6, s5  }
0xab: {  	[sflag:s5] =	ssyncadd.remote.s32 @p0 $0x1;
	_ =	sdelay $0x1  }
0xac: {  	s5 =	simm.s32 @p0 $0x1B8D  }
0xad: {  	_ =	swait.eq @p0 [sflag:s5], $0x1  }
0xae: {  	[sflag:s5] =	ssyncadd.s32 @p0 $0xFFFFFFFF  }
0xaf: {  	s6 =	sshll.u32 @!p0 s1, $0xE  }
0xb0: {  	s6 =	sor.u32 @!p0 $0x4000, s6;
	s5 =	simm.s32 @!p0 $0x1B8D  }
0xb1: {  	s4 =	sshll.u32 @!p0 s4, $0x11;
	s6 =	sadd.s32 @!p0 $0x11B8D, s6;
	_ =	swait.eq @!p0 [sflag:s5], $0x1  }
0xb2: {  	s4 =	sor.u32 @!p0 s4, s6;
	[sflag:s5] =	ssyncadd.s32 @!p0 $0xFFFFFFFF  }
0xb3: {  	s25 =	simm.s32 $0x1B8E;
	s24 =	sld [smem:$0x3FFE];
	[sflag:s4] =	ssyncadd.remote.s32 @!p0 $0x1  }
0xb4: {  	s26 =	simm.s32 $execute0_lowered;
	[smem:$0x3FD2] =	sst s25  }
0xb5: {  	s5 =	sshll.u32 s26, $0x1;
	_ =	strace $0x80000050;
	[dreg:$0x1] =	wrdreg $0xFFFFFFFF  }
0xb6: {  	s28 =	simm.s32 $_size_execute0_lowered;
	s3 =	sadd.s32 s3, s5;
	[dreg:$0x0] =	wrdreg $0x0  }
0xb7: {  	s5 =	sshll.u32 s28, $0x1;
	[dreg:$0x2] =	wrdreg s3  }
0xb8: {  	[dreg:$0x3] =	wrdreg s5  }
0xb9: {  	[dreg:$0x4] =	wrdreg $0xC0  }
0xba: {  	_ =	task [dreg:s22], $0x5FFFF  }
0xbb: {  	[dreg:$0x1] =	wrdreg $0xFFFFFFFF  }
0xbc: {  	[dreg:$0x0] =	wrdreg $0x60  }
0xbd: {  	[dreg:$0x2] =	wrdreg s24  }
0xbe: {  	[dreg:$0x3] =	wrdreg $0xA  }
0xbf: {  	_ =	task.clear_ibuf [dreg:s22], $0x4FFFF;
	_ =	strace $0x90000050  }
0xc0: {  	s29 =	simm.s32 $0xA;
	_ =	strace $0x80000059  }
0xc1: {  	_ =	swait.ge [sflag:s29], $0x1  }
0xc2: {  	[sflag:s29] =	ssyncadd.s32 $0xFFFFFFFF  }
0xc3: {  	_ =	strace $0x90000059  }
0xc4: {  	_ =	sfence  }
0xc5: {  	s30 =	sld [smem:$0x0];
	_ =	sdelay $0x2  }
0xc6: {  	s31 =	sshll.u32 s1, $0xD;
	s1 =	sshrl.u32 s1, $0x2  }
0xc7: {  	s4 =	sand.u32 $0x4000, s31;
	s1 =	sadd.s32 s1, s30  }
0xc8: {  	s0 =	sor.u32 s4, s0;
	s1 =	sshll.u32 s1, $0x11  }
0xc9: {  	s0 =	sor.u32 s1, s0  }
0xca: {  	s0 =	sadd.s32 $0x8F2B, s0  }
0xcb: {  	[sflag:s0] =	ssyncadd.remote.s32 $0x1  }
0xcc: {  	_ =	sfence.sel $0xFFFF  }
0xcd: {  	[dreg:$0x0] =	wrdreg $0xFFFFFFFF;
	(pc) =	sbr.abs _section_cstart, $3  }
0xce: {  	[dreg:$0x1] =	wrdreg $0xFFFFFFFF  }
0xcf: {  	_ =	task.clear_ibuf [dreg:s22], $0x2FFFF;
	_ =	strace $0x9FFFFFFF  }
0xd0: {  	(tm) =	ssettm $0x7FFFFFFF  }
0xd1: {  	_ =	shalt  }
tec
execute0_lowered:
.L_overlay_start_1:
0x0: {  	(tag) =	ssettag $0x1  }
0x1: {  	s0 =	srdreg.scid  }
0x2: {  	s5 =	sand.u32 $0x1, s0  }
0x3: {  	s0 =	stileid.u32;
	s1 =	sshll.u32 s5, $0x4  }
0x4: {  	s6 =	rddreg [dreg:$0x0];
	s2 =	simm.s32 $0x0;
	s7 =	sor.u32 s0, s1  }
0x5: {  	[smem:$0x7FF] =	sst s2;
	s3 =	sadd.s32 $0x3E400, s6;
	s8 =	smul.u32 $0x3E80, s7  }
0x6: {  	s4 =	sadd.s32 $0x56E600, s6;
	s6 =	sadd.s32 $0x57E000, s6;
	s9 =	smul.u32 $0x280, s7  }
0x7: {  	s5 =	ssub.s32 $0x2, s5;
	s1 =	rddreg [dreg:$0x1];
	_ =	strace $0x80000051  }
0x8: {  	s30 =	sshrl.u32 s5, $0x1;
	s8 =	sand.u32 $0x7FC00, s8;
	s9 =	sand.u32 $0x380, s9  }
0x9: {  	v2 =	vlaneseq.u32;
	[dreg:$0x2] =	wrdreg s6;
	s31 =	ssub.s32 s5, s30;
	s8 =	sor.u32 s9, s8  }
0xa: {  	vm0 =	vmmov $0xffff;
	v1 =	vshrl.u32 v2, $0x3;
	s5 =	smul.u32 $0x7D, s7;
	s7 =	smax.u32 s31, $0x1;
	s8 =	sshrl.u32 s8, $0x3  }
0xb: {  	v0 =	vand.u32 $0x7, v2;
	v2 =	vor.u32 $0x8, v2;
	v1 =	vmul.u32 $0x8, v1;
	s9 =	simm.s32 $0x0;
	s6 =	sadd.s32 s4, s8;
	s8 =	simm.s32 $0x5  }
.LBB2_1:
0xc: {  	_ =	strace $0x80000052;
	s10 =	simm.s32 $0x7D  }
0xd: {  	s12 =	simm.s32 $0x0;
	s11 =	simm.s32 $0x0;
	s13 =	simm.s32 $0x0  }
0xe: {  	[tilespmem:s2], [sflag:$0x1] =	stream.linear.gather [hbm4b:s6+s2], $0x80, $0x200038;
	[tilespmem:$0xA100] =	vst v63  }
0xf: {  	s14 =	simm.s32 $0x0;
	s15 =	simm.s32 $0x1;
	_ =	strace $0x90000052  }
.LBB2_2:
0x10: {  	s16 =	smov.u32 s12;
	s12 =	sadd.s32 $0x1, s12  }
0x11: {  	p0 =	seq.s32 s12, $0x7D  }
0x12: {  	s12 =	simm.s32 @p0 $0x0  }
0x13: {  	p6 =	sne.s32 s10, $0x1;
	p1 =	sne.s32 s16, s12  }
0x14: {  	p0 =	por !p6, !p1  }
0x15: {  	p0 =	por !p0, !p0  }
0x16: {  	s17 =	sadd.s32 @p0 s5, s12  }
0x17: {  	s18 =	sand.u32 @p0 $0x1, s15;
	s17 =	sshll.u32 @p0 s17, $0x4  }
0x18: {  	_ =	strace @p0 $0x80000053;
	s20 =	simm.s32 @p0 $0x0;
	s17 =	sand.u32 @p0 $0x1FFFFFF0, s17  }
0x19: {  	s19 =	sshll.u32 @p0 s18, $0x7;
	s18 =	sadd.s32 @p0 $0x1, s18;
	s17 =	sadd.s32 @p0 s4, s17  }
0x1a: {  	[tilespmem:s19], [sflag:s18] =	stream.linear.gather @p0 [hbm4b:s17+s20], $0x80, $0x200038;
	[tilespmem:$0xA100] =	vst v63  }
0x1b: {  	s18 =	sand.u32 $0x1, s14;
	_ =	strace @p0 $0x90000053  }
0x1c: {  	s17 =	sadd.s32 $0x1, s18;
	_ =	strace $0x80000054  }
0x1d: {  	_ =	swait.ge [sflag:s17], $0x80  }
0x1e: {  	[sflag:s17] =	ssyncset.done $0x0  }
0x1f: {  	[sflag:s17] =	ssyncadd.s32 $0xFFFFFF80  }
0x20: {  	s19 =	sshll.u32 s14, $0x7;
	_ =	strace $0x90000054  }
0x21: {  	s20 =	sand.u32 $0x80, s19;
	_ =	strace $0x80000055  }
0x22: {  	v3 =	vld [tilespmem:s20+$0x0];
	_ =	sdelay $0x4  }
0x23: {  	v4 =	vshll.u32 v3, $0x1  }
0x24: {  	v3 =	vand.u32 $0x7, v3;
	v4 =	vand.u32 $0xFFFFFFF0, v4  }
0x25: {  	v3 =	vor.u32 v3, v4  }
0x26: {  	v4 =	vperm.xlane v3, v0;
	_ =	sdelay $0x1  }
0x27: {  	s17 =	sand.u32 $0x1, s13;
	v3 =	vperm.xlane v3, v2;
	v4 =	vadd.s32 v1, v4  }
0x28: {  	s21 =	smul.u32 $0x14000, s17  }
0x29: {  	v3 =	vadd.s32 v1, v3  }
0x2a: {  	s22 =	sshrl.u32 s21, $0x2  }
0x2b: {  	s18 =	sor.u32 $0x100, s22  }
0x2c: {  	[tilespmem:s18], [sflag:$0x5] =	stream.indirect_vreg.gather [hbm4b:s3+s2], $0x80, v4, vm0, $0x2000b8;
	[tilespmem:$0xA100] =	vst v63  }
0x2d: {  	s21 =	sor.u32 $0x900, s22  }
0x2e: {  	[tilespmem:s21], [sflag:$0x5] =	stream.indirect_vreg.gather [hbm4b:s3+s2], $0x80, v3, vm0, $0x2000b8;
	[tilespmem:$0xA100] =	vst v63  }
0x2f: {  	v3 =	vld [tilespmem:s20+$0x10];
	_ =	sdelay $0x4  }
0x30: {  	v60 =	vshll.u32 v3, $0x1  }
0x31: {  	v3 =	vand.u32 $0x7, v3;
	v4 =	vand.u32 $0xFFFFFFF0, v60  }
0x32: {  	v3 =	vor.u32 v3, v4  }
0x33: {  	v4 =	vperm.xlane v3, v0;
	_ =	sdelay $0x1  }
0x34: {  	v3 =	vperm.xlane v3, v2;
	v4 =	vadd.s32 v1, v4;
	_ =	sdelay $0x1  }
0x35: {  	v3 =	vadd.s32 v1, v3;
	_ =	sdelay $0x1  }
0x36: {  	s23 =	sadd.s32 $0x1100, s22  }
0x37: {  	[tilespmem:s23], [sflag:$0x5] =	stream.indirect_vreg.gather [hbm4b:s3+s2], $0x80, v4, vm0, $0x2000b8;
	[tilespmem:$0xA100] =	vst v63  }
0x38: {  	s24 =	sadd.s32 $0x1900, s22  }
0x39: {  	[tilespmem:s24], [sflag:$0x5] =	stream.indirect_vreg.gather [hbm4b:s3+s2], $0x80, v3, vm0, $0x2000b8;
	[tilespmem:$0xA100] =	vst v63  }
0x3a: {  	v3 =	vld [tilespmem:s20+$0x20];
	_ =	sdelay $0x4  }
0x3b: {  	v61 =	vshll.u32 v3, $0x1  }
0x3c: {  	v3 =	vand.u32 $0x7, v3;
	v4 =	vand.u32 $0xFFFFFFF0, v61  }
0x3d: {  	v3 =	vor.u32 v3, v4  }
0x3e: {  	v4 =	vperm.xlane v3, v0;
	_ =	sdelay $0x1  }
0x3f: {  	v3 =	vperm.xlane v3, v2;
	v4 =	vadd.s32 v1, v4;
	_ =	sdelay $0x1  }
0x40: {  	v3 =	vadd.s32 v1, v3;
	_ =	sdelay $0x1  }
0x41: {  	s25 =	sadd.s32 $0x2100, s22  }
0x42: {  	[tilespmem:s25], [sflag:$0x5] =	stream.indirect_vreg.gather [hbm4b:s3+s2], $0x80, v4, vm0, $0x2000b8;
	[tilespmem:$0xA100] =	vst v63  }
0x43: {  	s26 =	sadd.s32 $0x2900, s22  }
0x44: {  	[tilespmem:s26], [sflag:$0x5] =	stream.indirect_vreg.gather [hbm4b:s3+s2], $0x80, v3, vm0, $0x2000b8;
	[tilespmem:$0xA100] =	vst v63  }
0x45: {  	v3 =	vld [tilespmem:s20+$0x30];
	_ =	sdelay $0x4  }
0x46: {  	v62 =	vshll.u32 v3, $0x1  }
0x47: {  	v3 =	vand.u32 $0x7, v3;
	v4 =	vand.u32 $0xFFFFFFF0, v62  }
0x48: {  	v3 =	vor.u32 v3, v4  }
0x49: {  	v4 =	vperm.xlane v3, v0;
	_ =	sdelay $0x1  }
0x4a: {  	v3 =	vperm.xlane v3, v2;
	v4 =	vadd.s32 v1, v4;
	_ =	sdelay $0x1  }
0x4b: {  	v3 =	vadd.s32 v1, v3;
	_ =	sdelay $0x1  }
0x4c: {  	s28 =	sadd.s32 $0x3100, s22  }
0x4d: {  	[tilespmem:s28], [sflag:$0x5] =	stream.indirect_vreg.gather [hbm4b:s3+s2], $0x80, v4, vm0, $0x2000b8;
	[tilespmem:$0xA100] =	vst v63  }
0x4e: {  	s29 =	sadd.s32 $0x3900, s22  }
0x4f: {  	[tilespmem:s29], [sflag:$0x5] =	stream.indirect_vreg.gather [hbm4b:s3+s2], $0x80, v3, vm0, $0x2000b8;
	[tilespmem:$0xA100] =	vst v63  }
0x50: {  	v3 =	vld [tilespmem:s20+$0x40];
	_ =	sdelay $0x4  }
0x51: {  	v63 =	vshll.u32 v3, $0x1  }
0x52: {  	v3 =	vand.u32 $0x7, v3;
	v4 =	vand.u32 $0xFFFFFFF0, v63  }
0x53: {  	v3 =	vor.u32 v3, v4  }
0x54: {  	v4 =	vperm.xlane v3, v0;
	_ =	sdelay $0x1  }
0x55: {  	v3 =	vperm.xlane v3, v2;
	v4 =	vadd.s32 v1, v4;
	_ =	sdelay $0x1  }
0x56: {  	v3 =	vadd.s32 v1, v3;
	_ =	sdelay $0x1  }
0x57: {  	s30 =	sadd.s32 $0x4100, s22  }
0x58: {  	[tilespmem:s30], [sflag:$0x5] =	stream.indirect_vreg.gather [hbm4b:s3+s2], $0x80, v4, vm0, $0x2000b8;
	[tilespmem:$0xA100] =	vst v63  }
0x59: {  	s31 =	sadd.s32 $0x4900, s22  }
0x5a: {  	[tilespmem:s31], [sflag:$0x5] =	stream.indirect_vreg.gather [hbm4b:s3+s2], $0x80, v3, vm0, $0x2000b8;
	[tilespmem:$0xA100] =	vst v63  }
0x5b: {  	p2 =	seq.s32 s10, $0x1;
	_ =	swait.ge [sflag:s8], $0x5000  }
0x5c: {  	s16 =	sadd.s32 s5, s16;
	p1 =	por p2, p1;
	[sflag:s8] =	ssyncset.done $0x0  }
0x5d: {  	s16 =	smul.u32 @p1 $0x5000, s16;
	[sflag:s8] =	ssyncadd.s32 $0xFFFFB000  }
0x5e: {  	_ =	strace $0x90000055  }
0x5f: {  	s16 =	sshrl.u32 @p1 s16, $0x3;
	s20 =	simm.s32 $0x1;
	_ =	strace @p1 $0x80000056  }
0x60: {  	s17 =	sadd.s32 @p1 $0x3, s17;
	s20 =	simm.s32 @!p0 $0x0;
	s19 =	rddreg [dreg:$0x2]  }
0x61: {  	p0 =	seq.s32 s10, $0x7D;
	s16 =	sadd.s32 @p1 s19, s16;
	s19 =	simm.s32 @p1 $0x0  }
0x62: {  	[hbm4b:s16+s19] =	stream.linear.scatter @p1 [tilespmem:s18], [sflag:s17], $0x5000, $0x200038;
	[tilespmem:$0xA100] =	vst v63  }
0x63: {  	s16 =	simm.s32 $0x1;
	s18 =	simm.s32 $0x1;
	_ =	strace @p1 $0x90000056  }
0x64: {  	s16 =	simm.s32 @!p1 $0x0;
	p1 =	sne.s32 s10, $0x7D;
	s10 =	sadd.s32 $0xFFFFFFFF, s10  }
0x65: {  	s17 =	sand.u32 @!p0 $0x1, s11;
	s18 =	simm.s32 @!p1 $0x0;
	p1 =	sne.s32 s10, $0x0  }
.Ltmp0:
0x66: {  	s17 =	sadd.s32 @!p0 $0x3, s17;
	_ =	strace @!p0 $0x80000057;
	(pc) =	sbr.rel @p1 .LBB2_2-.Ltmp0, $4  }
0x67: {  	_ =	swait.ge @!p0 [sflag:s17], $0x5000  }
0x68: {  	[sflag:s17] =	ssyncset.done @!p0 $0x0  }
0x69: {  	s15 =	sadd.s32 s20, s15;
	s13 =	sadd.s32 s16, s13;
	[sflag:s17] =	ssyncadd.s32 @!p0 $0xFFFFB000  }
0x6a: {  	s14 =	sadd.s32 s16, s14;
	s11 =	sadd.s32 s18, s11;
	_ =	strace @!p0 $0x90000057  }
0x6b: {  	s9 =	sadd.s32 $0x1, s9  }
0x6c: {  	s10 =	sand.u32 $0x1, s11;
	p0 =	sne.s32 s9, s7  }
.Ltmp1:
0x6d: {  	_ =	strace $0x80000058;
	s10 =	sadd.s32 $0x3, s10;
	(pc) =	sbr.rel @p0 .LBB2_1-.Ltmp1, $4  }
0x6e: {  	_ =	swait.ge [sflag:s10], $0x5000  }
0x6f: {  	[sflag:s10] =	ssyncset.done $0x0  }
0x70: {  	[sflag:s10] =	ssyncadd.s32 $0xFFFFB000  }
0x71: {  	_ =	strace $0x90000058  }
0x72: {  	_ =	sfence.sel $0x180000  }
0x73: {  	[bflag:$0x0] =	sbarrier.arrive $0xFFFF  }
0x74: {  	p0 =	sne.s32 s0, $0x0;
	_ =	strace $0x90000051  }
0x75: {  	s0 =	sadd.s32 @!p0 $0x100000, s1;
	[bflag:$0x2] =	sbarrier.arrive $0xFFFF  }
0x76: {  	[sflag:s0] =	ssyncadd.tile.s32 @!p0 $0x1;
	_ =	shalt  }
.Lfunc_end2:
_tile_overlayer_lowered:
.L_overlay_start_2:
0x77: {  	(tag) =	ssettag $0x2  }
0x78: {  	s0 =	rddreg [dreg:$0x0];
	s2 =	stileid.u32  }
0x79: {  	s1 =	rddreg [dreg:$0x1];
	p0 =	sne.s32 s2, $0x0  }
0x7a: {  	s3 =	rddreg [dreg:$0x2];
	[bflag:$0x3] =	sbarrier.arrive $0xFFFF;
	s2 =	simm.s32 @!p0 $0x1C01  }
0x7b: {  	[timem:s3], [sflag:s2] =	dma.local @!p0 [hbm:s0], s1  }
0x7c: {  	s0 =	simm.s32 @!p0 $0x1  }
0x7d: {  	_ =	swait.ge @!p0 [sflag:s0], s1  }
0x7e: {  	s1 =	ssub.s32 @!p0 $0x0, s1;
	[sflag:s0] =	ssyncset.done @!p0 $0x0  }
0x7f: {  	[sflag:s0] =	ssyncadd.s32 @!p0 s1  }
0x80: {  	[bflag:$0x3] =	sbarrier.arrive $0xFFFF  }
0x81: {  	_ =	shalt  }

// kernel: kernel.14.cloned.1.call-start
scs
__scs_entry_jumppad:
0x0: {  	(pc) =	sbr.rel $0x88, $3  }
0x1: {  	(tag) =	ssettag $0x0;
	lr =	simm.s32 $0x1  }
0x2: {  	[smem:$0x3F90] =	sst lr;
	_ =	strace $0xD0000000  }
0x3: {  	_ = 	snop  }
0x4: {  	_ = 	snop  }
0x5: {  	_ = 	snop  }
0x6: {  	_ = 	snop  }
0x7: {  	_ = 	snop  }
__scs_overlays_trampoline_lowered:
0x8: {  	[smem:$0x3F9F] =	sst s0  }
0x9: {  	[smem:$0x3FA0] =	sst s1  }
0xa: {  	[smem:$0x3FA1] =	sst s2  }
0xb: {  	[smem:$0x3FA2] =	sst s3  }
0xc: {  	[smem:$0x3FA3] =	sst s4  }
0xd: {  	[smem:$0x3FA4] =	sst s5  }
0xe: {  	[smem:$0x3FA5] =	sst s6  }
0xf: {  	[smem:$0x3FA6] =	sst s7  }
0x10: {  	[smem:$0x3FA7] =	sst s8  }
0x11: {  	[smem:$0x3FA8] =	sst s9;
	s0 =	simm.s32 @!p0 $0x0  }
0x12: {  	s1 =	sld [smem:$0x3F8E];
	s0 =	simm.s32 @p0 $0x1  }
0x13: {  	[smem:$0x3FA9] =	sst s0;
	s0 =	simm.s32 @!p1 $0x0  }
0x14: {  	s2 =	sld [smem:$0x3F8D];
	s0 =	simm.s32 @p1 $0x1  }
0x15: {  	[smem:$0x3FAA] =	sst s0;
	s0 =	simm.s32 @!p2 $0x0  }
0x16: {  	s3 =	sld [smem:$0x3FDB];
	s0 =	simm.s32 @p2 $0x1  }
0x17: {  	s4 =	simm.s32 $0x1BF5;
	[smem:$0x3FAC] =	sst s0  }
0x18: {  	s0 =	sld [smem:$0x3F8F];
	_ =	swait.ge [sflag:s4], $0x0  }
0x19: {  	s7 =	sld [smem:$0x3F90]  }
0x1a: {  	s8 =	sadd.s32 $0xFFFFE003, lr  }
0x1b: {  	s9 =	sadd.s32 $0xFFFFFEF7, lr;
	s5 =	simm.s32 $0xFFFFFFFF;
	p2 =	slt.u32 s8, $0xFFFFF086  }
0x1c: {  	p1 =	slt.u32 s9, $0xF7A;
	s5 =	simm.s32 @!p2 $0x0  }
0x1d: {  	s5 =	simm.s32 @p1 $0x1;
	p0 =	seq.s32 s7, s2  }
0x1e: {  	s7 =	smul.u32 @!p0 $0xF7A, s2;
	p2 =	seq.s32 @!p0 s5, $0x0  }
0x1f: {  	s9 =	smul.u32 $0xF7A, s1;
	s8 =	simm.s32 @!p0 $0x1BF5;
	p2 =	por !p2, p0  }
0x20: {  	[sflag:s8] =	ssyncset.s32 @!p0 $0xFFFFF086;
	s6 =	sadd.s32 @!p0 s3, s7;
	s7 =	simm.s32 @!p0 $0x108  }
0x21: {  	s3 =	sadd.s32 s3, s9;
	s6 =	sadd.s32 @!p0 $0x88, s6;
	s7 =	simm.s32 @p2 $0x1082  }
0x22: {  	[simem:s7], [sflag:s8] =	dma.local @!p0 [hbm:s6], $0xF7A  }
0x23: {  	s9 =	sor.u32 $0xD0000000, s2;
	s6 =	simm.s32 $0x108;
	_ =	swait.ge @!p0 [sflag:s8], $0x0  }
0x24: {  	s3 =	sadd.s32 $0x88, s3;
	s6 =	simm.s32 @!p1 $0x1082;
	[sflag:s4] =	ssyncset.s32 $0xFFFFF086  }
0x25: {  	[simem:s6], [sflag:s4] =	dma.local [hbm:s3], $0xF7A  }
0x26: {  	[smem:$0x3F90] =	sst s1;
	(tag) =	ssettag s2;
	_ =	strace s9  }
0x27: {  	s1 =	sld [smem:$0x3FA0]  }
0x28: {  	s2 =	sld [smem:$0x3FA1]  }
0x29: {  	s4 =	sld [smem:$0x3FA3]  }
0x2a: {  	p0 =	seq.s32 s5, $0x0;
	s5 =	sld [smem:$0x3FA4]  }
0x2b: {  	s6 =	sld [smem:$0x3FA5]  }
0x2c: {  	s7 =	sld [smem:$0x3FA6]  }
0x2d: {  	s3 =	simm.s32 $0x108;
	s8 =	sld [smem:$0x3FA7]  }
0x2e: {  	s3 =	simm.s32 @!p0 $0x1082;
	s9 =	sld [smem:$0x3FA8]  }
0x2f: {  	lr =	sadd.s32 s0, s3;
	s0 =	sld [smem:$0x3F9F]  }
0x30: {  	s3 =	sld [smem:$0x3FA2]  }
0x31: {  	[smem:$0x3FAB] =	sst s10  }
0x32: {  	s10 =	sld [smem:$0x3FA9];
	_ =	sdelay $0x3  }
0x33: {  	p0 =	seq.s32 s10, $0x1;
	s10 =	sld [smem:$0x3FAB];
	_ =	sdelay $0x3  }
0x34: {  	[smem:$0x3FAB] =	sst s10  }
0x35: {  	s10 =	sld [smem:$0x3FAA];
	_ =	sdelay $0x3  }
0x36: {  	p1 =	seq.s32 s10, $0x1;
	s10 =	sld [smem:$0x3FAB];
	_ =	sdelay $0x3  }
0x37: {  	[smem:$0x3FAB] =	sst s10  }
0x38: {  	s10 =	sld [smem:$0x3FAC]  }
0x39: {  	_ = 	snop;
	(pc) =	sbr.ind lr, $3  }
0x3a: {  	_ = 	snop  }
0x3b: {  	_ = 	snop  }
0x3c: {  	p2 =	seq.s32 s10, $0x1;
	s10 =	sld [smem:$0x3FAB]  }
0x3d: {  	_ =	shalt  }
0x3e: {  	_ =	shalt  }
0x3f: {  	_ =	shalt  }
0x40: {  	_ =	shalt  }
0x41: {  	_ =	shalt  }
0x42: {  	_ =	shalt  }
0x43: {  	_ =	shalt  }
0x44: {  	_ =	shalt  }
0x45: {  	_ =	shalt  }
0x46: {  	_ =	shalt  }
0x47: {  	_ =	shalt  }
0x48: {  	_ =	shalt  }
0x49: {  	_ =	shalt  }
0x4a: {  	_ =	shalt  }
0x4b: {  	_ =	shalt  }
0x4c: {  	_ =	shalt  }
0x4d: {  	_ =	shalt  }
0x4e: {  	_ =	shalt  }
0x4f: {  	_ =	shalt  }
0x50: {  	_ =	shalt  }
0x51: {  	_ =	shalt  }
0x52: {  	_ =	shalt  }
0x53: {  	_ =	shalt  }
0x54: {  	_ =	shalt  }
0x55: {  	_ =	shalt  }
0x56: {  	_ =	shalt  }
0x57: {  	_ =	shalt  }
0x58: {  	_ =	shalt  }
0x59: {  	_ =	shalt  }
0x5a: {  	_ =	shalt  }
0x5b: {  	_ =	shalt  }
0x5c: {  	_ =	shalt  }
0x5d: {  	_ =	shalt  }
0x5e: {  	_ =	shalt  }
0x5f: {  	_ =	shalt  }
0x60: {  	_ =	shalt  }
0x61: {  	_ =	shalt  }
0x62: {  	_ =	shalt  }
0x63: {  	_ =	shalt  }
0x64: {  	_ =	shalt  }
0x65: {  	_ =	shalt  }
0x66: {  	_ =	shalt  }
0x67: {  	_ =	shalt  }
0x68: {  	_ =	shalt  }
0x69: {  	_ =	shalt  }
0x6a: {  	_ =	shalt  }
0x6b: {  	_ =	shalt  }
0x6c: {  	_ =	shalt  }
0x6d: {  	_ =	shalt  }
0x6e: {  	_ =	shalt  }
0x6f: {  	_ =	shalt  }
0x70: {  	_ =	shalt  }
0x71: {  	_ =	shalt  }
0x72: {  	_ =	shalt  }
0x73: {  	_ =	shalt  }
0x74: {  	_ =	shalt  }
0x75: {  	_ =	shalt  }
0x76: {  	_ =	shalt  }
0x77: {  	_ =	shalt  }
0x78: {  	_ =	shalt  }
0x79: {  	_ =	shalt  }
0x7a: {  	_ =	shalt  }
0x7b: {  	_ =	shalt  }
0x7c: {  	_ =	shalt  }
0x7d: {  	_ =	shalt  }
0x7e: {  	_ =	shalt  }
0x7f: {  	_ =	shalt  }
0x80: {  	_ =	shalt  }
0x81: {  	_ =	shalt  }
0x82: {  	_ =	shalt  }
0x83: {  	_ =	shalt  }
0x84: {  	_ =	shalt  }
0x85: {  	_ =	shalt  }
0x86: {  	_ =	shalt  }
0x87: {  	_ =	shalt  }
.Lfunc_end0:
.L_simem_size_0:
called_computation.2_lowered:
.L_overlay_start_0:
0x88: {  	s2 =	sld [smem:$0x3FD9]  }
0x89: {  	s3 =	sld [smem:$0x3FFE];
	_ =	sdelay $0x1  }
0x8a: {  	s1 =	srdreg.scid  }
0x8b: {  	s0 =	sand.u32 $0x1, s1  }
0x8c: {  	s16 =	sshll.u32 s0, $0xA;
	s2 =	sadd.s32 s3, s2  }
0x8d: {  	s2 =	sadd.s32 s2, s16  }
0x8e: {  	[smem:$0x3FB7] =	sst s2  }
0x8f: {  	_ = 	snop  }
0x90: {  	(tm) =	ssettm $0x1  }
0x91: {  	s17 =	sld [smem:$0x3FFB];
	_ =	sdelay $0x3  }
0x92: {  	_ =	strace s17  }
0x93: {  	s2 =	sld [smem:$0x3FFC];
	_ =	sdelay $0x3  }
0x94: {  	_ =	strace s2  }
0x95: {  	s2 =	sld [smem:$0x3FFD];
	_ =	sdelay $0x3  }
0x96: {  	_ =	strace s2  }
0x97: {  	_ =	strace $0x8FFFFFFF  }
0x98: {  	s18 =	sld [smem:$0x3FDB];
	_ =	sdelay $0x1  }
0x99: {  	s19 =	simm.s32 $_scs_section_size  }
0x9a: {  	s4 =	simm.s32 $_size__tile_overlayer_lowered;
	s5 =	simm.s32 $_tile_overlayer_lowered  }
0x9b: {  	s22 =	simm.s32 $0x1BFF;
	s21 =	sshll.u32 s5, $0x1;
	s2 =	sadd.s32 s19, s18  }
0x9c: {  	s6 =	simm.s32 $0x0;
	s20 =	sshll.u32 s4, $0x1;
	s4 =	sadd.s32 s21, s2  }
0x9d: {  	[timem:s6], [sflag:s22] =	dma.local [hbm:s4], s20  }
0x9e: {  	_ =	swait.ge [sflag:s22], s20  }
0x9f: {  	s3 =	ssub.s32 $0x0, s20;
	[sflag:s22] =	ssyncset.done $0x0  }
0xa0: {  	[sflag:s22] =	ssyncadd.s32 s3;
	_ =	sdelay $0x1  }
0xa1: {  	s23 =	simm.s32 $0x1B8B  }
0xa2: {  	_ =	swait.ge [sflag:s23], $0x1  }
0xa3: {  	[sflag:s23] =	ssyncset.done $0x0  }
0xa4: {  	s25 =	simm.s32 $0x1B8E;
	s24 =	sld [smem:$0x3FFE];
	[sflag:s23] =	ssyncadd.s32 $0xFFFFFFFF  }
0xa5: {  	s26 =	simm.s32 $execute0_lowered;
	[smem:$0x3FD2] =	sst s25  }
0xa6: {  	s4 =	sshll.u32 s26, $0x1;
	_ =	strace $0x8000005A;
	[dreg:$0x1] =	wrdreg $0xFFFFFFFF  }
0xa7: {  	s28 =	simm.s32 $_size_execute0_lowered;
	s2 =	sadd.s32 s2, s4;
	[dreg:$0x0] =	wrdreg $0x0  }
0xa8: {  	s4 =	sshll.u32 s28, $0x1;
	[dreg:$0x2] =	wrdreg s2  }
0xa9: {  	[dreg:$0x3] =	wrdreg s4  }
0xaa: {  	[dreg:$0x4] =	wrdreg $0xC0  }
0xab: {  	_ =	task [dreg:s6], $0x5FFFF  }
0xac: {  	[dreg:$0x1] =	wrdreg $0xFFFFFFFF  }
0xad: {  	[dreg:$0x0] =	wrdreg $0x60  }
0xae: {  	[dreg:$0x2] =	wrdreg s24  }
0xaf: {  	[dreg:$0x3] =	wrdreg $0x51000  }
0xb0: {  	[dreg:$0x4] =	wrdreg $0x10D000  }
0xb1: {  	[dreg:$0x5] =	wrdreg $0x9  }
0xb2: {  	_ =	task.clear_ibuf [dreg:s6], $0x6FFFF;
	_ =	strace $0x9000005A  }
0xb3: {  	s29 =	simm.s32 $0x9;
	_ =	strace $0x8000005C  }
0xb4: {  	_ =	swait.ge [sflag:s29], $0x1  }
0xb5: {  	[sflag:s29] =	ssyncadd.s32 $0xFFFFFFFF  }
0xb6: {  	_ =	strace $0x9000005C  }
0xb7: {  	_ =	sfence  }
0xb8: {  	s30 =	sld [smem:$0x0];
	_ =	sdelay $0x2  }
0xb9: {  	s31 =	sshll.u32 s1, $0xD;
	s1 =	sshrl.u32 s1, $0x2  }
0xba: {  	s3 =	sand.u32 $0x4000, s31;
	s1 =	sadd.s32 s1, s30  }
0xbb: {  	s0 =	sor.u32 s3, s0;
	s1 =	sshll.u32 s1, $0x11  }
0xbc: {  	s0 =	sor.u32 s1, s0  }
0xbd: {  	s0 =	sadd.s32 $0x8F2B, s0  }
0xbe: {  	[sflag:s0] =	ssyncadd.remote.s32 $0x1  }
0xbf: {  	_ =	sfence.sel $0xFFFF  }
0xc0: {  	[dreg:$0x0] =	wrdreg $0xFFFFFFFF;
	(pc) =	sbr.abs _section_cstart, $3  }
0xc1: {  	[dreg:$0x1] =	wrdreg $0xFFFFFFFF  }
0xc2: {  	_ =	task.clear_ibuf [dreg:s6], $0x2FFFF;
	_ =	strace $0x9FFFFFFF  }
0xc3: {  	(tm) =	ssettm $0x7FFFFFFF  }
tec
execute0_lowered:
.L_overlay_start_1:
0x0: {  	(tag) =	ssettag $0x1  }
0x1: {  	s0 =	rddreg [dreg:$0x0]  }
0x2: {  	s1 =	rddreg [dreg:$0x1]  }
0x3: {  	s2 =	rddreg [dreg:$0x2];
	s4 =	simm.s32 $0x0;
	s3 =	srdreg.scid  }
0x4: {  	s15 =	stileid.u32;
	s28 =	simm.s32 $0x1;
	s29 =	simm.s32 $0x3  }
0x5: {  	s30 =	simm.s32 $0x5;
	s31 =	simm.s32 $0x28;
	[smem:$0x7FF] =	sst s4  }
0x6: {  	s3 =	sand.u32 $0x1, s3;
	s6 =	smul.u32 $0xBC00, s15;
	s8 =	sadd.s32 $0xF42000, s0  }
0x7: {  	s9 =	sadd.s32 $0x1424000, s0;
	s10 =	sadd.s32 $0x3200, s0;
	s23 =	smul.u32 $0x9C4, s15  }
0x8: {  	s5 =	sadd.s32 $0xD000, s0;
	s11 =	sshll.u32 s15, $0x1;
	s7 =	smul.u32 $0xBC000, s3  }
0x9: {  	s26 =	sshll.u32 s15, $0x6;
	s11 =	sor.u32 s3, s11;
	s21 =	smul.u32 $0x27100, s3  }
0xa: {  	_ =	strace $0x8000005B;
	s12 =	ssub.s32 $0x2, s3;
	s14 =	smul.u32 $0x4E2, s11  }
0xb: {  	s13 =	sshrl.u32 s12, $0x1;
	s24 =	smul.u32 $0x27100, s11;
	s25 =	sadd.s32 s6, s1  }
0xc: {  	s11 =	smul.u32 $0x2710, s11;
	s7 =	sadd.s32 s6, s7;
	s12 =	ssub.s32 s12, s13  }
0xd: {  	[dreg:$0x4] =	wrdreg s25;
	s6 =	sadd.s32 s6, s2;
	s7 =	sshrl.u32 s7, $0x3  }
0xe: {  	[dreg:$0x5] =	wrdreg s6;
	s16 =	sadd.s32 s10, s14;
	s17 =	sadd.s32 s8, s24  }
0xf: {  	s18 =	sadd.s32 s9, s24;
	s19 =	sadd.s32 $0x28, s11;
	s24 =	smul.u32 $0x4E2, s3  }
0x10: {  	s3 =	simm.s32 $0x4;
	s0 =	sadd.s32 s7, s0;
	[dreg:$0x6] =	wrdreg s16  }
0x11: {  	s7 =	sor.u32 $0x1C07, s26;
	[dreg:$0x7] =	wrdreg s17;
	s11 =	sshrl.u32 s19, $0x3  }
0x12: {  	[dreg:$0x8] =	wrdreg s18;
	s6 =	sshll.u32 s19, $0x4;
	s11 =	sadd.s32 s10, s11  }
0x13: {  	s18 =	smul.u32 $0x4E200, s15;
	s20 =	sadd.s32 s8, s6;
	[dreg:$0x9] =	wrdreg s11  }
0x14: {  	s17 =	smax.u32 s12, $0x1;
	s6 =	sadd.s32 s9, s6;
	[dreg:$0xa] =	wrdreg s20  }
0x15: {  	s22 =	sadd.s32 $0xE800, s0;
	s16 =	sadd.s32 $0x3D800, s0;
	[dreg:$0xb] =	wrdreg s6  }
0x16: {  	[dreg:$0xc] =	wrdreg s22;
	s25 =	sadd.s32 s18, s8;
	s26 =	sadd.s32 s18, s9  }
.Ltmp0:
0x17: {  	s6 =	sadd.s32 s23, s10;
	s22 =	simm.s32 $0x100;
	(pc) =	sbr.rel .LBB2_1-.Ltmp0, $4  }
0x18: {  	s23 =	simm.s32 $0x2900;
	s8 =	simm.s32 $0x0;
	s18 =	sadd.s32 s21, s25  }
0x19: {  	s19 =	sadd.s32 s21, s26;
	s0 =	sadd.s32 s24, s6;
	s21 =	simm.s32 $0x7  }
0x1a: {  	s24 =	simm.s32 $0x80;
	s25 =	simm.s32 $0x1500;
	s26 =	simm.s32 $0x3D00  }
0x1b: {  	s6 =	simm.s32 $0x6;
	s11 =	sadd.s32 $0xF, s0;
	s0 =	simm.s32 $0x2  }
.LBB2_4:
0x1c: {  	[bflag:$0x0] =	sbarrier.arrive $0xFFFF  }
0x1d: {  	s12 =	rddreg [dreg:$0xc]  }
0x1e: {  	[hbm:s12], [sflag:s7] =	dma.local [spmem:s9], $0x1780  }
0x1f: {  	s8 =	sadd.s32 $0x1, s8;
	_ =	swait.ge [sflag:s21], $0x1780  }
0x20: {  	p0 =	sne.s32 s8, s17;
	[sflag:s21] =	ssyncset.done $0x0  }
.Ltmp1:
0x21: {  	[sflag:s21] =	ssyncadd.s32 $0xFFFFE880;
	(pc) =	sbr.rel @!p0 .LBB2_5-.Ltmp1, $4  }
0x22: {  	[hbm:s16], [sflag:s7] =	dma.local [spmem:s10], $0x1780  }
0x23: {  	_ =	swait.ge [sflag:s21], $0x1780  }
0x24: {  	[sflag:s21] =	ssyncset.done $0x0  }
0x25: {  	[sflag:s21] =	ssyncadd.s32 $0xFFFFE880  }
.LBB2_1:
0x26: {  	s9 =	rddreg [dreg:$0x4]  }
0x27: {  	s9 =	sshrl.u32 s9, $0x3  }
0x28: {  	[spmem:s9], [sflag:s7] =	dma.local [hbm:s5], $0x1780  }
0x29: {  	_ =	swait.ge [sflag:s21], $0x1780  }
0x2a: {  	[sflag:s21] =	ssyncset.done $0x0;
	s10 =	rddreg [dreg:$0x5]  }
0x2b: {  	[sflag:s21] =	ssyncadd.s32 $0xFFFFE880;
	s10 =	sshrl.u32 s10, $0x3  }
0x2c: {  	[spmem:s10], [sflag:s7] =	dma.local [hbm:s5], $0x1780  }
0x2d: {  	_ =	swait.ge [sflag:s21], $0x1780  }
0x2e: {  	[sflag:s21] =	ssyncset.done $0x0  }
0x2f: {  	[sflag:s21] =	ssyncadd.s32 $0xFFFFE880  }
0x30: {  	[bflag:$0x0] =	sbarrier.arrive $0xFFFF  }
0x31: {  	s12 =	rddreg [dreg:$0x6]  }
0x32: {  	[tilespmem:s4], [sflag:$0x1] =	stream.linear.gather [hbm4b:s12+s4], $0x28, $0x38;
	[tilespmem:$0x1C900] =	vst v63  }
0x33: {  	s20 =	rddreg [dreg:$0x7]  }
0x34: {  	[tilespmem:s22], [sflag:$0x3] =	stream.linear.gather [hbm4b:s20+s4], $0x1400, $0x38;
	[tilespmem:$0x1C900] =	vst v63  }
0x35: {  	s13 =	rddreg [dreg:$0x8]  }
0x36: {  	[tilespmem:s23], [sflag:$0x5] =	stream.linear.gather [hbm4b:s13+s4], $0x1400, $0x38;
	[tilespmem:$0x1C900] =	vst v63  }
0x37: {  	s14 =	rddreg [dreg:$0x9]  }
0x38: {  	[tilespmem:s24], [sflag:$0x2] =	stream.linear.gather [hbm4b:s14+s4], $0x28, $0x38;
	[tilespmem:$0x1C900] =	vst v63  }
0x39: {  	s15 =	rddreg [dreg:$0xa]  }
0x3a: {  	[tilespmem:s25], [sflag:$0x4] =	stream.linear.gather [hbm4b:s15+s4], $0x1400, $0x38;
	[tilespmem:$0x1C900] =	vst v63  }
0x3b: {  	s20 =	rddreg [dreg:$0xb]  }
0x3c: {  	[tilespmem:s26], [sflag:$0x6] =	stream.linear.gather [hbm4b:s20+s4], $0x1400, $0x38;
	[tilespmem:$0x1C900] =	vst v63  }
0x3d: {  	s12 =	simm.s32 $0x0;
	s20 =	smov.u32 s11  }
.LBB2_2:
0x3e: {  	_ =	swait.ge [sflag:s28], $0x28  }
0x3f: {  	[sflag:s28] =	ssyncset.done $0x0  }
0x40: {  	[sflag:s28] =	ssyncadd.s32 $0xFFFFFFD8  }
0x41: {  	_ =	swait.ge [sflag:s29], $0x1400  }
0x42: {  	[sflag:s29] =	ssyncset.done $0x0  }
0x43: {  	[sflag:s29] =	ssyncadd.s32 $0xFFFFEC00  }
0x44: {  	_ =	swait.ge [sflag:s30], $0x1400  }
0x45: {  	[sflag:s30] =	ssyncset.done $0x0  }
0x46: {  	[sflag:s30] =	ssyncadd.s32 $0xFFFFEC00  }
0x47: {  	[spmem:s1] =	stream.indirect.scatter.add.f32 [tilespmem:s22], [sflag:$0x7], $0x80, s4, s31, $0xb8;
	[tilespmem:$0x1C900] =	vst v63  }
0x48: {  	_ =	swait.ge [sflag:s21], $0x1400  }
0x49: {  	[sflag:s21] =	ssyncset.done $0x0  }
0x4a: {  	[sflag:s21] =	ssyncadd.s32 $0xFFFFEC00  }
0x4b: {  	[spmem:s2] =	stream.indirect.scatter.add.f32 [tilespmem:s23], [sflag:$0x7], $0x80, s4, s31, $0xb8;
	[tilespmem:$0x1C900] =	vst v63  }
0x4c: {  	_ =	swait.ge [sflag:s21], $0x1400  }
0x4d: {  	p0 =	seq.s32 s12, $0x26C00;
	[sflag:s21] =	ssyncset.done $0x0  }
0x4e: {  	s13 =	sadd.s32 @!p0 $0xFFFFFFFB, s20;
	s14 =	simm.s32 @!p0 $0x0;
	[sflag:s21] =	ssyncadd.s32 $0xFFFFEC00  }
0x4f: {  	[tilespmem:s14], [sflag:$0x1] =	stream.linear.gather @!p0 [hbm4b:s13+s14], $0x28, $0x38;
	[tilespmem:$0x1C900] =	vst v63  }
0x50: {  	s13 =	sadd.s32 @!p0 s12, s18  }
0x51: {  	s15 =	simm.s32 @!p0 $0x100;
	s13 =	sadd.s32 @!p0 $0x500, s13  }
0x52: {  	[tilespmem:s15], [sflag:$0x3] =	stream.linear.gather @!p0 [hbm4b:s13+s14], $0x1400, $0x38;
	[tilespmem:$0x1C900] =	vst v63  }
0x53: {  	s13 =	sadd.s32 @!p0 s12, s19  }
0x54: {  	s15 =	simm.s32 @!p0 $0x2900;
	s13 =	sadd.s32 @!p0 $0x500, s13  }
0x55: {  	[tilespmem:s15], [sflag:$0x5] =	stream.linear.gather @!p0 [hbm4b:s13+s14], $0x1400, $0x38;
	[tilespmem:$0x1C900] =	vst v63  }
0x56: {  	_ =	swait.ge [sflag:s0], $0x28  }
0x57: {  	[sflag:s0] =	ssyncset.done $0x0  }
0x58: {  	[sflag:s0] =	ssyncadd.s32 $0xFFFFFFD8  }
0x59: {  	_ =	swait.ge [sflag:s3], $0x1400  }
0x5a: {  	[sflag:s3] =	ssyncset.done $0x0  }
0x5b: {  	[sflag:s3] =	ssyncadd.s32 $0xFFFFEC00  }
0x5c: {  	_ =	swait.ge [sflag:s6], $0x1400  }
0x5d: {  	[sflag:s6] =	ssyncset.done $0x0  }
0x5e: {  	[sflag:s6] =	ssyncadd.s32 $0xFFFFEC00  }
0x5f: {  	[spmem:s1] =	stream.indirect.scatter.add.f32 [tilespmem:s25], [sflag:$0x7], $0x80, s24, s31, $0xb8;
	[tilespmem:$0x1C900] =	vst v63  }
0x60: {  	_ =	swait.ge [sflag:s21], $0x1400  }
0x61: {  	[sflag:s21] =	ssyncset.done $0x0  }
.Ltmp2:
0x62: {  	[sflag:s21] =	ssyncadd.s32 $0xFFFFEC00;
	(pc) =	sbr.rel @p0 .LBB2_4-.Ltmp2, $4  }
0x63: {  	[spmem:s2] =	stream.indirect.scatter.add.f32 [tilespmem:s26], [sflag:$0x7], $0x80, s24, s31, $0xb8;
	[tilespmem:$0x1C900] =	vst v63  }
0x64: {  	_ =	swait.ge [sflag:s21], $0x1400  }
0x65: {  	[sflag:s21] =	ssyncset.done $0x0  }
0x66: {  	[sflag:s21] =	ssyncadd.s32 $0xFFFFEC00  }
0x67: {  	[tilespmem:s24], [sflag:$0x2] =	stream.linear.gather [hbm4b:s20+s4], $0x28, $0x38;
	[tilespmem:$0x1C900] =	vst v63  }
.Ltmp3:
0x68: {  	s13 =	sadd.s32 s12, s18;
	(pc) =	sbr.rel .LBB2_2-.Ltmp3, $4  }
0x69: {  	s15 =	sadd.s32 s12, s19;
	s13 =	sadd.s32 $0x780, s13  }
0x6a: {  	[tilespmem:s25], [sflag:$0x4] =	stream.linear.gather [hbm4b:s13+s4], $0x1400, $0x38;
	[tilespmem:$0x1C900] =	vst v63  }
0x6b: {  	s12 =	sadd.s32 $0x500, s12;
	s20 =	sadd.s32 $0xA, s20;
	s13 =	sadd.s32 $0x780, s15  }
0x6c: {  	[tilespmem:s26], [sflag:$0x6] =	stream.linear.gather [hbm4b:s13+s4], $0x1400, $0x38;
	[tilespmem:$0x1C900] =	vst v63  }
.LBB2_5:
0x6d: {  	_ =	sfence.sel $0x180000  }
0x6e: {  	[bflag:$0x0] =	sbarrier.arrive $0xFFFF  }
0x6f: {  	_ =	strace $0x9000005B  }
0x70: {  	s0 =	stileid.u32;
	[bflag:$0x2] =	sbarrier.arrive $0xFFFF  }
0x71: {  	p0 =	sne.s32 s0, $0x0;
	s0 =	rddreg [dreg:$0x3]  }
0x72: {  	s0 =	sadd.s32 @!p0 $0x100000, s0  }
0x73: {  	[sflag:s0] =	ssyncadd.tile.s32 @!p0 $0x1;
	_ =	shalt  }
.Lfunc_end2:
_tile_overlayer_lowered:
.L_overlay_start_2:
0x74: {  	(tag) =	ssettag $0x2  }
0x75: {  	s0 =	rddreg [dreg:$0x0];
	s2 =	stileid.u32  }
0x76: {  	s1 =	rddreg [dreg:$0x1];
	p0 =	sne.s32 s2, $0x0  }
0x77: {  	s3 =	rddreg [dreg:$0x2];
	[bflag:$0x3] =	sbarrier.arrive $0xFFFF;
	s2 =	simm.s32 @!p0 $0x1C07  }
0x78: {  	[timem:s3], [sflag:s2] =	dma.local @!p0 [hbm:s0], s1  }
0x79: {  	s0 =	simm.s32 @!p0 $0x7  }
0x7a: {  	_ =	swait.ge @!p0 [sflag:s0], s1  }
0x7b: {  	s1 =	ssub.s32 @!p0 $0x0, s1;
	[sflag:s0] =	ssyncset.done @!p0 $0x0  }
0x7c: {  	[sflag:s0] =	ssyncadd.s32 @!p0 s1  }
0x7d: {  	[bflag:$0x3] =	sbarrier.arrive $0xFFFF  }
0x7e: {  	_ =	shalt  }

// kernel: kernel.8.cloned.1.call-start
scs
__scs_entry_jumppad:
0x0: {  	(pc) =	sbr.rel $0x88, $3  }
0x1: {  	(tag) =	ssettag $0x0;
	lr =	simm.s32 $0x1  }
0x2: {  	[smem:$0x3F90] =	sst lr;
	_ =	strace $0xD0000000  }
0x3: {  	_ = 	snop  }
0x4: {  	_ = 	snop  }
0x5: {  	_ = 	snop  }
0x6: {  	_ = 	snop  }
0x7: {  	_ = 	snop  }
__scs_overlays_trampoline_lowered:
0x8: {  	[smem:$0x3F9F] =	sst s0  }
0x9: {  	[smem:$0x3FA0] =	sst s1  }
0xa: {  	[smem:$0x3FA1] =	sst s2  }
0xb: {  	[smem:$0x3FA2] =	sst s3  }
0xc: {  	[smem:$0x3FA3] =	sst s4  }
0xd: {  	[smem:$0x3FA4] =	sst s5  }
0xe: {  	[smem:$0x3FA5] =	sst s6  }
0xf: {  	[smem:$0x3FA6] =	sst s7  }
0x10: {  	[smem:$0x3FA7] =	sst s8  }
0x11: {  	[smem:$0x3FA8] =	sst s9;
	s0 =	simm.s32 @!p0 $0x0  }
0x12: {  	s1 =	sld [smem:$0x3F8E];
	s0 =	simm.s32 @p0 $0x1  }
0x13: {  	[smem:$0x3FA9] =	sst s0;
	s0 =	simm.s32 @!p1 $0x0  }
0x14: {  	s2 =	sld [smem:$0x3F8D];
	s0 =	simm.s32 @p1 $0x1  }
0x15: {  	[smem:$0x3FAA] =	sst s0;
	s0 =	simm.s32 @!p2 $0x0  }
0x16: {  	s3 =	sld [smem:$0x3FDB];
	s0 =	simm.s32 @p2 $0x1  }
0x17: {  	s4 =	simm.s32 $0x1BF5;
	[smem:$0x3FAC] =	sst s0  }
0x18: {  	s0 =	sld [smem:$0x3F8F];
	_ =	swait.ge [sflag:s4], $0x0  }
0x19: {  	s7 =	sld [smem:$0x3F90]  }
0x1a: {  	s8 =	sadd.s32 $0xFFFFE003, lr  }
0x1b: {  	s9 =	sadd.s32 $0xFFFFFEF7, lr;
	s5 =	simm.s32 $0xFFFFFFFF;
	p2 =	slt.u32 s8, $0xFFFFF086  }
0x1c: {  	p1 =	slt.u32 s9, $0xF7A;
	s5 =	simm.s32 @!p2 $0x0  }
0x1d: {  	s5 =	simm.s32 @p1 $0x1;
	p0 =	seq.s32 s7, s2  }
0x1e: {  	s7 =	smul.u32 @!p0 $0xF7A, s2;
	p2 =	seq.s32 @!p0 s5, $0x0  }
0x1f: {  	s9 =	smul.u32 $0xF7A, s1;
	s8 =	simm.s32 @!p0 $0x1BF5;
	p2 =	por !p2, p0  }
0x20: {  	[sflag:s8] =	ssyncset.s32 @!p0 $0xFFFFF086;
	s6 =	sadd.s32 @!p0 s3, s7;
	s7 =	simm.s32 @!p0 $0x108  }
0x21: {  	s3 =	sadd.s32 s3, s9;
	s6 =	sadd.s32 @!p0 $0x88, s6;
	s7 =	simm.s32 @p2 $0x1082  }
0x22: {  	[simem:s7], [sflag:s8] =	dma.local @!p0 [hbm:s6], $0xF7A  }
0x23: {  	s9 =	sor.u32 $0xD0000000, s2;
	s6 =	simm.s32 $0x108;
	_ =	swait.ge @!p0 [sflag:s8], $0x0  }
0x24: {  	s3 =	sadd.s32 $0x88, s3;
	s6 =	simm.s32 @!p1 $0x1082;
	[sflag:s4] =	ssyncset.s32 $0xFFFFF086  }
0x25: {  	[simem:s6], [sflag:s4] =	dma.local [hbm:s3], $0xF7A  }
0x26: {  	[smem:$0x3F90] =	sst s1;
	(tag) =	ssettag s2;
	_ =	strace s9  }
0x27: {  	s1 =	sld [smem:$0x3FA0]  }
0x28: {  	s2 =	sld [smem:$0x3FA1]  }
0x29: {  	s4 =	sld [smem:$0x3FA3]  }
0x2a: {  	p0 =	seq.s32 s5, $0x0;
	s5 =	sld [smem:$0x3FA4]  }
0x2b: {  	s6 =	sld [smem:$0x3FA5]  }
0x2c: {  	s7 =	sld [smem:$0x3FA6]  }
0x2d: {  	s3 =	simm.s32 $0x108;
	s8 =	sld [smem:$0x3FA7]  }
0x2e: {  	s3 =	simm.s32 @!p0 $0x1082;
	s9 =	sld [smem:$0x3FA8]  }
0x2f: {  	lr =	sadd.s32 s0, s3;
	s0 =	sld [smem:$0x3F9F]  }
0x30: {  	s3 =	sld [smem:$0x3FA2]  }
0x31: {  	[smem:$0x3FAB] =	sst s10  }
0x32: {  	s10 =	sld [smem:$0x3FA9];
	_ =	sdelay $0x3  }
0x33: {  	p0 =	seq.s32 s10, $0x1;
	s10 =	sld [smem:$0x3FAB];
	_ =	sdelay $0x3  }
0x34: {  	[smem:$0x3FAB] =	sst s10  }
0x35: {  	s10 =	sld [smem:$0x3FAA];
	_ =	sdelay $0x3  }
0x36: {  	p1 =	seq.s32 s10, $0x1;
	s10 =	sld [smem:$0x3FAB];
	_ =	sdelay $0x3  }
0x37: {  	[smem:$0x3FAB] =	sst s10  }
0x38: {  	s10 =	sld [smem:$0x3FAC]  }
0x39: {  	_ = 	snop;
	(pc) =	sbr.ind lr, $3  }
0x3a: {  	_ = 	snop  }
0x3b: {  	_ = 	snop  }
0x3c: {  	p2 =	seq.s32 s10, $0x1;
	s10 =	sld [smem:$0x3FAB]  }
0x3d: {  	_ =	shalt  }
0x3e: {  	_ =	shalt  }
0x3f: {  	_ =	shalt  }
0x40: {  	_ =	shalt  }
0x41: {  	_ =	shalt  }
0x42: {  	_ =	shalt  }
0x43: {  	_ =	shalt  }
0x44: {  	_ =	shalt  }
0x45: {  	_ =	shalt  }
0x46: {  	_ =	shalt  }
0x47: {  	_ =	shalt  }
0x48: {  	_ =	shalt  }
0x49: {  	_ =	shalt  }
0x4a: {  	_ =	shalt  }
0x4b: {  	_ =	shalt  }
0x4c: {  	_ =	shalt  }
0x4d: {  	_ =	shalt  }
0x4e: {  	_ =	shalt  }
0x4f: {  	_ =	shalt  }
0x50: {  	_ =	shalt  }
0x51: {  	_ =	shalt  }
0x52: {  	_ =	shalt  }
0x53: {  	_ =	shalt  }
0x54: {  	_ =	shalt  }
0x55: {  	_ =	shalt  }
0x56: {  	_ =	shalt  }
0x57: {  	_ =	shalt  }
0x58: {  	_ =	shalt  }
0x59: {  	_ =	shalt  }
0x5a: {  	_ =	shalt  }
0x5b: {  	_ =	shalt  }
0x5c: {  	_ =	shalt  }
0x5d: {  	_ =	shalt  }
0x5e: {  	_ =	shalt  }
0x5f: {  	_ =	shalt  }
0x60: {  	_ =	shalt  }
0x61: {  	_ =	shalt  }
0x62: {  	_ =	shalt  }
0x63: {  	_ =	shalt  }
0x64: {  	_ =	shalt  }
0x65: {  	_ =	shalt  }
0x66: {  	_ =	shalt  }
0x67: {  	_ =	shalt  }
0x68: {  	_ =	shalt  }
0x69: {  	_ =	shalt  }
0x6a: {  	_ =	shalt  }
0x6b: {  	_ =	shalt  }
0x6c: {  	_ =	shalt  }
0x6d: {  	_ =	shalt  }
0x6e: {  	_ =	shalt  }
0x6f: {  	_ =	shalt  }
0x70: {  	_ =	shalt  }
0x71: {  	_ =	shalt  }
0x72: {  	_ =	shalt  }
0x73: {  	_ =	shalt  }
0x74: {  	_ =	shalt  }
0x75: {  	_ =	shalt  }
0x76: {  	_ =	shalt  }
0x77: {  	_ =	shalt  }
0x78: {  	_ =	shalt  }
0x79: {  	_ =	shalt  }
0x7a: {  	_ =	shalt  }
0x7b: {  	_ =	shalt  }
0x7c: {  	_ =	shalt  }
0x7d: {  	_ =	shalt  }
0x7e: {  	_ =	shalt  }
0x7f: {  	_ =	shalt  }
0x80: {  	_ =	shalt  }
0x81: {  	_ =	shalt  }
0x82: {  	_ =	shalt  }
0x83: {  	_ =	shalt  }
0x84: {  	_ =	shalt  }
0x85: {  	_ =	shalt  }
0x86: {  	_ =	shalt  }
0x87: {  	_ =	shalt  }
.Lfunc_end0:
.L_simem_size_0:
called_computation_lowered:
.L_overlay_start_0:
0x88: {  	s2 =	sld [smem:$0x3FD9]  }
0x89: {  	s3 =	sld [smem:$0x3FFE];
	_ =	sdelay $0x1  }
0x8a: {  	s1 =	srdreg.scid  }
0x8b: {  	s0 =	sand.u32 $0x1, s1  }
0x8c: {  	s16 =	sshll.u32 s0, $0xA;
	s2 =	sadd.s32 s3, s2  }
0x8d: {  	s2 =	sadd.s32 s2, s16  }
0x8e: {  	[smem:$0x3FB7] =	sst s2  }
0x8f: {  	_ = 	snop  }
0x90: {  	(tm) =	ssettm $0x1  }
0x91: {  	s17 =	sld [smem:$0x3FFB];
	_ =	sdelay $0x3  }
0x92: {  	_ =	strace s17  }
0x93: {  	s2 =	sld [smem:$0x3FFC];
	_ =	sdelay $0x3  }
0x94: {  	_ =	strace s2  }
0x95: {  	s2 =	sld [smem:$0x3FFD];
	_ =	sdelay $0x3  }
0x96: {  	_ =	strace s2  }
0x97: {  	_ =	strace $0x8FFFFFFF  }
0x98: {  	s18 =	sld [smem:$0x3FDB];
	_ =	sdelay $0x1  }
0x99: {  	s19 =	simm.s32 $_scs_section_size  }
0x9a: {  	s4 =	simm.s32 $_size__tile_overlayer_lowered;
	s5 =	simm.s32 $_tile_overlayer_lowered  }
0x9b: {  	s22 =	simm.s32 $0x1BFF;
	s21 =	sshll.u32 s5, $0x1;
	s2 =	sadd.s32 s19, s18  }
0x9c: {  	s6 =	simm.s32 $0x0;
	s20 =	sshll.u32 s4, $0x1;
	s4 =	sadd.s32 s21, s2  }
0x9d: {  	[timem:s6], [sflag:s22] =	dma.local [hbm:s4], s20  }
0x9e: {  	_ =	swait.ge [sflag:s22], s20  }
0x9f: {  	s3 =	ssub.s32 $0x0, s20;
	[sflag:s22] =	ssyncset.done $0x0  }
0xa0: {  	[sflag:s22] =	ssyncadd.s32 s3;
	_ =	sdelay $0x1  }
0xa1: {  	s23 =	simm.s32 $0x1B8B  }
0xa2: {  	_ =	swait.ge [sflag:s23], $0x1  }
0xa3: {  	[sflag:s23] =	ssyncset.done $0x0  }
0xa4: {  	s25 =	simm.s32 $0x1B8E;
	s24 =	sld [smem:$0x3FFE];
	[sflag:s23] =	ssyncadd.s32 $0xFFFFFFFF  }
0xa5: {  	s26 =	simm.s32 $execute0_lowered;
	[smem:$0x3FD2] =	sst s25  }
0xa6: {  	s4 =	sshll.u32 s26, $0x1;
	_ =	strace $0x80000046;
	[dreg:$0x1] =	wrdreg $0xFFFFFFFF  }
0xa7: {  	s28 =	simm.s32 $_size_execute0_lowered;
	s2 =	sadd.s32 s2, s4;
	[dreg:$0x0] =	wrdreg $0x0  }
0xa8: {  	s4 =	sshll.u32 s28, $0x1;
	[dreg:$0x2] =	wrdreg s2  }
0xa9: {  	[dreg:$0x3] =	wrdreg s4  }
0xaa: {  	[dreg:$0x4] =	wrdreg $0xC0  }
0xab: {  	_ =	task [dreg:s6], $0x5FFFF  }
0xac: {  	[dreg:$0x1] =	wrdreg $0xFFFFFFFF  }
0xad: {  	[dreg:$0x0] =	wrdreg $0x60  }
0xae: {  	[dreg:$0x2] =	wrdreg s24  }
0xaf: {  	[dreg:$0x3] =	wrdreg $0x9  }
0xb0: {  	_ =	task.clear_ibuf [dreg:s6], $0x4FFFF;
	_ =	strace $0x90000046  }
0xb1: {  	s29 =	simm.s32 $0x9;
	_ =	strace $0x8000004F  }
0xb2: {  	_ =	swait.ge [sflag:s29], $0x1  }
0xb3: {  	[sflag:s29] =	ssyncadd.s32 $0xFFFFFFFF  }
0xb4: {  	_ =	strace $0x9000004F  }
0xb5: {  	_ =	sfence  }
0xb6: {  	s30 =	sld [smem:$0x0];
	_ =	sdelay $0x2  }
0xb7: {  	s31 =	sshll.u32 s1, $0xD;
	s1 =	sshrl.u32 s1, $0x2  }
0xb8: {  	s3 =	sand.u32 $0x4000, s31;
	s1 =	sadd.s32 s1, s30  }
0xb9: {  	s0 =	sor.u32 s3, s0;
	s1 =	sshll.u32 s1, $0x11  }
0xba: {  	s0 =	sor.u32 s1, s0  }
0xbb: {  	s0 =	sadd.s32 $0x8F2B, s0  }
0xbc: {  	[sflag:s0] =	ssyncadd.remote.s32 $0x1  }
0xbd: {  	_ =	sfence.sel $0xFFFF  }
0xbe: {  	[dreg:$0x0] =	wrdreg $0xFFFFFFFF;
	(pc) =	sbr.abs _section_cstart, $3  }
0xbf: {  	[dreg:$0x1] =	wrdreg $0xFFFFFFFF  }
0xc0: {  	_ =	task.clear_ibuf [dreg:s6], $0x2FFFF;
	_ =	strace $0x9FFFFFFF  }
0xc1: {  	(tm) =	ssettm $0x7FFFFFFF  }
tec
execute0_lowered:
.L_overlay_start_1:
0x0: {  	(tag) =	ssettag $0x1  }
0x1: {  	s0 =	srdreg.scid;
	s5 =	rddreg [dreg:$0x0]  }
0x2: {  	s1 =	stileid.u32;
	s2 =	simm.s32 $0x0;
	s4 =	sand.u32 $0x1, s0  }
0x3: {  	s31 =	simm.s32 $0x50;
	s0 =	rddreg [dreg:$0x1];
	s3 =	sshll.u32 s4, $0x4  }
0x4: {  	s9 =	simm.s32 $0x0;
	[smem:$0x7FF] =	sst s2;
	s6 =	sor.u32 s1, s3  }
0x5: {  	s28 =	sadd.s32 $0x26C00, s5;
	_ =	strace $0x80000047;
	s7 =	smul.u32 $0x3E80, s6  }
0x6: {  	[dreg:$0x2] =	wrdreg s28;
	s4 =	ssub.s32 $0x2, s4;
	s8 =	smul.u32 $0x280, s6  }
0x7: {  	[dreg:$0x3] =	wrdreg s31;
	s3 =	sadd.s32 $0x17200, s5;
	s5 =	sadd.s32 $0x8C600, s5  }
0x8: {  	s29 =	sshrl.u32 s4, $0x1;
	s7 =	sand.u32 $0x7FC00, s7;
	s8 =	sand.u32 $0x380, s8  }
0x9: {  	[dreg:$0x4] =	wrdreg s5;
	s30 =	ssub.s32 s4, s29;
	s7 =	sor.u32 s8, s7  }
0xa: {  	s4 =	smul.u32 $0x7D, s6;
	s6 =	smax.u32 s30, $0x1;
	s7 =	sshrl.u32 s7, $0x3  }
0xb: {  	s8 =	simm.s32 $0x5;
	s5 =	sadd.s32 s3, s7;
	s7 =	simm.s32 $0x1  }
.LBB2_1:
0xc: {  	_ =	strace $0x80000048;
	s12 =	simm.s32 $0x1;
	p0 =	por $0x0, $0x0  }
0xd: {  	[tilespmem:s2], [sflag:$0x1] =	stream.linear.gather [hbm4b:s5+s2], $0x80, $0x200038;
	[tilespmem:$0x5100] =	vst v63  }
0xe: {  	p4 =	por $0x1, $0x1;
	s12 =	simm.s32 @p0 $0x0  }
0xf: {  	s19 =	sand.u32 $0x1, s2;
	s17 =	sadd.s32 $0x0, s4;
	p1 =	sne.s32 s12, $0x0  }
0x10: {  	s16 =	simm.s32 $0x7B;
	s22 =	simm.s32 $0x0;
	p0 =	por !p4, !p1  }
0x11: {  	p3 =	por $0x1, $0x1;
	p6 =	por $0x0, $0x0;
	p0 =	por !p0, !p0  }
0x12: {  	p5 =	por $0x0, $0x0;
	s15 =	smul.u32 $0xA000, s19;
	s10 =	sadd.s32 @p0 s4, s12  }
0x13: {  	_ =	strace $0x90000048;
	s11 =	sand.u32 @p0 $0x1, s7;
	s10 =	sshll.u32 @p0 s10, $0x4  }
0x14: {  	_ =	strace @p0 $0x80000049;
	s14 =	simm.s32 @p0 $0x0;
	s10 =	sand.u32 @p0 $0x1FFFFFF0, s10  }
0x15: {  	s13 =	sshll.u32 @p0 s11, $0x7;
	s11 =	sadd.s32 @p0 $0x1, s11;
	s10 =	sadd.s32 @p0 s3, s10  }
0x16: {  	[tilespmem:s13], [sflag:s11] =	stream.linear.gather @p0 [hbm4b:s10+s14], $0x80, $0x200038;
	[tilespmem:$0x5100] =	vst v63  }
0x17: {  	s30 =	sadd.s32 $0x1, s19;
	s31 =	sand.u32 $0x80, s22;
	_ =	strace @p0 $0x90000049  }
0x18: {  	p1 =	por p1, p1;
	s15 =	sshrl.u32 s15, $0x2;
	_ =	strace $0x8000004A  }
0x19: {  	s24 =	sor.u32 $0x100, s15;
	p5 =	por p5, p1;
	_ =	swait.ge [sflag:s30], $0x80  }
0x1a: {  	s15 =	simm.s32 $0x0;
	s10 =	simm.s32 $0x7C;
	[sflag:s30] =	ssyncset.done $0x0  }
0x1b: {  	s13 =	simm.s32 $0x1;
	s11 =	sadd.s32 s4, s12;
	[sflag:s30] =	ssyncadd.s32 $0xFFFFFF80  }
0x1c: {  	s14 =	sadd.s32 $0x1, s12;
	s13 =	simm.s32 @!p0 $0x0;
	_ =	strace $0x9000004A  }
0x1d: {  	p0 =	por $0x1, $0x1;
	p2 =	seq.s32 s14, $0x7D;
	_ =	strace $0x8000004B  }
0x1e: {  	s13 =	sadd.s32 $0x1, s13;
	s20 =	sand.u32 @!p0 $0x1, s2;
	s18 =	rddreg [dreg:$0x2]  }
0x1f: {  	s14 =	simm.s32 @p2 $0x0;
	p0 =	por p0, p0;
	s21 =	rddreg [dreg:$0x3]  }
0x20: {  	[tilespmem:s24], [sflag:$0x5] =	stream.indirect.gather [hbm4b:s18+s21], $0x80, s31, s21, $0x2000b8;
	[tilespmem:$0x5100] =	vst v63  }
0x21: {  	p2 =	sne.s32 s12, s14;
	s12 =	simm.s32 $0x0;
	_ =	swait.ge [sflag:s8], $0x2800  }
0x22: {  	p4 =	por !p3, !p2;
	s21 =	simm.s32 $0x1;
	[sflag:s8] =	ssyncset.done $0x0  }
0x23: {  	s18 =	simm.s32 $0x0;
	s21 =	simm.s32 @!p6 $0x0;
	[sflag:s8] =	ssyncadd.s32 $0xFFFFD800  }
.LBB2_2:
0x24: {  	_ =	strace $0x9000004B;
	s25 =	simm.s32 $0x1  }
0x25: {  	s22 =	smov.u32 s10;
	s10 =	smov.u32 s16;
	s16 =	sadd.s32 $0xFFFFFFFF, s16  }
0x26: {  	s23 =	smov.u32 s14;
	p1 =	por p2, p2;
	s17 =	smul.u32 @p5 $0x2800, s17  }
0x27: {  	s19 =	sadd.s32 @p5 $0x3, s19;
	p4 =	por !p4, !p4;
	s12 =	sadd.s32 s21, s12  }
0x28: {  	s25 =	simm.s32 @!p5 $0x0;
	_ =	strace @p5 $0x8000004C;
	p3 =	sne.s32 s16, $0x0  }
0x29: {  	p2 =	seq.s32 s22, $0x7D;
	s28 =	rddreg [dreg:$0x4];
	s30 =	sshrl.u32 @p5 s17, $0x3  }
0x2a: {  	s21 =	sand.u32 @p4 $0x1, s13;
	s28 =	sadd.s32 @p5 s28, s30;
	s30 =	simm.s32 @p5 $0x0  }
0x2b: {  	[hbm4b:s28+s30] =	stream.linear.scatter @p5 [tilespmem:s24], [sflag:s19], $0x2800, $0x200038;
	[tilespmem:$0x5100] =	vst v63  }
0x2c: {  	p6 =	sne.s32 s22, $0x7D;
	s15 =	sadd.s32 s25, s15;
	_ =	strace @p5 $0x9000004C  }
0x2d: {  	s18 =	sadd.s32 s25, s18;
	s19 =	sadd.s32 @!p0 $0x3, s20;
	_ =	strace @!p0 $0x8000004D  }
0x2e: {  	s17 =	smov.u32 s11;
	s11 =	sadd.s32 s4, s14;
	_ =	swait.ge @!p0 [sflag:s19], $0x2800  }
0x2f: {  	s26 =	sand.u32 $0x1, s15;
	s20 =	sadd.s32 @p4 s4, s14;
	[sflag:s19] =	ssyncset.done @!p0 $0x0  }
0x30: {  	s24 =	sshll.u32 @p4 s21, $0x7;
	s20 =	sshll.u32 @p4 s20, $0x4;
	[sflag:s19] =	ssyncadd.s32 @!p0 $0xFFFFD800  }
0x31: {  	s21 =	sadd.s32 @p4 $0x1, s21;
	s20 =	sand.u32 @p4 $0x1FFFFFF0, s20;
	_ =	strace @!p0 $0x9000004D  }
0x32: {  	s28 =	simm.s32 @p4 $0x0;
	s19 =	sadd.s32 @p4 s3, s20;
	_ =	strace @p4 $0x80000049  }
0x33: {  	[tilespmem:s24], [sflag:s21] =	stream.linear.gather @p4 [hbm4b:s19+s28], $0x80, $0x200038;
	[tilespmem:$0x5100] =	vst v63  }
0x34: {  	s29 =	sand.u32 $0x1, s18;
	s31 =	smul.u32 $0xA000, s26;
	_ =	strace @p4 $0x90000049  }
0x35: {  	s14 =	sadd.s32 $0x1, s14;
	s24 =	sadd.s32 $0x1, s29;
	_ =	strace $0x8000004A  }
0x36: {  	p5 =	sne.s32 s10, $0x1;
	s20 =	simm.s32 $0x1;
	_ =	swait.ge [sflag:s24], $0x80  }
0x37: {  	s30 =	sshrl.u32 s31, $0x2;
	s20 =	simm.s32 @!p4 $0x0;
	[sflag:s24] =	ssyncset.done $0x0  }
0x38: {  	p0 =	por p2, p2;
	s13 =	sadd.s32 s20, s13;
	[sflag:s24] =	ssyncadd.s32 $0xFFFFFF80  }
0x39: {  	s20 =	sand.u32 @!p2 $0x1, s12;
	p2 =	seq.s32 s14, $0x7D;
	_ =	strace $0x9000004A  }
0x3a: {  	s28 =	sshll.u32 s18, $0x7;
	s14 =	simm.s32 @p2 $0x0;
	_ =	strace $0x8000004B  }
0x3b: {  	s21 =	sand.u32 $0x80, s28;
	p2 =	sne.s32 s23, s14;
	s29 =	rddreg [dreg:$0x2]  }
.Ltmp0:
0x3c: {  	s24 =	sor.u32 $0x100, s30;
	s31 =	rddreg [dreg:$0x3];
	(pc) =	sbr.rel @p3 .LBB2_2-.Ltmp0, $4  }
0x3d: {  	[tilespmem:s24], [sflag:$0x5] =	stream.indirect.gather [hbm4b:s29+s31], $0x80, s21, s31, $0x2000b8;
	[tilespmem:$0x5100] =	vst v63  }
0x3e: {  	s19 =	smov.u32 s26;
	p4 =	por !p5, !p2;
	_ =	swait.ge [sflag:s8], $0x2800  }
0x3f: {  	p5 =	seq.s32 s22, $0x1;
	s21 =	simm.s32 $0x1;
	[sflag:s8] =	ssyncset.done $0x0  }
0x40: {  	p5 =	por p5, p1;
	s21 =	simm.s32 @!p6 $0x0;
	[sflag:s8] =	ssyncadd.s32 $0xFFFFD800  }
0x41: {  	_ =	strace $0x9000004B;
	s16 =	smul.u32 @p5 $0x2800, s17  }
0x42: {  	_ =	strace @p5 $0x8000004C  }
0x43: {  	s17 =	rddreg [dreg:$0x4];
	s16 =	sshrl.u32 @p5 s16, $0x3  }
0x44: {  	s19 =	sadd.s32 @p5 $0x3, s19;
	s16 =	sadd.s32 @p5 s17, s16;
	s17 =	simm.s32 @p5 $0x0  }
0x45: {  	[hbm4b:s16+s17] =	stream.linear.scatter @p5 [tilespmem:s24], [sflag:s19], $0x2800, $0x200038;
	[tilespmem:$0x5100] =	vst v63  }
0x46: {  	p1 =	por !p4, !p4;
	_ =	strace @p5 $0x9000004C  }
0x47: {  	s14 =	sadd.s32 @p1 s4, s14;
	s17 =	sadd.s32 @!p0 $0x3, s20;
	_ =	strace @!p0 $0x8000004D  }
0x48: {  	s13 =	sand.u32 @p1 $0x1, s13;
	s14 =	sshll.u32 @p1 s14, $0x4;
	_ =	swait.ge @!p0 [sflag:s17], $0x2800  }
0x49: {  	s14 =	sand.u32 @p1 $0x1FFFFFF0, s14;
	s16 =	simm.s32 $0x1;
	[sflag:s17] =	ssyncset.done @!p0 $0x0  }
0x4a: {  	s19 =	sshll.u32 @p1 s13, $0x7;
	s13 =	sadd.s32 @p1 $0x1, s13;
	[sflag:s17] =	ssyncadd.s32 @!p0 $0xFFFFD800  }
0x4b: {  	s14 =	sadd.s32 @p1 s3, s14;
	s16 =	simm.s32 @!p5 $0x0;
	_ =	strace @!p0 $0x9000004D  }
0x4c: {  	s18 =	sadd.s32 s16, s18;
	s17 =	simm.s32 @p1 $0x0;
	_ =	strace @p1 $0x80000049  }
0x4d: {  	[tilespmem:s19], [sflag:s13] =	stream.linear.gather @p1 [hbm4b:s14+s17], $0x80, $0x200038;
	[tilespmem:$0x5100] =	vst v63  }
0x4e: {  	s25 =	sand.u32 $0x1, s18;
	_ =	strace @p1 $0x90000049  }
0x4f: {  	s13 =	sadd.s32 $0x1, s25;
	_ =	strace $0x8000004A  }
0x50: {  	_ =	swait.ge [sflag:s13], $0x80  }
0x51: {  	s26 =	sadd.s32 s16, s15;
	[sflag:s13] =	ssyncset.done $0x0  }
0x52: {  	[sflag:s13] =	ssyncadd.s32 $0xFFFFFF80;
	s13 =	sand.u32 $0x1, s26  }
0x53: {  	_ =	strace $0x9000004A;
	s28 =	smul.u32 $0xA000, s13  }
0x54: {  	_ =	strace $0x8000004B  }
0x55: {  	s31 =	sshll.u32 s18, $0x7;
	s29 =	rddreg [dreg:$0x2];
	s14 =	sshrl.u32 s28, $0x2  }
0x56: {  	s17 =	sand.u32 $0x80, s31;
	s30 =	rddreg [dreg:$0x3];
	s14 =	sor.u32 $0x100, s14  }
0x57: {  	[tilespmem:s14], [sflag:$0x5] =	stream.indirect.gather [hbm4b:s29+s30], $0x80, s17, s30, $0x2000b8;
	[tilespmem:$0x5100] =	vst v63  }
0x58: {  	_ =	swait.ge [sflag:s8], $0x2800  }
0x59: {  	p6 =	seq.s32 s10, $0x1;
	p5 =	por p2, p2;
	[sflag:s8] =	ssyncset.done $0x0  }
0x5a: {  	p0 =	por p6, p5;
	[sflag:s8] =	ssyncadd.s32 $0xFFFFD800  }
0x5b: {  	s11 =	smul.u32 @p0 $0x2800, s11;
	_ =	strace $0x9000004B  }
0x5c: {  	s12 =	sadd.s32 s21, s12;
	_ =	strace @p0 $0x8000004C  }
0x5d: {  	p1 =	seq.s32 s10, $0x7D;
	s11 =	sshrl.u32 @p0 s11, $0x3;
	s15 =	rddreg [dreg:$0x4]  }
0x5e: {  	s13 =	sadd.s32 @p0 $0x3, s13;
	s11 =	sadd.s32 @p0 s15, s11;
	s15 =	simm.s32 @p0 $0x0  }
0x5f: {  	[hbm4b:s11+s15] =	stream.linear.scatter @p0 [tilespmem:s14], [sflag:s13], $0x2800, $0x200038;
	[tilespmem:$0x5100] =	vst v63  }
0x60: {  	s11 =	sand.u32 @!p1 $0x1, s12;
	p1 =	por p1, p1;
	_ =	strace @p0 $0x9000004C  }
0x61: {  	s11 =	sadd.s32 @!p1 $0x3, s11;
	_ =	strace @!p1 $0x8000004D  }
0x62: {  	p0 =	sne.s32 s10, $0x7D;
	s10 =	simm.s32 $0x1;
	_ =	swait.ge @!p1 [sflag:s11], $0x2800  }
0x63: {  	s10 =	simm.s32 @!p0 $0x0;
	[sflag:s11] =	ssyncset.done @!p1 $0x0  }
0x64: {  	s9 =	sadd.s32 $0x1, s9;
	s10 =	sadd.s32 s10, s12;
	[sflag:s11] =	ssyncadd.s32 @!p1 $0xFFFFD800  }
0x65: {  	p0 =	sne.s32 s9, s6;
	s10 =	sand.u32 $0x1, s10;
	_ =	strace @!p1 $0x9000004D  }
.Ltmp1:
0x66: {  	s10 =	sadd.s32 $0x3, s10;
	_ =	strace $0x8000004E;
	(pc) =	sbr.rel @p0 .LBB2_1-.Ltmp1, $4  }
0x67: {  	_ =	swait.ge [sflag:s10], $0x2800  }
0x68: {  	[sflag:s10] =	ssyncset.done $0x0  }
0x69: {  	[sflag:s10] =	ssyncadd.s32 $0xFFFFD800  }
0x6a: {  	_ =	strace $0x9000004E  }
0x6b: {  	_ =	sfence.sel $0x180000  }
0x6c: {  	[bflag:$0x0] =	sbarrier.arrive $0xFFFF  }
0x6d: {  	p0 =	sne.s32 s1, $0x0;
	_ =	strace $0x90000047  }
0x6e: {  	s0 =	sadd.s32 @!p0 $0x100000, s0;
	[bflag:$0x2] =	sbarrier.arrive $0xFFFF  }
0x6f: {  	[sflag:s0] =	ssyncadd.tile.s32 @!p0 $0x1;
	_ =	shalt  }
.Lfunc_end2:
_tile_overlayer_lowered:
.L_overlay_start_2:
0x70: {  	(tag) =	ssettag $0x2  }
0x71: {  	s0 =	rddreg [dreg:$0x0];
	s2 =	stileid.u32  }
0x72: {  	s1 =	rddreg [dreg:$0x1];
	p0 =	sne.s32 s2, $0x0  }
0x73: {  	s3 =	rddreg [dreg:$0x2];
	[bflag:$0x3] =	sbarrier.arrive $0xFFFF;
	s2 =	simm.s32 @!p0 $0x1C01  }
0x74: {  	[timem:s3], [sflag:s2] =	dma.local @!p0 [hbm:s0], s1  }
0x75: {  	s0 =	simm.s32 @!p0 $0x1  }
0x76: {  	_ =	swait.ge @!p0 [sflag:s0], s1  }
0x77: {  	s1 =	ssub.s32 @!p0 $0x0, s1;
	[sflag:s0] =	ssyncset.done @!p0 $0x0  }
0x78: {  	[sflag:s0] =	ssyncadd.s32 @!p0 s1  }
0x79: {  	[bflag:$0x3] =	sbarrier.arrive $0xFFFF  }
0x7a: {  	_ =	shalt  }

</sc_bundles>
